<compile_context>
chip_gen: v7x
topology: tpu7x:2x2x1
jax: 0.10.2.dev20260603
libtpu: 0.0.44.dev20260713+nightly
codegen_flags: <defaults>
</compile_context>

<pallas_src>
import numpy as np
import jax
import jax.numpy as jnp
from jax import lax
from jax.experimental import pallas as pl
from jax.experimental.pallas import tpu as pltpu
from jax.experimental.pallas import tpu_sc as plsc

_NUM_CLASSES = 80
_INPUT_SIZE = 608.0
_ANCHORS = np.array(
    [[10, 13], [16, 30], [33, 23], [30, 61], [62, 45], [59, 119],
     [116, 90], [156, 198], [373, 326]], dtype=np.float32)
_MASKS = [[6, 7, 8], [3, 4, 5], [0, 1, 2]]
_TOPK = 1000
_MAX_DET = 100
_IOU_TH = 0.5
_GRIDS = (19, 38, 76)
_GG = [g * g for g in _GRIDS]
_GGP = [384, 1536, 5888]
_STRUE = [0, 3 * 361, 3 * (361 + 1444)]
_N = 3 * sum(_GG)
_NPAD = 3 * sum(_GGP)
_C = 85
_B = 8
_KPAD = 1024
_NEG = -1e9
_NCHUNKS = 3
_CH = _NPAD // _NCHUNKS

_OFFS = []
_off = 0
for _s in range(3):
    for _a in range(3):
        _OFFS.append(_off)
        _off += _GGP[_s]


def _build_consts() -> np.ndarray:
    out = np.zeros((2, _NPAD), np.float32)
    k = 0
    for s, G in enumerate(_GRIDS):
        cell = np.arange(G * G)
        for a in range(3):
            off = _OFFS[k]
            k += 1
            out[0, off:off + G * G] = (cell % G).astype(np.float32)
            out[1, off:off + G * G] = (cell // G).astype(np.float32)
    return out.reshape(2, 1, _NPAD)


def _extract(arr, onehot):
    return jnp.sum(jnp.where(onehot, arr, 0.0))


def _decode_kernel(const_ref, x0_ref, x1_ref, x2_ref, data_ref, top1_ref,
                   conf_s, n_s):
    conf_s[...] = jnp.full((1, _NPAD), -1.0, jnp.float32)
    n_s[...] = jnp.full((1, _NPAD), 1 << 29, jnp.int32)

    k = 0
    for s, x_ref in enumerate((x0_ref, x1_ref, x2_ref)):
        G = _GRIDS[s]
        GG = _GG[s]
        xt = jnp.transpose(x_ref[0], (1, 0))
        for a in range(3):
            off = _OFFS[k]
            k += 1
            c0 = 85 * a
            aw = float(_ANCHORS[_MASKS[s][a]][0])
            ah = float(_ANCHORS[_MASKS[s][a]][1])

            obj = jax.nn.sigmoid(xt[c0 + 4:c0 + 5])
            clsb = jax.nn.sigmoid(xt[c0 + 5:c0 + 85])
            prod = clsb * obj
            confp = jnp.max(prod, axis=0, keepdims=True)
            riota = lax.broadcasted_iota(jnp.int32, prod.shape, 0)
            clsp = jnp.min(jnp.where(prod == confp, riota, 1000),
                           axis=0, keepdims=True).astype(jnp.float32)

            tx = jax.nn.sigmoid(xt[c0 + 0:c0 + 1])
            ty = jax.nn.sigmoid(xt[c0 + 1:c0 + 2])
            w = jnp.exp(jnp.clip(xt[c0 + 2:c0 + 3], -10.0, 10.0)) \
                * aw / _INPUT_SIZE
            h = jnp.exp(jnp.clip(xt[c0 + 3:c0 + 4], -10.0, 10.0)) \
                * ah / _INPUT_SIZE
            gxp = const_ref[0, :, pl.ds(off, GG)]
            gyp = const_ref[1, :, pl.ds(off, GG)]
            xc = (tx + gxp) / float(G)
            yc = (ty + gyp) / float(G)

            li = lax.broadcasted_iota(jnp.int32, (1, GG), 1)
            n_p = (_STRUE[s] + a) + 3 * li

            data_ref[0, 0, :, pl.ds(off, GG)] = xc - w * 0.5
            data_ref[0, 1, :, pl.ds(off, GG)] = yc - h * 0.5
            data_ref[0, 2, :, pl.ds(off, GG)] = xc + w * 0.5
            data_ref[0, 3, :, pl.ds(off, GG)] = yc + h * 0.5
            data_ref[0, 4, :, pl.ds(off, GG)] = clsp
            conf_s[:, pl.ds(off, GG)] = confp
            n_s[:, pl.ds(off, GG)] = n_p

    conf = conf_s[...]
    n = n_s[...]

    bits = jax.lax.bitcast_convert_type(conf, jnp.int32)

    def bs_body(_, carry):
        lo, hi = carry
        mid = (lo + hi) // 2
        cnt = jnp.sum((bits >= mid).astype(jnp.int32))
        return (jnp.where(cnt >= _TOPK, mid, lo),
                jnp.where(cnt >= _TOPK, hi, mid))

    lo, hi = jax.lax.fori_loop(
        0, 31, bs_body, (jnp.int32(0), jnp.int32(0x40000000)))
    vbits = lo
    cnt_gt = jnp.sum((bits > vbits).astype(jnp.int32))
    need = _TOPK - cnt_gt
    eq = bits == vbits

    def ts_body(_, carry):
        lo_t, hi_t = carry
        mid = (lo_t + hi_t) // 2
        cnt = jnp.sum((eq & (n <= mid)).astype(jnp.int32))
        return (jnp.where(cnt >= need, lo_t, mid),
                jnp.where(cnt >= need, mid, hi_t))

    _, t_idx = jax.lax.fori_loop(
        0, 16, ts_body, (jnp.int32(-1), jnp.int32(1 << 29)))
    active0 = (bits > vbits) | (eq & (n <= t_idx))
    data_ref[0, 5] = jnp.where(active0, conf, _NEG)

    maxall = jnp.max(conf)
    oh0 = (conf == maxall) & (n == jnp.min(jnp.where(conf == maxall, n,
                                                     1 << 29)))
    t1x1 = _extract(data_ref[0, 0], oh0)
    t1y1 = _extract(data_ref[0, 1], oh0)
    t1x2 = _extract(data_ref[0, 2], oh0)
    t1y2 = _extract(data_ref[0, 3], oh0)
    t1cl = _extract(data_ref[0, 4], oh0)
    lane = jax.lax.broadcasted_iota(jnp.int32, (1, 128), 1)
    t1row = jnp.where(lane == 0, t1x1,
            jnp.where(lane == 1, t1y1,
            jnp.where(lane == 2, t1x2,
            jnp.where(lane == 3, t1y2,
            jnp.where(lane == 4, t1cl, 0.0)))))
    top1_ref[0] = t1row


def _nms_sc_kernel(data_hbm, top1_hbm, out_hbm,
                   sx1_v, sy1_v, sx2_v, sy2_v, scl_v, ssc_v,
                   cx1_v, cy1_v, cx2_v, cy2_v, ccl_v, csc_v,
                   ar2_v, t1_v, outv_v, tmpf_v, tmpi_v):
    w = lax.axis_index("s") * 2 + lax.axis_index("c")
    iota = lax.broadcasted_iota(jnp.int32, (16,), 0)
    zi = jnp.zeros((16,), jnp.int32)
    zf = jnp.zeros((16,), jnp.float32)
    shuf = [jnp.maximum(iota - (1 << d), 0) for d in range(4)]
    bfly = [jnp.bitwise_xor(iota, 1 << d) for d in range(4)]

    def lastlane_i(v):
        tmpi_v[...] = v
        return plsc.load_gather(tmpi_v, [zi + 15])

    def splat_max_f(v):
        for d in range(4):
            tmpf_v[...] = v
            v = jnp.maximum(v, plsc.load_gather(tmpf_v, [bfly[d]]))
        return v

    def splat_min_i(v):
        for d in range(4):
            tmpi_v[...] = v
            v = jnp.minimum(v, plsc.load_gather(tmpi_v, [bfly[d]]))
        return v

    def prefix_incl_i(v):
        for d in range(4):
            tmpi_v[...] = v
            sh = plsc.load_gather(tmpi_v, [shuf[d]])
            v = v + jnp.where(iota >= (1 << d), sh, zi)
        return v

    @pl.when(w < _B)
    def _work():
        b = w

        def init_body(i, _):
            s = pl.ds(i * 16, 16)
            csc_v[s] = zf + _NEG
            cx1_v[s] = zf
            cy1_v[s] = zf
            cx2_v[s] = zf
            cy2_v[s] = zf
            ccl_v[s] = zf
            return 0

        lax.fori_loop(0, _KPAD // 16, init_body, 0)

        def chunk_body(c, off):
            base = c * _CH
            pltpu.sync_copy(data_hbm.at[b, 0, pl.ds(base, _CH)], sx1_v)
            pltpu.sync_copy(data_hbm.at[b, 1, pl.ds(base, _CH)], sy1_v)
            pltpu.sync_copy(data_hbm.at[b, 2, pl.ds(base, _CH)], sx2_v)
            pltpu.sync_copy(data_hbm.at[b, 3, pl.ds(base, _CH)], sy2_v)
            pltpu.sync_copy(data_hbm.at[b, 4, pl.ds(base, _CH)], scl_v)
            pltpu.sync_copy(data_hbm.at[b, 5, pl.ds(base, _CH)], ssc_v)

            def vec_body(i, off):
                for q in range(4):
                    s = pl.ds((i * 4 + q) * 16, 16)
                    sc = ssc_v[s]
                    m = sc > -1e8
                    p = prefix_incl_i(jnp.where(m, zi + 1, zi))
                    pos = jnp.maximum(off + p - 1, 0)
                    plsc.store_scatter(csc_v, [pos], sc, mask=m)
                    plsc.store_scatter(cx1_v, [pos], sx1_v[s], mask=m)
                    plsc.store_scatter(cy1_v, [pos], sy1_v[s], mask=m)
                    plsc.store_scatter(cx2_v, [pos], sx2_v[s], mask=m)
                    plsc.store_scatter(cy2_v, [pos], sy2_v[s], mask=m)
                    plsc.store_scatter(ccl_v, [pos], scl_v[s], mask=m)
                    off = off + lastlane_i(p)
                return off

            return lax.fori_loop(0, _CH // 64, vec_body, off)

        lax.fori_loop(0, _NCHUNKS, chunk_body, zi)

        def area_body(i, _):
            s = pl.ds(i * 16, 16)
            ar2_v[s] = (jnp.maximum(cx2_v[s] - cx1_v[s], 0.0)
                        * jnp.maximum(cy2_v[s] - cy1_v[s], 0.0))
            return 0

        lax.fori_loop(0, _KPAD // 16, area_body, 0)

        pltpu.sync_copy(top1_hbm.at[b], t1_v)
        t1x1 = plsc.load_gather(t1_v, [zi])
        t1y1 = plsc.load_gather(t1_v, [zi + 1])
        t1x2 = plsc.load_gather(t1_v, [zi + 2])
        t1y2 = plsc.load_gather(t1_v, [zi + 3])
        t1cl = plsc.load_gather(t1_v, [zi + 4])

        def max_body(i, acc):
            return jnp.maximum(acc, csc_v[pl.ds(i * 16, 16)])

        acc0 = lax.fori_loop(0, _KPAD // 16, max_body, zf + _NEG)

        def nms_body(it, acc):
            mvv = splat_max_f(acc)

            def find_body(i, jacc):
                for q in range(4):
                    c = i * 4 + q
                    v = csc_v[pl.ds(c * 16, 16)]
                    cand = jnp.where(v == mvv, iota + c * 16, _KPAD)
                    jacc = jnp.minimum(jacc, cand)
                return jacc

            jacc = lax.fori_loop(0, _KPAD // 64, find_body, zi + _KPAD)
            jv = splat_min_i(jacc)

            bx1 = plsc.load_gather(cx1_v, [jv])
            by1 = plsc.load_gather(cy1_v, [jv])
            bx2 = plsc.load_gather(cx2_v, [jv])
            by2 = plsc.load_gather(cy2_v, [jv])
            bcl = plsc.load_gather(ccl_v, [jv])
            exv = mvv <= -1e8
            area1 = (jnp.maximum(bx2 - bx1, 0.0)
                     * jnp.maximum(by2 - by1, 0.0))

            fx1 = jnp.where(exv, t1x1, bx1)
            fy1 = jnp.where(exv, t1y1, by1)
            fx2 = jnp.where(exv, t1x2, bx2)
            fy2 = jnp.where(exv, t1y2, by2)
            fcl = jnp.where(exv, t1cl, bcl)
            fsc = jnp.where(exv, zf, mvv)
            row = jnp.where(iota == 0, fx1,
                  jnp.where(iota == 1, fy1,
                  jnp.where(iota == 2, fx2,
                  jnp.where(iota == 3, fy2,
                  jnp.where(iota == 4, fsc,
                  jnp.where(iota == 5, fcl, zf))))))
            outv_v[pl.ds(it * 16, 16)] = row

            def sup_body(i, newacc):
                for q in range(4):
                    c = i * 4 + q
                    s = pl.ds(c * 16, 16)
                    ix1 = jnp.maximum(bx1, cx1_v[s])
                    iy1 = jnp.maximum(by1, cy1_v[s])
                    ix2 = jnp.minimum(bx2, cx2_v[s])
                    iy2 = jnp.minimum(by2, cy2_v[s])
                    inter = (jnp.maximum(ix2 - ix1, 0.0)
                             * jnp.maximum(iy2 - iy1, 0.0))
                    iou = inter / (area1 + ar2_v[s] - inter + 1e-9)
                    kill = (iou > _IOU_TH) | (iota + c * 16 == jv)
                    vnew = jnp.where(kill, zf + _NEG, csc_v[s])
                    csc_v[s] = vnew
                    newacc = jnp.maximum(newacc, vnew)
                return newacc

            return lax.fori_loop(0, _KPAD // 64, sup_body, zf + _NEG)

        lax.fori_loop(0, _MAX_DET, nms_body, acc0)
        pltpu.sync_copy(outv_v, out_hbm.at[b])


def kernel(inputs_0, inputs_1, inputs_2):
    B = inputs_0.shape[0]
    xs = [x.reshape(B, x.shape[1] * x.shape[1], 3 * _C)
          for x in (inputs_0, inputs_1, inputs_2)]
    consts = jnp.asarray(_build_consts())

    data, top1 = pl.pallas_call(
        _decode_kernel,
        grid=(B,),
        in_specs=[
            pl.BlockSpec((2, 1, _NPAD), lambda b: (0, 0, 0)),
            pl.BlockSpec((1, _GG[0], 3 * _C), lambda b: (b, 0, 0)),
            pl.BlockSpec((1, _GG[1], 3 * _C), lambda b: (b, 0, 0)),
            pl.BlockSpec((1, _GG[2], 3 * _C), lambda b: (b, 0, 0)),
        ],
        out_specs=[
            pl.BlockSpec((1, 6, 1, _NPAD), lambda b: (b, 0, 0, 0)),
            pl.BlockSpec((1, 1, 128), lambda b: (b, 0, 0)),
        ],
        out_shape=[
            jax.ShapeDtypeStruct((B, 6, 1, _NPAD), jnp.float32),
            jax.ShapeDtypeStruct((B, 1, 128), jnp.float32),
        ],
        scratch_shapes=[
            pltpu.VMEM((1, _NPAD), jnp.float32),
            pltpu.VMEM((1, _NPAD), jnp.int32),
        ],
        compiler_params=pltpu.CompilerParams(
            dimension_semantics=("parallel",)),
    )(consts, *xs)

    data = data.reshape(B, 6, _NPAD)
    top1 = top1.reshape(B, 128)

    nms = pl.kernel(
        _nms_sc_kernel,
        out_type=jax.ShapeDtypeStruct((B, _MAX_DET * 16), jnp.float32),
        mesh=plsc.VectorSubcoreMesh(core_axis_name="c", subcore_axis_name="s"),
        compiler_params=pltpu.CompilerParams(
            needs_layout_passes=False, use_tc_tiling_on_sc=False),
        scratch_types=[
            pltpu.VMEM((_CH,), jnp.float32),
            pltpu.VMEM((_CH,), jnp.float32),
            pltpu.VMEM((_CH,), jnp.float32),
            pltpu.VMEM((_CH,), jnp.float32),
            pltpu.VMEM((_CH,), jnp.float32),
            pltpu.VMEM((_CH,), jnp.float32),
            pltpu.VMEM((_KPAD,), jnp.float32),
            pltpu.VMEM((_KPAD,), jnp.float32),
            pltpu.VMEM((_KPAD,), jnp.float32),
            pltpu.VMEM((_KPAD,), jnp.float32),
            pltpu.VMEM((_KPAD,), jnp.float32),
            pltpu.VMEM((_KPAD,), jnp.float32),
            pltpu.VMEM((_KPAD,), jnp.float32),
            pltpu.VMEM((128,), jnp.float32),
            pltpu.VMEM((_MAX_DET * 16,), jnp.float32),
            pltpu.VMEM((16,), jnp.float32),
            pltpu.VMEM((16,), jnp.int32),
        ],
    )
    out = nms(data, top1)
    return out.reshape(B, _MAX_DET, 16)[:, :, :6]

# --- scband reference (transcript-rebuilt; emitter-appended) ---
"""Pipeline reference for scband-yoloinference-78443282695039 (READ-ONLY COPY).

The authoritative reference and input builder live on the scoring server;
editing this copy changes nothing except your own understanding.
"""

import jax, jax.numpy as jnp
import numpy as np

NUM_CLASSES = 80
INPUT_SIZE = 608.0
ANCHORS = np.array([[10,13],[16,30],[33,23],[30,61],[62,45],[59,119],[116,90],[156,198],[373,326]], dtype=np.float32)
MASKS = [[6,7,8],[3,4,5],[0,1,2]]
TOPK = 1000
MAX_DET = 100
IOU_TH = 0.5


def setup_inputs(seed: int = 0) -> dict:
    key = jax.random.key(seed)
    k0, k1, k2 = jax.random.split(key, 3)
    return {
        "inputs_0": jax.random.normal(k0, (8, 19, 19, 255), dtype=jnp.float32) * 0.5,
        "inputs_1": jax.random.normal(k1, (8, 38, 38, 255), dtype=jnp.float32) * 0.5,
        "inputs_2": jax.random.normal(k2, (8, 76, 76, 255), dtype=jnp.float32) * 0.5,
    }


def _decode(x, anchor_set):
    B, G = x.shape[0], x.shape[1]
    x = x.reshape(B, G, G, 3, 5 + NUM_CLASSES)
    xy = jax.nn.sigmoid(x[..., 0:2])
    wh = jnp.exp(jnp.clip(x[..., 2:4], -10.0, 10.0)) * anchor_set.reshape(1, 1, 1, 3, 2) / INPUT_SIZE
    obj = jax.nn.sigmoid(x[..., 4])
    cls = jax.nn.sigmoid(x[..., 5:])
    gy, gx = jnp.meshgrid(jnp.arange(G), jnp.arange(G), indexing='ij')
    grid = jnp.stack([gx, gy], axis=-1).astype(jnp.float32).reshape(1, G, G, 1, 2)
    xy = (xy + grid) / float(G)
    x1y1 = xy - wh * 0.5
    x2y2 = xy + wh * 0.5
    boxes = jnp.concatenate([x1y1, x2y2], axis=-1).reshape(B, -1, 4)
    scores_all = obj[..., None] * cls
    conf = scores_all.max(axis=-1).reshape(B, -1)
    cls_id = scores_all.argmax(axis=-1).reshape(B, -1)
    return boxes, conf, cls_id


def _iou(box, boxes):
    x1 = jnp.maximum(box[0], boxes[:, 0])
    y1 = jnp.maximum(box[1], boxes[:, 1])
    x2 = jnp.minimum(box[2], boxes[:, 2])
    y2 = jnp.minimum(box[3], boxes[:, 3])
    inter = jnp.clip(x2 - x1, 0.0) * jnp.clip(y2 - y1, 0.0)
    area1 = jnp.clip(box[2] - box[0], 0.0) * jnp.clip(box[3] - box[1], 0.0)
    area2 = jnp.clip(boxes[:, 2] - boxes[:, 0], 0.0) * jnp.clip(boxes[:, 3] - boxes[:, 1], 0.0)
    return inter / (area1 + area2 - inter + 1e-9)


def _nms_single(boxes, conf, cls_id):
    sc, idx = jax.lax.top_k(conf, TOPK)
    bx = boxes[idx]
    cl = cls_id[idx].astype(jnp.float32)
    active = jnp.ones((TOPK,), jnp.float32)
    rows = []
    for _ in range(MAX_DET):
        masked = jnp.where(active > 0, sc, -1e9)
        j = jnp.argmax(masked)
        b = bx[j]
        row = jnp.concatenate([b, sc[j][None] * active[j], cl[j][None]])
        rows.append(row)
        suppress = (_iou(b, bx) > IOU_TH).astype(jnp.float32)
        active = active * (1.0 - suppress)
        active = active.at[j].set(0.0)
    return jnp.stack(rows, axis=0)


def reference(inputs_0, inputs_1, inputs_2):
    all_boxes, all_conf, all_cls = [], [], []
    for x, m in zip([inputs_0, inputs_1, inputs_2], MASKS):
        anchor_set = jnp.asarray(ANCHORS[np.array(m)])
        b, c, ci = _decode(x, anchor_set)
        all_boxes.append(b)
        all_conf.append(c)
        all_cls.append(ci)
    boxes = jnp.concatenate(all_boxes, axis=1)
    conf = jnp.concatenate(all_conf, axis=1)
    cls_id = jnp.concatenate(all_cls, axis=1)
    return jax.vmap(_nms_single)(boxes, conf, cls_id)

if __name__ == "__main__":
    import jax
    _d = setup_inputs()
    print(jax.jit(kernel)(*tuple(_d.values())))

</pallas_src>

<mosaic_0001>
#map = affine_map<(d0, d1) -> (0, 0, 0)>
#map1 = affine_map<(d0, d1) -> (0, 0)>
module attributes {stable_mosaic.version = 14 : i64} {
  func.func @_nms_sc_kernel(%arg0: i32, %arg1: i32, %arg2: memref<8x6x23424xf32, #tpu.memory_space<hbm>>, %arg3: memref<8x128xf32, #tpu.memory_space<hbm>>, %arg4: memref<8x1600xf32, #tpu.memory_space<hbm>>, %arg5: memref<7808xf32, #tpu.memory_space<vmem>>, %arg6: memref<7808xf32, #tpu.memory_space<vmem>>, %arg7: memref<7808xf32, #tpu.memory_space<vmem>>, %arg8: memref<7808xf32, #tpu.memory_space<vmem>>, %arg9: memref<7808xf32, #tpu.memory_space<vmem>>, %arg10: memref<7808xf32, #tpu.memory_space<vmem>>, %arg11: memref<1024xf32, #tpu.memory_space<vmem>>, %arg12: memref<1024xf32, #tpu.memory_space<vmem>>, %arg13: memref<1024xf32, #tpu.memory_space<vmem>>, %arg14: memref<1024xf32, #tpu.memory_space<vmem>>, %arg15: memref<1024xf32, #tpu.memory_space<vmem>>, %arg16: memref<1024xf32, #tpu.memory_space<vmem>>, %arg17: memref<1024xf32, #tpu.memory_space<vmem>>, %arg18: memref<128xf32, #tpu.memory_space<vmem>>, %arg19: memref<1600xf32, #tpu.memory_space<vmem>>, %arg20: memref<16xf32, #tpu.memory_space<vmem>>, %arg21: memref<16xi32, #tpu.memory_space<vmem>>) attributes {dimension_semantics = [#tpu.dimension_semantics<core_parallel>, #tpu.dimension_semantics<subcore_parallel>], iteration_bounds = array<i64: 2, 16>, scalar_prefetch = 0 : i64, scratch_operands = 17 : i64, tpu.core_type = #tpu.core_type<sc_vector_subcore>, window_params = [{transform_indices = #map}, {transform_indices = #map1}, {transform_indices = #map1}]} {
    %mul3A = arith.constant 2 : i32
    %mul3A_0 = arith.muli %arg1, %mul3A : i32
    %add3A = arith.addi %mul3A_0, %arg0 : i32
    %iota3A = tpu.iota {dimensions = array<i32: 0>} : vector<16xi32>
    %broadcast_in_dim3A = arith.constant 0 : i32
    %broadcast_in_dim3A_1 = vector.broadcast %broadcast_in_dim3A : i32 to vector<16xi32>
    %broadcast_in_dim3A_2 = arith.constant 0.000000e+00 : f32
    %broadcast_in_dim3A_3 = vector.broadcast %broadcast_in_dim3A_2 : f32 to vector<16xf32>
    %sub3A = arith.constant 1 : i32
    %sub3A_4 = vector.broadcast %sub3A : i32 to vector<16xi32>
    %sub3A_5 = arith.subi %iota3A, %sub3A_4 : vector<16xi32>
    %max3A = arith.constant 0 : i32
    %max3A_6 = vector.broadcast %max3A : i32 to vector<16xi32>
    %max3A_7 = arith.maxsi %sub3A_5, %max3A_6 : vector<16xi32>
    %sub3A_8 = arith.constant 2 : i32
    %sub3A_9 = vector.broadcast %sub3A_8 : i32 to vector<16xi32>
    %sub3A_10 = arith.subi %iota3A, %sub3A_9 : vector<16xi32>
    %max3A_11 = arith.constant 0 : i32
    %max3A_12 = vector.broadcast %max3A_11 : i32 to vector<16xi32>
    %max3A_13 = arith.maxsi %sub3A_10, %max3A_12 : vector<16xi32>
    %sub3A_14 = arith.constant 4 : i32
    %sub3A_15 = vector.broadcast %sub3A_14 : i32 to vector<16xi32>
    %sub3A_16 = arith.subi %iota3A, %sub3A_15 : vector<16xi32>
    %max3A_17 = arith.constant 0 : i32
    %max3A_18 = vector.broadcast %max3A_17 : i32 to vector<16xi32>
    %max3A_19 = arith.maxsi %sub3A_16, %max3A_18 : vector<16xi32>
    %sub3A_20 = arith.constant 8 : i32
    %sub3A_21 = vector.broadcast %sub3A_20 : i32 to vector<16xi32>
    %sub3A_22 = arith.subi %iota3A, %sub3A_21 : vector<16xi32>
    %max3A_23 = arith.constant 0 : i32
    %max3A_24 = vector.broadcast %max3A_23 : i32 to vector<16xi32>
    %max3A_25 = arith.maxsi %sub3A_22, %max3A_24 : vector<16xi32>
    %xor3A = arith.constant 1 : i32
    %xor3A_26 = vector.broadcast %xor3A : i32 to vector<16xi32>
    %xor3A_27 = arith.xori %iota3A, %xor3A_26 : vector<16xi32>
    %xor3A_28 = arith.constant 2 : i32
    %xor3A_29 = vector.broadcast %xor3A_28 : i32 to vector<16xi32>
    %xor3A_30 = arith.xori %iota3A, %xor3A_29 : vector<16xi32>
    %xor3A_31 = arith.constant 4 : i32
    %xor3A_32 = vector.broadcast %xor3A_31 : i32 to vector<16xi32>
    %xor3A_33 = arith.xori %iota3A, %xor3A_32 : vector<16xi32>
    %xor3A_34 = arith.constant 8 : i32
    %xor3A_35 = vector.broadcast %xor3A_34 : i32 to vector<16xi32>
    %xor3A_36 = arith.xori %iota3A, %xor3A_35 : vector<16xi32>
    %lt3A = arith.constant 8 : i32
    %lt3A_37 = arith.cmpi slt, %add3A, %lt3A : i32
    %convert_element_type3A = arith.extui %lt3A_37 : i1 to i32
    %cond3A = arith.constant 0 : i32
    %cond3A_38 = arith.cmpi ne, %convert_element_type3A, %cond3A : i32
    scf.if %cond3A_38 {
      %scan3A = arith.constant 0 : i32
      %scan3A_39 = arith.constant 0 : i32
      %scan3A_40 = arith.constant 64 : i32
      %scan3A_41 = arith.addi %scan3A_39, %scan3A_40 : i32
      %scan3A_42 = arith.constant 1 : i32
      %scan3A_43 = scf.for %scan3A_89 = %scan3A_39 to %scan3A_41 step %scan3A_42 iter_args(%scan3A_90 = %scan3A) -> (i32)  : i32 {
        %mul3A_91 = arith.constant 16 : i32
        %mul3A_92 = arith.muli %scan3A_89, %mul3A_91 : i32
        %add3A_93 = arith.constant -1.000000e+09 : f32
        %add3A_94 = vector.broadcast %add3A_93 : f32 to vector<16xf32>
        %add3A_95 = arith.addf %broadcast_in_dim3A_3, %add3A_94 : vector<16xf32>
        %swap3A = arith.index_cast %mul3A_92 : i32 to index
        %swap3A_96 = tpu.vector_load %arg16[%swap3A] {strides = array<i32>} : memref<1024xf32, #tpu.memory_space<vmem>>, vector<16xf32>,
        tpu.vector_store %arg16[%swap3A], %add3A_95 {strides = array<i32>} : memref<1024xf32, #tpu.memory_space<vmem>>, vector<16xf32>,
        %swap3A_97 = arith.index_cast %mul3A_92 : i32 to index
        %swap3A_98 = tpu.vector_load %arg11[%swap3A_97] {strides = array<i32>} : memref<1024xf32, #tpu.memory_space<vmem>>, vector<16xf32>,
        tpu.vector_store %arg11[%swap3A_97], %broadcast_in_dim3A_3 {strides = array<i32>} : memref<1024xf32, #tpu.memory_space<vmem>>, vector<16xf32>,
        %swap3A_99 = arith.index_cast %mul3A_92 : i32 to index
        %swap3A_100 = tpu.vector_load %arg12[%swap3A_99] {strides = array<i32>} : memref<1024xf32, #tpu.memory_space<vmem>>, vector<16xf32>,
        tpu.vector_store %arg12[%swap3A_99], %broadcast_in_dim3A_3 {strides = array<i32>} : memref<1024xf32, #tpu.memory_space<vmem>>, vector<16xf32>,
        %swap3A_101 = arith.index_cast %mul3A_92 : i32 to index
        %swap3A_102 = tpu.vector_load %arg13[%swap3A_101] {strides = array<i32>} : memref<1024xf32, #tpu.memory_space<vmem>>, vector<16xf32>,
        tpu.vector_store %arg13[%swap3A_101], %broadcast_in_dim3A_3 {strides = array<i32>} : memref<1024xf32, #tpu.memory_space<vmem>>, vector<16xf32>,
        %swap3A_103 = arith.index_cast %mul3A_92 : i32 to index
        %swap3A_104 = tpu.vector_load %arg14[%swap3A_103] {strides = array<i32>} : memref<1024xf32, #tpu.memory_space<vmem>>, vector<16xf32>,
        tpu.vector_store %arg14[%swap3A_103], %broadcast_in_dim3A_3 {strides = array<i32>} : memref<1024xf32, #tpu.memory_space<vmem>>, vector<16xf32>,
        %swap3A_105 = arith.index_cast %mul3A_92 : i32 to index
        %swap3A_106 = tpu.vector_load %arg15[%swap3A_105] {strides = array<i32>} : memref<1024xf32, #tpu.memory_space<vmem>>, vector<16xf32>,
        tpu.vector_store %arg15[%swap3A_105], %broadcast_in_dim3A_3 {strides = array<i32>} : memref<1024xf32, #tpu.memory_space<vmem>>, vector<16xf32>,
        %scan3A_107 = arith.constant 0 : i32
        scf.yield %scan3A_107 : i32
      }
      %scan3A_44 = arith.constant 64 : i32
      %scan3A_45 = arith.constant 0 : i32
      %scan3A_46 = arith.constant 3 : i32
      %scan3A_47 = arith.addi %scan3A_45, %scan3A_46 : i32
      %scan3A_48 = arith.constant 1 : i32
      %scan3A_49 = scf.for %scan3A_89 = %scan3A_45 to %scan3A_47 step %scan3A_48 iter_args(%scan3A_90 = %broadcast_in_dim3A_1) -> (vector<16xi32>)  : i32 {
        %mul3A_91 = arith.constant 7808 : i32
        %mul3A_92 = arith.muli %scan3A_89, %mul3A_91 : i32
        %run_scoped3A = arith.constant 0 : i32
        "tpu.region"() ({
          %run_scoped3A_104 = tpu.sem_alloc : memref<!tpu.dma_semaphore, #tpu.memory_space<semaphore_mem>>
          %dma_start3A = tpu.memref_slice %arg2[%add3A, %run_scoped3A, %mul3A_92] : memref<8x6x23424xf32, #tpu.memory_space<hbm>> -> memref<1x1x7808xf32, #tpu.memory_space<hbm>>
          %dma_start3A_105 = tpu.memref_squeeze %dma_start3A : memref<1x1x7808xf32, #tpu.memory_space<hbm>> -> memref<7808xf32, #tpu.memory_space<hbm>>
          %dma_start3A_106 = tpu.memref_slice %arg2[%add3A, %run_scoped3A, %mul3A_92] : memref<8x6x23424xf32, #tpu.memory_space<hbm>> -> memref<1x1x7808xf32, #tpu.memory_space<hbm>>
          %dma_start3A_107 = tpu.memref_squeeze %dma_start3A_106 : memref<1x1x7808xf32, #tpu.memory_space<hbm>> -> memref<7808xf32, #tpu.memory_space<hbm>>
          tpu.enqueue_dma source(%dma_start3A_107 : memref<7808xf32, #tpu.memory_space<hbm>>) target(%arg5 : memref<7808xf32, #tpu.memory_space<vmem>>) target_semaphore(%run_scoped3A_104 : memref<!tpu.dma_semaphore, #tpu.memory_space<semaphore_mem>>)
          %dma_wait3A = tpu.memref_slice %arg2[%add3A, %run_scoped3A, %mul3A_92] : memref<8x6x23424xf32, #tpu.memory_space<hbm>> -> memref<1x1x7808xf32, #tpu.memory_space<hbm>>
          %dma_wait3A_108 = tpu.memref_squeeze %dma_wait3A : memref<1x1x7808xf32, #tpu.memory_space<hbm>> -> memref<7808xf32, #tpu.memory_space<hbm>>
          %dma_wait3A_109 = tpu.memref_slice %arg2[%add3A, %run_scoped3A, %mul3A_92] : memref<8x6x23424xf32, #tpu.memory_space<hbm>> -> memref<1x1x7808xf32, #tpu.memory_space<hbm>>
          %dma_wait3A_110 = tpu.memref_squeeze %dma_wait3A_109 : memref<1x1x7808xf32, #tpu.memory_space<hbm>> -> memref<7808xf32, #tpu.memory_space<hbm>>
          tpu.wait_dma2 semaphore(%run_scoped3A_104 : memref<!tpu.dma_semaphore, #tpu.memory_space<semaphore_mem>>) src(%dma_wait3A_110 : memref<7808xf32, #tpu.memory_space<hbm>>) dst(%arg5 : memref<7808xf32, #tpu.memory_space<vmem>>)
          tpu.yield
        }) : () -> ()
        %run_scoped3A_93 = arith.constant 1 : i32
        "tpu.region"() ({
          %run_scoped3A_104 = tpu.sem_alloc : memref<!tpu.dma_semaphore, #tpu.memory_space<semaphore_mem>>
          %dma_start3A = tpu.memref_slice %arg2[%add3A, %run_scoped3A_93, %mul3A_92] : memref<8x6x23424xf32, #tpu.memory_space<hbm>> -> memref<1x1x7808xf32, #tpu.memory_space<hbm>>
          %dma_start3A_105 = tpu.memref_squeeze %dma_start3A : memref<1x1x7808xf32, #tpu.memory_space<hbm>> -> memref<7808xf32, #tpu.memory_space<hbm>>
          %dma_start3A_106 = tpu.memref_slice %arg2[%add3A, %run_scoped3A_93, %mul3A_92] : memref<8x6x23424xf32, #tpu.memory_space<hbm>> -> memref<1x1x7808xf32, #tpu.memory_space<hbm>>
          %dma_start3A_107 = tpu.memref_squeeze %dma_start3A_106 : memref<1x1x7808xf32, #tpu.memory_space<hbm>> -> memref<7808xf32, #tpu.memory_space<hbm>>
          tpu.enqueue_dma source(%dma_start3A_107 : memref<7808xf32, #tpu.memory_space<hbm>>) target(%arg6 : memref<7808xf32, #tpu.memory_space<vmem>>) target_semaphore(%run_scoped3A_104 : memref<!tpu.dma_semaphore, #tpu.memory_space<semaphore_mem>>)
          %dma_wait3A = tpu.memref_slice %arg2[%add3A, %run_scoped3A_93, %mul3A_92] : memref<8x6x23424xf32, #tpu.memory_space<hbm>> -> memref<1x1x7808xf32, #tpu.memory_space<hbm>>
          %dma_wait3A_108 = tpu.memref_squeeze %dma_wait3A : memref<1x1x7808xf32, #tpu.memory_space<hbm>> -> memref<7808xf32, #tpu.memory_space<hbm>>
          %dma_wait3A_109 = tpu.memref_slice %arg2[%add3A, %run_scoped3A_93, %mul3A_92] : memref<8x6x23424xf32, #tpu.memory_space<hbm>> -> memref<1x1x7808xf32, #tpu.memory_space<hbm>>
          %dma_wait3A_110 = tpu.memref_squeeze %dma_wait3A_109 : memref<1x1x7808xf32, #tpu.memory_space<hbm>> -> memref<7808xf32, #tpu.memory_space<hbm>>
          tpu.wait_dma2 semaphore(%run_scoped3A_104 : memref<!tpu.dma_semaphore, #tpu.memory_space<semaphore_mem>>) src(%dma_wait3A_110 : memref<7808xf32, #tpu.memory_space<hbm>>) dst(%arg6 : memref<7808xf32, #tpu.memory_space<vmem>>)
          tpu.yield
        }) : () -> ()
        %run_scoped3A_94 = arith.constant 2 : i32
        "tpu.region"() ({
          %run_scoped3A_104 = tpu.sem_alloc : memref<!tpu.dma_semaphore, #tpu.memory_space<semaphore_mem>>
          %dma_start3A = tpu.memref_slice %arg2[%add3A, %run_scoped3A_94, %mul3A_92] : memref<8x6x23424xf32, #tpu.memory_space<hbm>> -> memref<1x1x7808xf32, #tpu.memory_space<hbm>>
          %dma_start3A_105 = tpu.memref_squeeze %dma_start3A : memref<1x1x7808xf32, #tpu.memory_space<hbm>> -> memref<7808xf32, #tpu.memory_space<hbm>>
          %dma_start3A_106 = tpu.memref_slice %arg2[%add3A, %run_scoped3A_94, %mul3A_92] : memref<8x6x23424xf32, #tpu.memory_space<hbm>> -> memref<1x1x7808xf32, #tpu.memory_space<hbm>>
          %dma_start3A_107 = tpu.memref_squeeze %dma_start3A_106 : memref<1x1x7808xf32, #tpu.memory_space<hbm>> -> memref<7808xf32, #tpu.memory_space<hbm>>
          tpu.enqueue_dma source(%dma_start3A_107 : memref<7808xf32, #tpu.memory_space<hbm>>) target(%arg7 : memref<7808xf32, #tpu.memory_space<vmem>>) target_semaphore(%run_scoped3A_104 : memref<!tpu.dma_semaphore, #tpu.memory_space<semaphore_mem>>)
          %dma_wait3A = tpu.memref_slice %arg2[%add3A, %run_scoped3A_94, %mul3A_92] : memref<8x6x23424xf32, #tpu.memory_space<hbm>> -> memref<1x1x7808xf32, #tpu.memory_space<hbm>>
          %dma_wait3A_108 = tpu.memref_squeeze %dma_wait3A : memref<1x1x7808xf32, #tpu.memory_space<hbm>> -> memref<7808xf32, #tpu.memory_space<hbm>>
          %dma_wait3A_109 = tpu.memref_slice %arg2[%add3A, %run_scoped3A_94, %mul3A_92] : memref<8x6x23424xf32, #tpu.memory_space<hbm>> -> memref<1x1x7808xf32, #tpu.memory_space<hbm>>
          %dma_wait3A_110 = tpu.memref_squeeze %dma_wait3A_109 : memref<1x1x7808xf32, #tpu.memory_space<hbm>> -> memref<7808xf32, #tpu.memory_space<hbm>>
          tpu.wait_dma2 semaphore(%run_scoped3A_104 : memref<!tpu.dma_semaphore, #tpu.memory_space<semaphore_mem>>) src(%dma_wait3A_110 : memref<7808xf32, #tpu.memory_space<hbm>>) dst(%arg7 : memref<7808xf32, #tpu.memory_space<vmem>>)
          tpu.yield
        }) : () -> ()
        %run_scoped3A_95 = arith.constant 3 : i32
        "tpu.region"() ({
          %run_scoped3A_104 = tpu.sem_alloc : memref<!tpu.dma_semaphore, #tpu.memory_space<semaphore_mem>>
          %dma_start3A = tpu.memref_slice %arg2[%add3A, %run_scoped3A_95, %mul3A_92] : memref<8x6x23424xf32, #tpu.memory_space<hbm>> -> memref<1x1x7808xf32, #tpu.memory_space<hbm>>
          %dma_start3A_105 = tpu.memref_squeeze %dma_start3A : memref<1x1x7808xf32, #tpu.memory_space<hbm>> -> memref<7808xf32, #tpu.memory_space<hbm>>
          %dma_start3A_106 = tpu.memref_slice %arg2[%add3A, %run_scoped3A_95, %mul3A_92] : memref<8x6x23424xf32, #tpu.memory_space<hbm>> -> memref<1x1x7808xf32, #tpu.memory_space<hbm>>
          %dma_start3A_107 = tpu.memref_squeeze %dma_start3A_106 : memref<1x1x7808xf32, #tpu.memory_space<hbm>> -> memref<7808xf32, #tpu.memory_space<hbm>>
          tpu.enqueue_dma source(%dma_start3A_107 : memref<7808xf32, #tpu.memory_space<hbm>>) target(%arg8 : memref<7808xf32, #tpu.memory_space<vmem>>) target_semaphore(%run_scoped3A_104 : memref<!tpu.dma_semaphore, #tpu.memory_space<semaphore_mem>>)
          %dma_wait3A = tpu.memref_slice %arg2[%add3A, %run_scoped3A_95, %mul3A_92] : memref<8x6x23424xf32, #tpu.memory_space<hbm>> -> memref<1x1x7808xf32, #tpu.memory_space<hbm>>
          %dma_wait3A_108 = tpu.memref_squeeze %dma_wait3A : memref<1x1x7808xf32, #tpu.memory_space<hbm>> -> memref<7808xf32, #tpu.memory_space<hbm>>
          %dma_wait3A_109 = tpu.memref_slice %arg2[%add3A, %run_scoped3A_95, %mul3A_92] : memref<8x6x23424xf32, #tpu.memory_space<hbm>> -> memref<1x1x7808xf32, #tpu.memory_space<hbm>>
          %dma_wait3A_110 = tpu.memref_squeeze %dma_wait3A_109 : memref<1x1x7808xf32, #tpu.memory_space<hbm>> -> memref<7808xf32, #tpu.memory_space<hbm>>
          tpu.wait_dma2 semaphore(%run_scoped3A_104 : memref<!tpu.dma_semaphore, #tpu.memory_space<semaphore_mem>>) src(%dma_wait3A_110 : memref<7808xf32, #tpu.memory_space<hbm>>) dst(%arg8 : memref<7808xf32, #tpu.memory_space<vmem>>)
          tpu.yield
        }) : () -> ()
        %run_scoped3A_96 = arith.constant 4 : i32
        "tpu.region"() ({
          %run_scoped3A_104 = tpu.sem_alloc : memref<!tpu.dma_semaphore, #tpu.memory_space<semaphore_mem>>
          %dma_start3A = tpu.memref_slice %arg2[%add3A, %run_scoped3A_96, %mul3A_92] : memref<8x6x23424xf32, #tpu.memory_space<hbm>> -> memref<1x1x7808xf32, #tpu.memory_space<hbm>>
          %dma_start3A_105 = tpu.memref_squeeze %dma_start3A : memref<1x1x7808xf32, #tpu.memory_space<hbm>> -> memref<7808xf32, #tpu.memory_space<hbm>>
          %dma_start3A_106 = tpu.memref_slice %arg2[%add3A, %run_scoped3A_96, %mul3A_92] : memref<8x6x23424xf32, #tpu.memory_space<hbm>> -> memref<1x1x7808xf32, #tpu.memory_space<hbm>>
          %dma_start3A_107 = tpu.memref_squeeze %dma_start3A_106 : memref<1x1x7808xf32, #tpu.memory_space<hbm>> -> memref<7808xf32, #tpu.memory_space<hbm>>
          tpu.enqueue_dma source(%dma_start3A_107 : memref<7808xf32, #tpu.memory_space<hbm>>) target(%arg9 : memref<7808xf32, #tpu.memory_space<vmem>>) target_semaphore(%run_scoped3A_104 : memref<!tpu.dma_semaphore, #tpu.memory_space<semaphore_mem>>)
          %dma_wait3A = tpu.memref_slice %arg2[%add3A, %run_scoped3A_96, %mul3A_92] : memref<8x6x23424xf32, #tpu.memory_space<hbm>> -> memref<1x1x7808xf32, #tpu.memory_space<hbm>>
          %dma_wait3A_108 = tpu.memref_squeeze %dma_wait3A : memref<1x1x7808xf32, #tpu.memory_space<hbm>> -> memref<7808xf32, #tpu.memory_space<hbm>>
          %dma_wait3A_109 = tpu.memref_slice %arg2[%add3A, %run_scoped3A_96, %mul3A_92] : memref<8x6x23424xf32, #tpu.memory_space<hbm>> -> memref<1x1x7808xf32, #tpu.memory_space<hbm>>
          %dma_wait3A_110 = tpu.memref_squeeze %dma_wait3A_109 : memref<1x1x7808xf32, #tpu.memory_space<hbm>> -> memref<7808xf32, #tpu.memory_space<hbm>>
          tpu.wait_dma2 semaphore(%run_scoped3A_104 : memref<!tpu.dma_semaphore, #tpu.memory_space<semaphore_mem>>) src(%dma_wait3A_110 : memref<7808xf32, #tpu.memory_space<hbm>>) dst(%arg9 : memref<7808xf32, #tpu.memory_space<vmem>>)
          tpu.yield
        }) : () -> ()
        %run_scoped3A_97 = arith.constant 5 : i32
        "tpu.region"() ({
          %run_scoped3A_104 = tpu.sem_alloc : memref<!tpu.dma_semaphore, #tpu.memory_space<semaphore_mem>>
          %dma_start3A = tpu.memref_slice %arg2[%add3A, %run_scoped3A_97, %mul3A_92] : memref<8x6x23424xf32, #tpu.memory_space<hbm>> -> memref<1x1x7808xf32, #tpu.memory_space<hbm>>
          %dma_start3A_105 = tpu.memref_squeeze %dma_start3A : memref<1x1x7808xf32, #tpu.memory_space<hbm>> -> memref<7808xf32, #tpu.memory_space<hbm>>
          %dma_start3A_106 = tpu.memref_slice %arg2[%add3A, %run_scoped3A_97, %mul3A_92] : memref<8x6x23424xf32, #tpu.memory_space<hbm>> -> memref<1x1x7808xf32, #tpu.memory_space<hbm>>
          %dma_start3A_107 = tpu.memref_squeeze %dma_start3A_106 : memref<1x1x7808xf32, #tpu.memory_space<hbm>> -> memref<7808xf32, #tpu.memory_space<hbm>>
          tpu.enqueue_dma source(%dma_start3A_107 : memref<7808xf32, #tpu.memory_space<hbm>>) target(%arg10 : memref<7808xf32, #tpu.memory_space<vmem>>) target_semaphore(%run_scoped3A_104 : memref<!tpu.dma_semaphore, #tpu.memory_space<semaphore_mem>>)
          %dma_wait3A = tpu.memref_slice %arg2[%add3A, %run_scoped3A_97, %mul3A_92] : memref<8x6x23424xf32, #tpu.memory_space<hbm>> -> memref<1x1x7808xf32, #tpu.memory_space<hbm>>
          %dma_wait3A_108 = tpu.memref_squeeze %dma_wait3A : memref<1x1x7808xf32, #tpu.memory_space<hbm>> -> memref<7808xf32, #tpu.memory_space<hbm>>
          %dma_wait3A_109 = tpu.memref_slice %arg2[%add3A, %run_scoped3A_97, %mul3A_92] : memref<8x6x23424xf32, #tpu.memory_space<hbm>> -> memref<1x1x7808xf32, #tpu.memory_space<hbm>>
          %dma_wait3A_110 = tpu.memref_squeeze %dma_wait3A_109 : memref<1x1x7808xf32, #tpu.memory_space<hbm>> -> memref<7808xf32, #tpu.memory_space<hbm>>
          tpu.wait_dma2 semaphore(%run_scoped3A_104 : memref<!tpu.dma_semaphore, #tpu.memory_space<semaphore_mem>>) src(%dma_wait3A_110 : memref<7808xf32, #tpu.memory_space<hbm>>) dst(%arg10 : memref<7808xf32, #tpu.memory_space<vmem>>)
          tpu.yield
        }) : () -> ()
        %scan3A_98 = arith.constant 0 : i32
        %scan3A_99 = arith.constant 122 : i32
        %scan3A_100 = arith.addi %scan3A_98, %scan3A_99 : i32
        %scan3A_101 = arith.constant 1 : i32
        %scan3A_102 = scf.for %scan3A_104 = %scan3A_98 to %scan3A_100 step %scan3A_101 iter_args(%scan3A_105 = %scan3A_90) -> (vector<16xi32>)  : i32 {
          %mul3A_106 = arith.constant 4 : i32
          %mul3A_107 = arith.muli %scan3A_104, %mul3A_106 : i32
          %add3A_108 = arith.constant 0 : i32
          %add3A_109 = arith.addi %mul3A_107, %add3A_108 : i32
          %mul3A_110 = arith.constant 16 : i32
          %mul3A_111 = arith.muli %add3A_109, %mul3A_110 : i32
          %get3A = arith.index_cast %mul3A_111 : i32 to index
          %get3A_112 = tpu.vector_load %arg10[%get3A] {strides = array<i32>} : memref<7808xf32, #tpu.memory_space<vmem>>, vector<16xf32>,
          %gt3A = arith.constant -1.000000e+08 : f32
          %gt3A_113 = vector.broadcast %gt3A : f32 to vector<16xf32>
          %gt3A_114 = arith.cmpf ogt, %get3A_112, %gt3A_113 : vector<16xf32>
          %add3A_115 = arith.constant 1 : i32
          %add3A_116 = vector.broadcast %add3A_115 : i32 to vector<16xi32>
          %add3A_117 = arith.addi %broadcast_in_dim3A_1, %add3A_116 : vector<16xi32>
          %select_n3A = arith.select %gt3A_114, %add3A_117, %broadcast_in_dim3A_1 : vector<16xi1>, vector<16xi32>
          %swap3A = arith.constant 0 : index
          %swap3A_118 = tpu.vector_load %arg21[%swap3A] {strides = array<i32>} : memref<16xi32, #tpu.memory_space<vmem>>, vector<16xi32>,
          tpu.vector_store %arg21[%swap3A], %select_n3A {strides = array<i32>} : memref<16xi32, #tpu.memory_space<vmem>>, vector<16xi32>,
          %gather3A_119 = tpu.vector_load_idx %arg21[%max3A_7] : memref<16xi32, #tpu.memory_space<vmem>>[vector<16xi32>], vector<16xi32>,
          %ge3A = arith.constant 1 : i32
          %ge3A_120 = vector.broadcast %ge3A : i32 to vector<16xi32>
          %ge3A_121 = arith.cmpi sge, %iota3A, %ge3A_120 : vector<16xi32>
          %select_n3A_122 = arith.select %ge3A_121, %gather3A_119, %broadcast_in_dim3A_1 : vector<16xi1>, vector<16xi32>
          %add3A_123 = arith.addi %select_n3A, %select_n3A_122 : vector<16xi32>
          %swap3A_124 = arith.constant 0 : index
          %swap3A_125 = tpu.vector_load %arg21[%swap3A_124] {strides = array<i32>} : memref<16xi32, #tpu.memory_space<vmem>>, vector<16xi32>,
          tpu.vector_store %arg21[%swap3A_124], %add3A_123 {strides = array<i32>} : memref<16xi32, #tpu.memory_space<vmem>>, vector<16xi32>,
          %gather3A_126 = tpu.vector_load_idx %arg21[%max3A_13] : memref<16xi32, #tpu.memory_space<vmem>>[vector<16xi32>], vector<16xi32>,
          %ge3A_127 = arith.constant 2 : i32
          %ge3A_128 = vector.broadcast %ge3A_127 : i32 to vector<16xi32>
          %ge3A_129 = arith.cmpi sge, %iota3A, %ge3A_128 : vector<16xi32>
          %select_n3A_130 = arith.select %ge3A_129, %gather3A_126, %broadcast_in_dim3A_1 : vector<16xi1>, vector<16xi32>
          %add3A_131 = arith.addi %add3A_123, %select_n3A_130 : vector<16xi32>
          %swap3A_132 = arith.constant 0 : index
          %swap3A_133 = tpu.vector_load %arg21[%swap3A_132] {strides = array<i32>} : memref<16xi32, #tpu.memory_space<vmem>>, vector<16xi32>,
          tpu.vector_store %arg21[%swap3A_132], %add3A_131 {strides = array<i32>} : memref<16xi32, #tpu.memory_space<vmem>>, vector<16xi32>,
          %gather3A_134 = tpu.vector_load_idx %arg21[%max3A_19] : memref<16xi32, #tpu.memory_space<vmem>>[vector<16xi32>], vector<16xi32>,
          %ge3A_135 = arith.constant 4 : i32
          %ge3A_136 = vector.broadcast %ge3A_135 : i32 to vector<16xi32>
          %ge3A_137 = arith.cmpi sge, %iota3A, %ge3A_136 : vector<16xi32>
          %select_n3A_138 = arith.select %ge3A_137, %gather3A_134, %broadcast_in_dim3A_1 : vector<16xi1>, vector<16xi32>
          %add3A_139 = arith.addi %add3A_131, %select_n3A_138 : vector<16xi32>
          %swap3A_140 = arith.constant 0 : index
          %swap3A_141 = tpu.vector_load %arg21[%swap3A_140] {strides = array<i32>} : memref<16xi32, #tpu.memory_space<vmem>>, vector<16xi32>,
          tpu.vector_store %arg21[%swap3A_140], %add3A_139 {strides = array<i32>} : memref<16xi32, #tpu.memory_space<vmem>>, vector<16xi32>,
          %gather3A_142 = tpu.vector_load_idx %arg21[%max3A_25] : memref<16xi32, #tpu.memory_space<vmem>>[vector<16xi32>], vector<16xi32>,
          %ge3A_143 = arith.constant 8 : i32
          %ge3A_144 = vector.broadcast %ge3A_143 : i32 to vector<16xi32>
          %ge3A_145 = arith.cmpi sge, %iota3A, %ge3A_144 : vector<16xi32>
          %select_n3A_146 = arith.select %ge3A_145, %gather3A_142, %broadcast_in_dim3A_1 : vector<16xi1>, vector<16xi32>
          %add3A_147 = arith.addi %add3A_139, %select_n3A_146 : vector<16xi32>
          %add3A_148 = arith.addi %scan3A_105, %add3A_147 : vector<16xi32>
          %sub3A_149 = arith.constant 1 : i32
          %sub3A_150 = vector.broadcast %sub3A_149 : i32 to vector<16xi32>
          %sub3A_151 = arith.subi %add3A_148, %sub3A_150 : vector<16xi32>
          %max3A_152 = arith.constant 0 : i32
          %max3A_153 = vector.broadcast %max3A_152 : i32 to vector<16xi32>
          %max3A_154 = arith.maxsi %sub3A_151, %max3A_153 : vector<16xi32>
          tpu.vector_store_idx %arg16[%max3A_154], %get3A_112 masked %gt3A_114 : memref<1024xf32, #tpu.memory_space<vmem>>[vector<16xi32>], vector<16xf32>, vector<16xi1>
          %get3A_155 = arith.index_cast %mul3A_111 : i32 to index
          %get3A_156 = tpu.vector_load %arg5[%get3A_155] {strides = array<i32>} : memref<7808xf32, #tpu.memory_space<vmem>>, vector<16xf32>,
          tpu.vector_store_idx %arg11[%max3A_154], %get3A_156 masked %gt3A_114 : memref<1024xf32, #tpu.memory_space<vmem>>[vector<16xi32>], vector<16xf32>, vector<16xi1>
          %get3A_157 = arith.index_cast %mul3A_111 : i32 to index
          %get3A_158 = tpu.vector_load %arg6[%get3A_157] {strides = array<i32>} : memref<7808xf32, #tpu.memory_space<vmem>>, vector<16xf32>,
          tpu.vector_store_idx %arg12[%max3A_154], %get3A_158 masked %gt3A_114 : memref<1024xf32, #tpu.memory_space<vmem>>[vector<16xi32>], vector<16xf32>, vector<16xi1>
          %get3A_159 = arith.index_cast %mul3A_111 : i32 to index
          %get3A_160 = tpu.vector_load %arg7[%get3A_159] {strides = array<i32>} : memref<7808xf32, #tpu.memory_space<vmem>>, vector<16xf32>,
          tpu.vector_store_idx %arg13[%max3A_154], %get3A_160 masked %gt3A_114 : memref<1024xf32, #tpu.memory_space<vmem>>[vector<16xi32>], vector<16xf32>, vector<16xi1>
          %get3A_161 = arith.index_cast %mul3A_111 : i32 to index
          %get3A_162 = tpu.vector_load %arg8[%get3A_161] {strides = array<i32>} : memref<7808xf32, #tpu.memory_space<vmem>>, vector<16xf32>,
          tpu.vector_store_idx %arg14[%max3A_154], %get3A_162 masked %gt3A_114 : memref<1024xf32, #tpu.memory_space<vmem>>[vector<16xi32>], vector<16xf32>, vector<16xi1>
          %get3A_163 = arith.index_cast %mul3A_111 : i32 to index
          %get3A_164 = tpu.vector_load %arg9[%get3A_163] {strides = array<i32>} : memref<7808xf32, #tpu.memory_space<vmem>>, vector<16xf32>,
          tpu.vector_store_idx %arg15[%max3A_154], %get3A_164 masked %gt3A_114 : memref<1024xf32, #tpu.memory_space<vmem>>[vector<16xi32>], vector<16xf32>, vector<16xi1>
          %swap3A_165 = arith.constant 0 : index
          %swap3A_166 = tpu.vector_load %arg21[%swap3A_165] {strides = array<i32>} : memref<16xi32, #tpu.memory_space<vmem>>, vector<16xi32>,
          tpu.vector_store %arg21[%swap3A_165], %add3A_147 {strides = array<i32>} : memref<16xi32, #tpu.memory_space<vmem>>, vector<16xi32>,
          %add3A_167 = arith.constant 15 : i32
          %add3A_168 = vector.broadcast %add3A_167 : i32 to vector<16xi32>
          %add3A_169 = arith.addi %broadcast_in_dim3A_1, %add3A_168 : vector<16xi32>
          %gather3A_170 = tpu.vector_load_idx %arg21[%add3A_169] : memref<16xi32, #tpu.memory_space<vmem>>[vector<16xi32>], vector<16xi32>,
          %add3A_171 = arith.addi %scan3A_105, %gather3A_170 : vector<16xi32>
          %mul3A_172 = arith.constant 4 : i32
          %mul3A_173 = arith.muli %scan3A_104, %mul3A_172 : i32
          %add3A_174 = arith.constant 1 : i32
          %add3A_175 = arith.addi %mul3A_173, %add3A_174 : i32
          %mul3A_176 = arith.constant 16 : i32
          %mul3A_177 = arith.muli %add3A_175, %mul3A_176 : i32
          %get3A_178 = arith.index_cast %mul3A_177 : i32 to index
          %get3A_179 = tpu.vector_load %arg10[%get3A_178] {strides = array<i32>} : memref<7808xf32, #tpu.memory_space<vmem>>, vector<16xf32>,
          %gt3A_180 = arith.constant -1.000000e+08 : f32
          %gt3A_181 = vector.broadcast %gt3A_180 : f32 to vector<16xf32>
          %gt3A_182 = arith.cmpf ogt, %get3A_179, %gt3A_181 : vector<16xf32>
          %add3A_183 = arith.constant 1 : i32
          %add3A_184 = vector.broadcast %add3A_183 : i32 to vector<16xi32>
          %add3A_185 = arith.addi %broadcast_in_dim3A_1, %add3A_184 : vector<16xi32>
          %select_n3A_186 = arith.select %gt3A_182, %add3A_185, %broadcast_in_dim3A_1 : vector<16xi1>, vector<16xi32>
          %swap3A_187 = arith.constant 0 : index
          %swap3A_188 = tpu.vector_load %arg21[%swap3A_187] {strides = array<i32>} : memref<16xi32, #tpu.memory_space<vmem>>, vector<16xi32>,
          tpu.vector_store %arg21[%swap3A_187], %select_n3A_186 {strides = array<i32>} : memref<16xi32, #tpu.memory_space<vmem>>, vector<16xi32>,
          %gather3A_189 = tpu.vector_load_idx %arg21[%max3A_7] : memref<16xi32, #tpu.memory_space<vmem>>[vector<16xi32>], vector<16xi32>,
          %ge3A_190 = arith.constant 1 : i32
          %ge3A_191 = vector.broadcast %ge3A_190 : i32 to vector<16xi32>
          %ge3A_192 = arith.cmpi sge, %iota3A, %ge3A_191 : vector<16xi32>
          %select_n3A_193 = arith.select %ge3A_192, %gather3A_189, %broadcast_in_dim3A_1 : vector<16xi1>, vector<16xi32>
          %add3A_194 = arith.addi %select_n3A_186, %select_n3A_193 : vector<16xi32>
          %swap3A_195 = arith.constant 0 : index
          %swap3A_196 = tpu.vector_load %arg21[%swap3A_195] {strides = array<i32>} : memref<16xi32, #tpu.memory_space<vmem>>, vector<16xi32>,
          tpu.vector_store %arg21[%swap3A_195], %add3A_194 {strides = array<i32>} : memref<16xi32, #tpu.memory_space<vmem>>, vector<16xi32>,
          %gather3A_197 = tpu.vector_load_idx %arg21[%max3A_13] : memref<16xi32, #tpu.memory_space<vmem>>[vector<16xi32>], vector<16xi32>,
          %ge3A_198 = arith.constant 2 : i32
          %ge3A_199 = vector.broadcast %ge3A_198 : i32 to vector<16xi32>
          %ge3A_200 = arith.cmpi sge, %iota3A, %ge3A_199 : vector<16xi32>
          %select_n3A_201 = arith.select %ge3A_200, %gather3A_197, %broadcast_in_dim3A_1 : vector<16xi1>, vector<16xi32>
          %add3A_202 = arith.addi %add3A_194, %select_n3A_201 : vector<16xi32>
          %swap3A_203 = arith.constant 0 : index
          %swap3A_204 = tpu.vector_load %arg21[%swap3A_203] {strides = array<i32>} : memref<16xi32, #tpu.memory_space<vmem>>, vector<16xi32>,
          tpu.vector_store %arg21[%swap3A_203], %add3A_202 {strides = array<i32>} : memref<16xi32, #tpu.memory_space<vmem>>, vector<16xi32>,
          %gather3A_205 = tpu.vector_load_idx %arg21[%max3A_19] : memref<16xi32, #tpu.memory_space<vmem>>[vector<16xi32>], vector<16xi32>,
          %ge3A_206 = arith.constant 4 : i32
          %ge3A_207 = vector.broadcast %ge3A_206 : i32 to vector<16xi32>
          %ge3A_208 = arith.cmpi sge, %iota3A, %ge3A_207 : vector<16xi32>
          %select_n3A_209 = arith.select %ge3A_208, %gather3A_205, %broadcast_in_dim3A_1 : vector<16xi1>, vector<16xi32>
          %add3A_210 = arith.addi %add3A_202, %select_n3A_209 : vector<16xi32>
          %swap3A_211 = arith.constant 0 : index
          %swap3A_212 = tpu.vector_load %arg21[%swap3A_211] {strides = array<i32>} : memref<16xi32, #tpu.memory_space<vmem>>, vector<16xi32>,
          tpu.vector_store %arg21[%swap3A_211], %add3A_210 {strides = array<i32>} : memref<16xi32, #tpu.memory_space<vmem>>, vector<16xi32>,
          %gather3A_213 = tpu.vector_load_idx %arg21[%max3A_25] : memref<16xi32, #tpu.memory_space<vmem>>[vector<16xi32>], vector<16xi32>,
          %ge3A_214 = arith.constant 8 : i32
          %ge3A_215 = vector.broadcast %ge3A_214 : i32 to vector<16xi32>
          %ge3A_216 = arith.cmpi sge, %iota3A, %ge3A_215 : vector<16xi32>
          %select_n3A_217 = arith.select %ge3A_216, %gather3A_213, %broadcast_in_dim3A_1 : vector<16xi1>, vector<16xi32>
          %add3A_218 = arith.addi %add3A_210, %select_n3A_217 : vector<16xi32>
          %add3A_219 = arith.addi %add3A_171, %add3A_218 : vector<16xi32>
          %sub3A_220 = arith.constant 1 : i32
          %sub3A_221 = vector.broadcast %sub3A_220 : i32 to vector<16xi32>
          %sub3A_222 = arith.subi %add3A_219, %sub3A_221 : vector<16xi32>
          %max3A_223 = arith.constant 0 : i32
          %max3A_224 = vector.broadcast %max3A_223 : i32 to vector<16xi32>
          %max3A_225 = arith.maxsi %sub3A_222, %max3A_224 : vector<16xi32>
          tpu.vector_store_idx %arg16[%max3A_225], %get3A_179 masked %gt3A_182 : memref<1024xf32, #tpu.memory_space<vmem>>[vector<16xi32>], vector<16xf32>, vector<16xi1>
          %get3A_226 = arith.index_cast %mul3A_177 : i32 to index
          %get3A_227 = tpu.vector_load %arg5[%get3A_226] {strides = array<i32>} : memref<7808xf32, #tpu.memory_space<vmem>>, vector<16xf32>,
          tpu.vector_store_idx %arg11[%max3A_225], %get3A_227 masked %gt3A_182 : memref<1024xf32, #tpu.memory_space<vmem>>[vector<16xi32>], vector<16xf32>, vector<16xi1>
          %get3A_228 = arith.index_cast %mul3A_177 : i32 to index
          %get3A_229 = tpu.vector_load %arg6[%get3A_228] {strides = array<i32>} : memref<7808xf32, #tpu.memory_space<vmem>>, vector<16xf32>,
          tpu.vector_store_idx %arg12[%max3A_225], %get3A_229 masked %gt3A_182 : memref<1024xf32, #tpu.memory_space<vmem>>[vector<16xi32>], vector<16xf32>, vector<16xi1>
          %get3A_230 = arith.index_cast %mul3A_177 : i32 to index
          %get3A_231 = tpu.vector_load %arg7[%get3A_230] {strides = array<i32>} : memref<7808xf32, #tpu.memory_space<vmem>>, vector<16xf32>,
          tpu.vector_store_idx %arg13[%max3A_225], %get3A_231 masked %gt3A_182 : memref<1024xf32, #tpu.memory_space<vmem>>[vector<16xi32>], vector<16xf32>, vector<16xi1>
          %get3A_232 = arith.index_cast %mul3A_177 : i32 to index
          %get3A_233 = tpu.vector_load %arg8[%get3A_232] {strides = array<i32>} : memref<7808xf32, #tpu.memory_space<vmem>>, vector<16xf32>,
          tpu.vector_store_idx %arg14[%max3A_225], %get3A_233 masked %gt3A_182 : memref<1024xf32, #tpu.memory_space<vmem>>[vector<16xi32>], vector<16xf32>, vector<16xi1>
          %get3A_234 = arith.index_cast %mul3A_177 : i32 to index
          %get3A_235 = tpu.vector_load %arg9[%get3A_234] {strides = array<i32>} : memref<7808xf32, #tpu.memory_space<vmem>>, vector<16xf32>,
          tpu.vector_store_idx %arg15[%max3A_225], %get3A_235 masked %gt3A_182 : memref<1024xf32, #tpu.memory_space<vmem>>[vector<16xi32>], vector<16xf32>, vector<16xi1>
          %swap3A_236 = arith.constant 0 : index
          %swap3A_237 = tpu.vector_load %arg21[%swap3A_236] {strides = array<i32>} : memref<16xi32, #tpu.memory_space<vmem>>, vector<16xi32>,
          tpu.vector_store %arg21[%swap3A_236], %add3A_218 {strides = array<i32>} : memref<16xi32, #tpu.memory_space<vmem>>, vector<16xi32>,
          %add3A_238 = arith.constant 15 : i32
          %add3A_239 = vector.broadcast %add3A_238 : i32 to vector<16xi32>
          %add3A_240 = arith.addi %broadcast_in_dim3A_1, %add3A_239 : vector<16xi32>
          %gather3A_241 = tpu.vector_load_idx %arg21[%add3A_240] : memref<16xi32, #tpu.memory_space<vmem>>[vector<16xi32>], vector<16xi32>,
          %add3A_242 = arith.addi %add3A_171, %gather3A_241 : vector<16xi32>
          %mul3A_243 = arith.constant 4 : i32
          %mul3A_244 = arith.muli %scan3A_104, %mul3A_243 : i32
          %add3A_245 = arith.constant 2 : i32
          %add3A_246 = arith.addi %mul3A_244, %add3A_245 : i32
          %mul3A_247 = arith.constant 16 : i32
          %mul3A_248 = arith.muli %add3A_246, %mul3A_247 : i32
          %get3A_249 = arith.index_cast %mul3A_248 : i32 to index
          %get3A_250 = tpu.vector_load %arg10[%get3A_249] {strides = array<i32>} : memref<7808xf32, #tpu.memory_space<vmem>>, vector<16xf32>,
          %gt3A_251 = arith.constant -1.000000e+08 : f32
          %gt3A_252 = vector.broadcast %gt3A_251 : f32 to vector<16xf32>
          %gt3A_253 = arith.cmpf ogt, %get3A_250, %gt3A_252 : vector<16xf32>
          %add3A_254 = arith.constant 1 : i32
          %add3A_255 = vector.broadcast %add3A_254 : i32 to vector<16xi32>
          %add3A_256 = arith.addi %broadcast_in_dim3A_1, %add3A_255 : vector<16xi32>
          %select_n3A_257 = arith.select %gt3A_253, %add3A_256, %broadcast_in_dim3A_1 : vector<16xi1>, vector<16xi32>
          %swap3A_258 = arith.constant 0 : index
          %swap3A_259 = tpu.vector_load %arg21[%swap3A_258] {strides = array<i32>} : memref<16xi32, #tpu.memory_space<vmem>>, vector<16xi32>,
          tpu.vector_store %arg21[%swap3A_258], %select_n3A_257 {strides = array<i32>} : memref<16xi32, #tpu.memory_space<vmem>>, vector<16xi32>,
          %gather3A_260 = tpu.vector_load_idx %arg21[%max3A_7] : memref<16xi32, #tpu.memory_space<vmem>>[vector<16xi32>], vector<16xi32>,
          %ge3A_261 = arith.constant 1 : i32
          %ge3A_262 = vector.broadcast %ge3A_261 : i32 to vector<16xi32>
          %ge3A_263 = arith.cmpi sge, %iota3A, %ge3A_262 : vector<16xi32>
          %select_n3A_264 = arith.select %ge3A_263, %gather3A_260, %broadcast_in_dim3A_1 : vector<16xi1>, vector<16xi32>
          %add3A_265 = arith.addi %select_n3A_257, %select_n3A_264 : vector<16xi32>
          %swap3A_266 = arith.constant 0 : index
          %swap3A_267 = tpu.vector_load %arg21[%swap3A_266] {strides = array<i32>} : memref<16xi32, #tpu.memory_space<vmem>>, vector<16xi32>,
          tpu.vector_store %arg21[%swap3A_266], %add3A_265 {strides = array<i32>} : memref<16xi32, #tpu.memory_space<vmem>>, vector<16xi32>,
          %gather3A_268 = tpu.vector_load_idx %arg21[%max3A_13] : memref<16xi32, #tpu.memory_space<vmem>>[vector<16xi32>], vector<16xi32>,
          %ge3A_269 = arith.constant 2 : i32
          %ge3A_270 = vector.broadcast %ge3A_269 : i32 to vector<16xi32>
          %ge3A_271 = arith.cmpi sge, %iota3A, %ge3A_270 : vector<16xi32>
          %select_n3A_272 = arith.select %ge3A_271, %gather3A_268, %broadcast_in_dim3A_1 : vector<16xi1>, vector<16xi32>
          %add3A_273 = arith.addi %add3A_265, %select_n3A_272 : vector<16xi32>
          %swap3A_274 = arith.constant 0 : index
          %swap3A_275 = tpu.vector_load %arg21[%swap3A_274] {strides = array<i32>} : memref<16xi32, #tpu.memory_space<vmem>>, vector<16xi32>,
          tpu.vector_store %arg21[%swap3A_274], %add3A_273 {strides = array<i32>} : memref<16xi32, #tpu.memory_space<vmem>>, vector<16xi32>,
          %gather3A_276 = tpu.vector_load_idx %arg21[%max3A_19] : memref<16xi32, #tpu.memory_space<vmem>>[vector<16xi32>], vector<16xi32>,
          %ge3A_277 = arith.constant 4 : i32
          %ge3A_278 = vector.broadcast %ge3A_277 : i32 to vector<16xi32>
          %ge3A_279 = arith.cmpi sge, %iota3A, %ge3A_278 : vector<16xi32>
          %select_n3A_280 = arith.select %ge3A_279, %gather3A_276, %broadcast_in_dim3A_1 : vector<16xi1>, vector<16xi32>
          %add3A_281 = arith.addi %add3A_273, %select_n3A_280 : vector<16xi32>
          %swap3A_282 = arith.constant 0 : index
          %swap3A_283 = tpu.vector_load %arg21[%swap3A_282] {strides = array<i32>} : memref<16xi32, #tpu.memory_space<vmem>>, vector<16xi32>,
          tpu.vector_store %arg21[%swap3A_282], %add3A_281 {strides = array<i32>} : memref<16xi32, #tpu.memory_space<vmem>>, vector<16xi32>,
          %gather3A_284 = tpu.vector_load_idx %arg21[%max3A_25] : memref<16xi32, #tpu.memory_space<vmem>>[vector<16xi32>], vector<16xi32>,
          %ge3A_285 = arith.constant 8 : i32
          %ge3A_286 = vector.broadcast %ge3A_285 : i32 to vector<16xi32>
          %ge3A_287 = arith.cmpi sge, %iota3A, %ge3A_286 : vector<16xi32>
          %select_n3A_288 = arith.select %ge3A_287, %gather3A_284, %broadcast_in_dim3A_1 : vector<16xi1>, vector<16xi32>
          %add3A_289 = arith.addi %add3A_281, %select_n3A_288 : vector<16xi32>
          %add3A_290 = arith.addi %add3A_242, %add3A_289 : vector<16xi32>
          %sub3A_291 = arith.constant 1 : i32
          %sub3A_292 = vector.broadcast %sub3A_291 : i32 to vector<16xi32>
          %sub3A_293 = arith.subi %add3A_290, %sub3A_292 : vector<16xi32>
          %max3A_294 = arith.constant 0 : i32
          %max3A_295 = vector.broadcast %max3A_294 : i32 to vector<16xi32>
          %max3A_296 = arith.maxsi %sub3A_293, %max3A_295 : vector<16xi32>
          tpu.vector_store_idx %arg16[%max3A_296], %get3A_250 masked %gt3A_253 : memref<1024xf32, #tpu.memory_space<vmem>>[vector<16xi32>], vector<16xf32>, vector<16xi1>
          %get3A_297 = arith.index_cast %mul3A_248 : i32 to index
          %get3A_298 = tpu.vector_load %arg5[%get3A_297] {strides = array<i32>} : memref<7808xf32, #tpu.memory_space<vmem>>, vector<16xf32>,
          tpu.vector_store_idx %arg11[%max3A_296], %get3A_298 masked %gt3A_253 : memref<1024xf32, #tpu.memory_space<vmem>>[vector<16xi32>], vector<16xf32>, vector<16xi1>
          %get3A_299 = arith.index_cast %mul3A_248 : i32 to index
          %get3A_300 = tpu.vector_load %arg6[%get3A_299] {strides = array<i32>} : memref<7808xf32, #tpu.memory_space<vmem>>, vector<16xf32>,
          tpu.vector_store_idx %arg12[%max3A_296], %get3A_300 masked %gt3A_253 : memref<1024xf32, #tpu.memory_space<vmem>>[vector<16xi32>], vector<16xf32>, vector<16xi1>
          %get3A_301 = arith.index_cast %mul3A_248 : i32 to index
          %get3A_302 = tpu.vector_load %arg7[%get3A_301] {strides = array<i32>} : memref<7808xf32, #tpu.memory_space<vmem>>, vector<16xf32>,
          tpu.vector_store_idx %arg13[%max3A_296], %get3A_302 masked %gt3A_253 : memref<1024xf32, #tpu.memory_space<vmem>>[vector<16xi32>], vector<16xf32>, vector<16xi1>
          %get3A_303 = arith.index_cast %mul3A_248 : i32 to index
          %get3A_304 = tpu.vector_load %arg8[%get3A_303] {strides = array<i32>} : memref<7808xf32, #tpu.memory_space<vmem>>, vector<16xf32>,
          tpu.vector_store_idx %arg14[%max3A_296], %get3A_304 masked %gt3A_253 : memref<1024xf32, #tpu.memory_space<vmem>>[vector<16xi32>], vector<16xf32>, vector<16xi1>
          %get3A_305 = arith.index_cast %mul3A_248 : i32 to index
          %get3A_306 = tpu.vector_load %arg9[%get3A_305] {strides = array<i32>} : memref<7808xf32, #tpu.memory_space<vmem>>, vector<16xf32>,
          tpu.vector_store_idx %arg15[%max3A_296], %get3A_306 masked %gt3A_253 : memref<1024xf32, #tpu.memory_space<vmem>>[vector<16xi32>], vector<16xf32>, vector<16xi1>
          %swap3A_307 = arith.constant 0 : index
          %swap3A_308 = tpu.vector_load %arg21[%swap3A_307] {strides = array<i32>} : memref<16xi32, #tpu.memory_space<vmem>>, vector<16xi32>,
          tpu.vector_store %arg21[%swap3A_307], %add3A_289 {strides = array<i32>} : memref<16xi32, #tpu.memory_space<vmem>>, vector<16xi32>,
          %add3A_309 = arith.constant 15 : i32
          %add3A_310 = vector.broadcast %add3A_309 : i32 to vector<16xi32>
          %add3A_311 = arith.addi %broadcast_in_dim3A_1, %add3A_310 : vector<16xi32>
          %gather3A_312 = tpu.vector_load_idx %arg21[%add3A_311] : memref<16xi32, #tpu.memory_space<vmem>>[vector<16xi32>], vector<16xi32>,
          %add3A_313 = arith.addi %add3A_242, %gather3A_312 : vector<16xi32>
          %mul3A_314 = arith.constant 4 : i32
          %mul3A_315 = arith.muli %scan3A_104, %mul3A_314 : i32
          %add3A_316 = arith.constant 3 : i32
          %add3A_317 = arith.addi %mul3A_315, %add3A_316 : i32
          %mul3A_318 = arith.constant 16 : i32
          %mul3A_319 = arith.muli %add3A_317, %mul3A_318 : i32
          %get3A_320 = arith.index_cast %mul3A_319 : i32 to index
          %get3A_321 = tpu.vector_load %arg10[%get3A_320] {strides = array<i32>} : memref<7808xf32, #tpu.memory_space<vmem>>, vector<16xf32>,
          %gt3A_322 = arith.constant -1.000000e+08 : f32
          %gt3A_323 = vector.broadcast %gt3A_322 : f32 to vector<16xf32>
          %gt3A_324 = arith.cmpf ogt, %get3A_321, %gt3A_323 : vector<16xf32>
          %add3A_325 = arith.constant 1 : i32
          %add3A_326 = vector.broadcast %add3A_325 : i32 to vector<16xi32>
          %add3A_327 = arith.addi %broadcast_in_dim3A_1, %add3A_326 : vector<16xi32>
          %select_n3A_328 = arith.select %gt3A_324, %add3A_327, %broadcast_in_dim3A_1 : vector<16xi1>, vector<16xi32>
          %swap3A_329 = arith.constant 0 : index
          %swap3A_330 = tpu.vector_load %arg21[%swap3A_329] {strides = array<i32>} : memref<16xi32, #tpu.memory_space<vmem>>, vector<16xi32>,
          tpu.vector_store %arg21[%swap3A_329], %select_n3A_328 {strides = array<i32>} : memref<16xi32, #tpu.memory_space<vmem>>, vector<16xi32>,
          %gather3A_331 = tpu.vector_load_idx %arg21[%max3A_7] : memref<16xi32, #tpu.memory_space<vmem>>[vector<16xi32>], vector<16xi32>,
          %ge3A_332 = arith.constant 1 : i32
          %ge3A_333 = vector.broadcast %ge3A_332 : i32 to vector<16xi32>
          %ge3A_334 = arith.cmpi sge, %iota3A, %ge3A_333 : vector<16xi32>
          %select_n3A_335 = arith.select %ge3A_334, %gather3A_331, %broadcast_in_dim3A_1 : vector<16xi1>, vector<16xi32>
          %add3A_336 = arith.addi %select_n3A_328, %select_n3A_335 : vector<16xi32>
          %swap3A_337 = arith.constant 0 : index
          %swap3A_338 = tpu.vector_load %arg21[%swap3A_337] {strides = array<i32>} : memref<16xi32, #tpu.memory_space<vmem>>, vector<16xi32>,
          tpu.vector_store %arg21[%swap3A_337], %add3A_336 {strides = array<i32>} : memref<16xi32, #tpu.memory_space<vmem>>, vector<16xi32>,
          %gather3A_339 = tpu.vector_load_idx %arg21[%max3A_13] : memref<16xi32, #tpu.memory_space<vmem>>[vector<16xi32>], vector<16xi32>,
          %ge3A_340 = arith.constant 2 : i32
          %ge3A_341 = vector.broadcast %ge3A_340 : i32 to vector<16xi32>
          %ge3A_342 = arith.cmpi sge, %iota3A, %ge3A_341 : vector<16xi32>
          %select_n3A_343 = arith.select %ge3A_342, %gather3A_339, %broadcast_in_dim3A_1 : vector<16xi1>, vector<16xi32>
          %add3A_344 = arith.addi %add3A_336, %select_n3A_343 : vector<16xi32>
          %swap3A_345 = arith.constant 0 : index
          %swap3A_346 = tpu.vector_load %arg21[%swap3A_345] {strides = array<i32>} : memref<16xi32, #tpu.memory_space<vmem>>, vector<16xi32>,
          tpu.vector_store %arg21[%swap3A_345], %add3A_344 {strides = array<i32>} : memref<16xi32, #tpu.memory_space<vmem>>, vector<16xi32>,
          %gather3A_347 = tpu.vector_load_idx %arg21[%max3A_19] : memref<16xi32, #tpu.memory_space<vmem>>[vector<16xi32>], vector<16xi32>,
          %ge3A_348 = arith.constant 4 : i32
          %ge3A_349 = vector.broadcast %ge3A_348 : i32 to vector<16xi32>
          %ge3A_350 = arith.cmpi sge, %iota3A, %ge3A_349 : vector<16xi32>
          %select_n3A_351 = arith.select %ge3A_350, %gather3A_347, %broadcast_in_dim3A_1 : vector<16xi1>, vector<16xi32>
          %add3A_352 = arith.addi %add3A_344, %select_n3A_351 : vector<16xi32>
          %swap3A_353 = arith.constant 0 : index
          %swap3A_354 = tpu.vector_load %arg21[%swap3A_353] {strides = array<i32>} : memref<16xi32, #tpu.memory_space<vmem>>, vector<16xi32>,
          tpu.vector_store %arg21[%swap3A_353], %add3A_352 {strides = array<i32>} : memref<16xi32, #tpu.memory_space<vmem>>, vector<16xi32>,
          %gather3A_355 = tpu.vector_load_idx %arg21[%max3A_25] : memref<16xi32, #tpu.memory_space<vmem>>[vector<16xi32>], vector<16xi32>,
          %ge3A_356 = arith.constant 8 : i32
          %ge3A_357 = vector.broadcast %ge3A_356 : i32 to vector<16xi32>
          %ge3A_358 = arith.cmpi sge, %iota3A, %ge3A_357 : vector<16xi32>
          %select_n3A_359 = arith.select %ge3A_358, %gather3A_355, %broadcast_in_dim3A_1 : vector<16xi1>, vector<16xi32>
          %add3A_360 = arith.addi %add3A_352, %select_n3A_359 : vector<16xi32>
          %add3A_361 = arith.addi %add3A_313, %add3A_360 : vector<16xi32>
          %sub3A_362 = arith.constant 1 : i32
          %sub3A_363 = vector.broadcast %sub3A_362 : i32 to vector<16xi32>
          %sub3A_364 = arith.subi %add3A_361, %sub3A_363 : vector<16xi32>
          %max3A_365 = arith.constant 0 : i32
          %max3A_366 = vector.broadcast %max3A_365 : i32 to vector<16xi32>
          %max3A_367 = arith.maxsi %sub3A_364, %max3A_366 : vector<16xi32>
          tpu.vector_store_idx %arg16[%max3A_367], %get3A_321 masked %gt3A_324 : memref<1024xf32, #tpu.memory_space<vmem>>[vector<16xi32>], vector<16xf32>, vector<16xi1>
          %get3A_368 = arith.index_cast %mul3A_319 : i32 to index
          %get3A_369 = tpu.vector_load %arg5[%get3A_368] {strides = array<i32>} : memref<7808xf32, #tpu.memory_space<vmem>>, vector<16xf32>,
          tpu.vector_store_idx %arg11[%max3A_367], %get3A_369 masked %gt3A_324 : memref<1024xf32, #tpu.memory_space<vmem>>[vector<16xi32>], vector<16xf32>, vector<16xi1>
          %get3A_370 = arith.index_cast %mul3A_319 : i32 to index
          %get3A_371 = tpu.vector_load %arg6[%get3A_370] {strides = array<i32>} : memref<7808xf32, #tpu.memory_space<vmem>>, vector<16xf32>,
          tpu.vector_store_idx %arg12[%max3A_367], %get3A_371 masked %gt3A_324 : memref<1024xf32, #tpu.memory_space<vmem>>[vector<16xi32>], vector<16xf32>, vector<16xi1>
          %get3A_372 = arith.index_cast %mul3A_319 : i32 to index
          %get3A_373 = tpu.vector_load %arg7[%get3A_372] {strides = array<i32>} : memref<7808xf32, #tpu.memory_space<vmem>>, vector<16xf32>,
          tpu.vector_store_idx %arg13[%max3A_367], %get3A_373 masked %gt3A_324 : memref<1024xf32, #tpu.memory_space<vmem>>[vector<16xi32>], vector<16xf32>, vector<16xi1>
          %get3A_374 = arith.index_cast %mul3A_319 : i32 to index
          %get3A_375 = tpu.vector_load %arg8[%get3A_374] {strides = array<i32>} : memref<7808xf32, #tpu.memory_space<vmem>>, vector<16xf32>,
          tpu.vector_store_idx %arg14[%max3A_367], %get3A_375 masked %gt3A_324 : memref<1024xf32, #tpu.memory_space<vmem>>[vector<16xi32>], vector<16xf32>, vector<16xi1>
          %get3A_376 = arith.index_cast %mul3A_319 : i32 to index
          %get3A_377 = tpu.vector_load %arg9[%get3A_376] {strides = array<i32>} : memref<7808xf32, #tpu.memory_space<vmem>>, vector<16xf32>,
          tpu.vector_store_idx %arg15[%max3A_367], %get3A_377 masked %gt3A_324 : memref<1024xf32, #tpu.memory_space<vmem>>[vector<16xi32>], vector<16xf32>, vector<16xi1>
          %swap3A_378 = arith.constant 0 : index
          %swap3A_379 = tpu.vector_load %arg21[%swap3A_378] {strides = array<i32>} : memref<16xi32, #tpu.memory_space<vmem>>, vector<16xi32>,
          tpu.vector_store %arg21[%swap3A_378], %add3A_360 {strides = array<i32>} : memref<16xi32, #tpu.memory_space<vmem>>, vector<16xi32>,
          %add3A_380 = arith.constant 15 : i32
          %add3A_381 = vector.broadcast %add3A_380 : i32 to vector<16xi32>
          %add3A_382 = arith.addi %broadcast_in_dim3A_1, %add3A_381 : vector<16xi32>
          %gather3A_383 = tpu.vector_load_idx %arg21[%add3A_382] : memref<16xi32, #tpu.memory_space<vmem>>[vector<16xi32>], vector<16xi32>,
          %add3A_384 = arith.addi %add3A_313, %gather3A_383 : vector<16xi32>
          scf.yield %add3A_384 : vector<16xi32>
        }
        %scan3A_103 = arith.constant 122 : i32
        scf.yield %scan3A_102 : vector<16xi32>
      }
      %scan3A_50 = arith.constant 3 : i32
      %scan3A_51 = arith.constant 0 : i32
      %scan3A_52 = arith.constant 0 : i32
      %scan3A_53 = arith.constant 64 : i32
      %scan3A_54 = arith.addi %scan3A_52, %scan3A_53 : i32
      %scan3A_55 = arith.constant 1 : i32
      %scan3A_56 = scf.for %scan3A_89 = %scan3A_52 to %scan3A_54 step %scan3A_55 iter_args(%scan3A_90 = %scan3A_51) -> (i32)  : i32 {
        %mul3A_91 = arith.constant 16 : i32
        %mul3A_92 = arith.muli %scan3A_89, %mul3A_91 : i32
        %get3A = arith.index_cast %mul3A_92 : i32 to index
        %get3A_93 = tpu.vector_load %arg13[%get3A] {strides = array<i32>} : memref<1024xf32, #tpu.memory_space<vmem>>, vector<16xf32>,
        %get3A_94 = arith.index_cast %mul3A_92 : i32 to index
        %get3A_95 = tpu.vector_load %arg11[%get3A_94] {strides = array<i32>} : memref<1024xf32, #tpu.memory_space<vmem>>, vector<16xf32>,
        %sub3A_96 = arith.subf %get3A_93, %get3A_95 : vector<16xf32>
        %max3A_97 = arith.constant 0.000000e+00 : f32
        %max3A_98 = vector.broadcast %max3A_97 : f32 to vector<16xf32>
        %max3A_99 = arith.maximumf %sub3A_96, %max3A_98 : vector<16xf32>
        %get3A_100 = arith.index_cast %mul3A_92 : i32 to index
        %get3A_101 = tpu.vector_load %arg14[%get3A_100] {strides = array<i32>} : memref<1024xf32, #tpu.memory_space<vmem>>, vector<16xf32>,
        %get3A_102 = arith.index_cast %mul3A_92 : i32 to index
        %get3A_103 = tpu.vector_load %arg12[%get3A_102] {strides = array<i32>} : memref<1024xf32, #tpu.memory_space<vmem>>, vector<16xf32>,
        %sub3A_104 = arith.subf %get3A_101, %get3A_103 : vector<16xf32>
        %max3A_105 = arith.constant 0.000000e+00 : f32
        %max3A_106 = vector.broadcast %max3A_105 : f32 to vector<16xf32>
        %max3A_107 = arith.maximumf %sub3A_104, %max3A_106 : vector<16xf32>
        %mul3A_108 = arith.mulf %max3A_99, %max3A_107 : vector<16xf32>
        %swap3A = arith.index_cast %mul3A_92 : i32 to index
        %swap3A_109 = tpu.vector_load %arg17[%swap3A] {strides = array<i32>} : memref<1024xf32, #tpu.memory_space<vmem>>, vector<16xf32>,
        tpu.vector_store %arg17[%swap3A], %mul3A_108 {strides = array<i32>} : memref<1024xf32, #tpu.memory_space<vmem>>, vector<16xf32>,
        %scan3A_110 = arith.constant 0 : i32
        scf.yield %scan3A_110 : i32
      }
      %scan3A_57 = arith.constant 64 : i32
      "tpu.region"() ({
        %run_scoped3A = tpu.sem_alloc : memref<!tpu.dma_semaphore, #tpu.memory_space<semaphore_mem>>
        %dma_start3A = arith.constant 0 : i32
        %dma_start3A_89 = tpu.memref_slice %arg3[%add3A, %dma_start3A] : memref<8x128xf32, #tpu.memory_space<hbm>> -> memref<1x128xf32, #tpu.memory_space<hbm>>
        %dma_start3A_90 = tpu.memref_squeeze %dma_start3A_89 : memref<1x128xf32, #tpu.memory_space<hbm>> -> memref<128xf32, #tpu.memory_space<hbm>>
        %dma_start3A_91 = arith.constant 0 : i32
        %dma_start3A_92 = tpu.memref_slice %arg3[%add3A, %dma_start3A_91] : memref<8x128xf32, #tpu.memory_space<hbm>> -> memref<1x128xf32, #tpu.memory_space<hbm>>
        %dma_start3A_93 = tpu.memref_squeeze %dma_start3A_92 : memref<1x128xf32, #tpu.memory_space<hbm>> -> memref<128xf32, #tpu.memory_space<hbm>>
        tpu.enqueue_dma source(%dma_start3A_93 : memref<128xf32, #tpu.memory_space<hbm>>) target(%arg18 : memref<128xf32, #tpu.memory_space<vmem>>) target_semaphore(%run_scoped3A : memref<!tpu.dma_semaphore, #tpu.memory_space<semaphore_mem>>)
        %dma_wait3A = arith.constant 0 : i32
        %dma_wait3A_94 = tpu.memref_slice %arg3[%add3A, %dma_wait3A] : memref<8x128xf32, #tpu.memory_space<hbm>> -> memref<1x128xf32, #tpu.memory_space<hbm>>
        %dma_wait3A_95 = tpu.memref_squeeze %dma_wait3A_94 : memref<1x128xf32, #tpu.memory_space<hbm>> -> memref<128xf32, #tpu.memory_space<hbm>>
        %dma_wait3A_96 = arith.constant 0 : i32
        %dma_wait3A_97 = tpu.memref_slice %arg3[%add3A, %dma_wait3A_96] : memref<8x128xf32, #tpu.memory_space<hbm>> -> memref<1x128xf32, #tpu.memory_space<hbm>>
        %dma_wait3A_98 = tpu.memref_squeeze %dma_wait3A_97 : memref<1x128xf32, #tpu.memory_space<hbm>> -> memref<128xf32, #tpu.memory_space<hbm>>
        tpu.wait_dma2 semaphore(%run_scoped3A : memref<!tpu.dma_semaphore, #tpu.memory_space<semaphore_mem>>) src(%dma_wait3A_98 : memref<128xf32, #tpu.memory_space<hbm>>) dst(%arg18 : memref<128xf32, #tpu.memory_space<vmem>>)
        tpu.yield
      }) : () -> ()
      %gather3A = tpu.vector_load_idx %arg18[%broadcast_in_dim3A_1] : memref<128xf32, #tpu.memory_space<vmem>>[vector<16xi32>], vector<16xf32>,
      %add3A_58 = arith.constant 1 : i32
      %add3A_59 = vector.broadcast %add3A_58 : i32 to vector<16xi32>
      %add3A_60 = arith.addi %broadcast_in_dim3A_1, %add3A_59 : vector<16xi32>
      %gather3A_61 = tpu.vector_load_idx %arg18[%add3A_60] : memref<128xf32, #tpu.memory_space<vmem>>[vector<16xi32>], vector<16xf32>,
      %add3A_62 = arith.constant 2 : i32
      %add3A_63 = vector.broadcast %add3A_62 : i32 to vector<16xi32>
      %add3A_64 = arith.addi %broadcast_in_dim3A_1, %add3A_63 : vector<16xi32>
      %gather3A_65 = tpu.vector_load_idx %arg18[%add3A_64] : memref<128xf32, #tpu.memory_space<vmem>>[vector<16xi32>], vector<16xf32>,
      %add3A_66 = arith.constant 3 : i32
      %add3A_67 = vector.broadcast %add3A_66 : i32 to vector<16xi32>
      %add3A_68 = arith.addi %broadcast_in_dim3A_1, %add3A_67 : vector<16xi32>
      %gather3A_69 = tpu.vector_load_idx %arg18[%add3A_68] : memref<128xf32, #tpu.memory_space<vmem>>[vector<16xi32>], vector<16xf32>,
      %add3A_70 = arith.constant 4 : i32
      %add3A_71 = vector.broadcast %add3A_70 : i32 to vector<16xi32>
      %add3A_72 = arith.addi %broadcast_in_dim3A_1, %add3A_71 : vector<16xi32>
      %gather3A_73 = tpu.vector_load_idx %arg18[%add3A_72] : memref<128xf32, #tpu.memory_space<vmem>>[vector<16xi32>], vector<16xf32>,
      %add3A_74 = arith.constant -1.000000e+09 : f32
      %add3A_75 = vector.broadcast %add3A_74 : f32 to vector<16xf32>
      %add3A_76 = arith.addf %broadcast_in_dim3A_3, %add3A_75 : vector<16xf32>
      %scan3A_77 = arith.constant 0 : i32
      %scan3A_78 = arith.constant 64 : i32
      %scan3A_79 = arith.addi %scan3A_77, %scan3A_78 : i32
      %scan3A_80 = arith.constant 1 : i32
      %scan3A_81 = scf.for %scan3A_89 = %scan3A_77 to %scan3A_79 step %scan3A_80 iter_args(%scan3A_90 = %add3A_76) -> (vector<16xf32>)  : i32 {
        %mul3A_91 = arith.constant 16 : i32
        %mul3A_92 = arith.muli %scan3A_89, %mul3A_91 : i32
        %get3A = arith.index_cast %mul3A_92 : i32 to index
        %get3A_93 = tpu.vector_load %arg16[%get3A] {strides = array<i32>} : memref<1024xf32, #tpu.memory_space<vmem>>, vector<16xf32>,
        %max3A_94 = arith.maximumf %scan3A_90, %get3A_93 : vector<16xf32>
        scf.yield %max3A_94 : vector<16xf32>
      }
      %scan3A_82 = arith.constant 64 : i32
      %scan3A_83 = arith.constant 0 : i32
      %scan3A_84 = arith.constant 100 : i32
      %scan3A_85 = arith.addi %scan3A_83, %scan3A_84 : i32
      %scan3A_86 = arith.constant 1 : i32
      %scan3A_87 = scf.for %scan3A_89 = %scan3A_83 to %scan3A_85 step %scan3A_86 iter_args(%scan3A_90 = %scan3A_81) -> (vector<16xf32>)  : i32 {
        %swap3A = arith.constant 0 : index
        %swap3A_91 = tpu.vector_load %arg20[%swap3A] {strides = array<i32>} : memref<16xf32, #tpu.memory_space<vmem>>, vector<16xf32>,
        tpu.vector_store %arg20[%swap3A], %scan3A_90 {strides = array<i32>} : memref<16xf32, #tpu.memory_space<vmem>>, vector<16xf32>,
        %gather3A_92 = tpu.vector_load_idx %arg20[%xor3A_27] : memref<16xf32, #tpu.memory_space<vmem>>[vector<16xi32>], vector<16xf32>,
        %max3A_93 = arith.maximumf %scan3A_90, %gather3A_92 : vector<16xf32>
        %swap3A_94 = arith.constant 0 : index
        %swap3A_95 = tpu.vector_load %arg20[%swap3A_94] {strides = array<i32>} : memref<16xf32, #tpu.memory_space<vmem>>, vector<16xf32>,
        tpu.vector_store %arg20[%swap3A_94], %max3A_93 {strides = array<i32>} : memref<16xf32, #tpu.memory_space<vmem>>, vector<16xf32>,
        %gather3A_96 = tpu.vector_load_idx %arg20[%xor3A_30] : memref<16xf32, #tpu.memory_space<vmem>>[vector<16xi32>], vector<16xf32>,
        %max3A_97 = arith.maximumf %max3A_93, %gather3A_96 : vector<16xf32>
        %swap3A_98 = arith.constant 0 : index
        %swap3A_99 = tpu.vector_load %arg20[%swap3A_98] {strides = array<i32>} : memref<16xf32, #tpu.memory_space<vmem>>, vector<16xf32>,
        tpu.vector_store %arg20[%swap3A_98], %max3A_97 {strides = array<i32>} : memref<16xf32, #tpu.memory_space<vmem>>, vector<16xf32>,
        %gather3A_100 = tpu.vector_load_idx %arg20[%xor3A_33] : memref<16xf32, #tpu.memory_space<vmem>>[vector<16xi32>], vector<16xf32>,
        %max3A_101 = arith.maximumf %max3A_97, %gather3A_100 : vector<16xf32>
        %swap3A_102 = arith.constant 0 : index
        %swap3A_103 = tpu.vector_load %arg20[%swap3A_102] {strides = array<i32>} : memref<16xf32, #tpu.memory_space<vmem>>, vector<16xf32>,
        tpu.vector_store %arg20[%swap3A_102], %max3A_101 {strides = array<i32>} : memref<16xf32, #tpu.memory_space<vmem>>, vector<16xf32>,
        %gather3A_104 = tpu.vector_load_idx %arg20[%xor3A_36] : memref<16xf32, #tpu.memory_space<vmem>>[vector<16xi32>], vector<16xf32>,
        %max3A_105 = arith.maximumf %max3A_101, %gather3A_104 : vector<16xf32>
        %add3A_106 = arith.constant 1024 : i32
        %add3A_107 = vector.broadcast %add3A_106 : i32 to vector<16xi32>
        %add3A_108 = arith.addi %broadcast_in_dim3A_1, %add3A_107 : vector<16xi32>
        %scan3A_109 = arith.constant 0 : i32
        %scan3A_110 = arith.constant 16 : i32
        %scan3A_111 = arith.addi %scan3A_109, %scan3A_110 : i32
        %scan3A_112 = arith.constant 1 : i32
        %scan3A_113 = scf.for %scan3A_187 = %scan3A_109 to %scan3A_111 step %scan3A_112 iter_args(%scan3A_188 = %add3A_108) -> (vector<16xi32>)  : i32 {
          %mul3A_189 = arith.constant 4 : i32
          %mul3A_190 = arith.muli %scan3A_187, %mul3A_189 : i32
          %add3A_191 = arith.constant 0 : i32
          %add3A_192 = arith.addi %mul3A_190, %add3A_191 : i32
          %mul3A_193 = arith.constant 16 : i32
          %mul3A_194 = arith.muli %add3A_192, %mul3A_193 : i32
          %get3A = arith.index_cast %mul3A_194 : i32 to index
          %get3A_195 = tpu.vector_load %arg16[%get3A] {strides = array<i32>} : memref<1024xf32, #tpu.memory_space<vmem>>, vector<16xf32>,
          %eq3A_196 = arith.cmpf oeq, %get3A_195, %max3A_105 : vector<16xf32>
          %mul3A_197 = arith.constant 16 : i32
          %mul3A_198 = arith.muli %add3A_192, %mul3A_197 : i32
          %add3A_199 = vector.broadcast %mul3A_198 : i32 to vector<16xi32>
          %add3A_200 = arith.addi %iota3A, %add3A_199 : vector<16xi32>
          %jit3A = arith.constant 1024 : i32
          %broadcast_in_dim3A_201 = vector.broadcast %jit3A : i32 to vector<16xi32>
          %select_n3A_202 = arith.select %eq3A_196, %add3A_200, %broadcast_in_dim3A_201 : vector<16xi1>, vector<16xi32>
          %min3A_203 = arith.minsi %scan3A_188, %select_n3A_202 : vector<16xi32>
          %mul3A_204 = arith.constant 4 : i32
          %mul3A_205 = arith.muli %scan3A_187, %mul3A_204 : i32
          %add3A_206 = arith.constant 1 : i32
          %add3A_207 = arith.addi %mul3A_205, %add3A_206 : i32
          %mul3A_208 = arith.constant 16 : i32
          %mul3A_209 = arith.muli %add3A_207, %mul3A_208 : i32
          %get3A_210 = arith.index_cast %mul3A_209 : i32 to index
          %get3A_211 = tpu.vector_load %arg16[%get3A_210] {strides = array<i32>} : memref<1024xf32, #tpu.memory_space<vmem>>, vector<16xf32>,
          %eq3A_212 = arith.cmpf oeq, %get3A_211, %max3A_105 : vector<16xf32>
          %mul3A_213 = arith.constant 16 : i32
          %mul3A_214 = arith.muli %add3A_207, %mul3A_213 : i32
          %add3A_215 = vector.broadcast %mul3A_214 : i32 to vector<16xi32>
          %add3A_216 = arith.addi %iota3A, %add3A_215 : vector<16xi32>
          %jit3A_217 = arith.constant 1024 : i32
          %broadcast_in_dim3A_218 = vector.broadcast %jit3A_217 : i32 to vector<16xi32>
          %select_n3A_219 = arith.select %eq3A_212, %add3A_216, %broadcast_in_dim3A_218 : vector<16xi1>, vector<16xi32>
          %min3A_220 = arith.minsi %min3A_203, %select_n3A_219 : vector<16xi32>
          %mul3A_221 = arith.constant 4 : i32
          %mul3A_222 = arith.muli %scan3A_187, %mul3A_221 : i32
          %add3A_223 = arith.constant 2 : i32
          %add3A_224 = arith.addi %mul3A_222, %add3A_223 : i32
          %mul3A_225 = arith.constant 16 : i32
          %mul3A_226 = arith.muli %add3A_224, %mul3A_225 : i32
          %get3A_227 = arith.index_cast %mul3A_226 : i32 to index
          %get3A_228 = tpu.vector_load %arg16[%get3A_227] {strides = array<i32>} : memref<1024xf32, #tpu.memory_space<vmem>>, vector<16xf32>,
          %eq3A_229 = arith.cmpf oeq, %get3A_228, %max3A_105 : vector<16xf32>
          %mul3A_230 = arith.constant 16 : i32
          %mul3A_231 = arith.muli %add3A_224, %mul3A_230 : i32
          %add3A_232 = vector.broadcast %mul3A_231 : i32 to vector<16xi32>
          %add3A_233 = arith.addi %iota3A, %add3A_232 : vector<16xi32>
          %jit3A_234 = arith.constant 1024 : i32
          %broadcast_in_dim3A_235 = vector.broadcast %jit3A_234 : i32 to vector<16xi32>
          %select_n3A_236 = arith.select %eq3A_229, %add3A_233, %broadcast_in_dim3A_235 : vector<16xi1>, vector<16xi32>
          %min3A_237 = arith.minsi %min3A_220, %select_n3A_236 : vector<16xi32>
          %mul3A_238 = arith.constant 4 : i32
          %mul3A_239 = arith.muli %scan3A_187, %mul3A_238 : i32
          %add3A_240 = arith.constant 3 : i32
          %add3A_241 = arith.addi %mul3A_239, %add3A_240 : i32
          %mul3A_242 = arith.constant 16 : i32
          %mul3A_243 = arith.muli %add3A_241, %mul3A_242 : i32
          %get3A_244 = arith.index_cast %mul3A_243 : i32 to index
          %get3A_245 = tpu.vector_load %arg16[%get3A_244] {strides = array<i32>} : memref<1024xf32, #tpu.memory_space<vmem>>, vector<16xf32>,
          %eq3A_246 = arith.cmpf oeq, %get3A_245, %max3A_105 : vector<16xf32>
          %mul3A_247 = arith.constant 16 : i32
          %mul3A_248 = arith.muli %add3A_241, %mul3A_247 : i32
          %add3A_249 = vector.broadcast %mul3A_248 : i32 to vector<16xi32>
          %add3A_250 = arith.addi %iota3A, %add3A_249 : vector<16xi32>
          %jit3A_251 = arith.constant 1024 : i32
          %broadcast_in_dim3A_252 = vector.broadcast %jit3A_251 : i32 to vector<16xi32>
          %select_n3A_253 = arith.select %eq3A_246, %add3A_250, %broadcast_in_dim3A_252 : vector<16xi1>, vector<16xi32>
          %min3A_254 = arith.minsi %min3A_237, %select_n3A_253 : vector<16xi32>
          scf.yield %min3A_254 : vector<16xi32>
        }
        %scan3A_114 = arith.constant 16 : i32
        %swap3A_115 = arith.constant 0 : index
        %swap3A_116 = tpu.vector_load %arg21[%swap3A_115] {strides = array<i32>} : memref<16xi32, #tpu.memory_space<vmem>>, vector<16xi32>,
        tpu.vector_store %arg21[%swap3A_115], %scan3A_113 {strides = array<i32>} : memref<16xi32, #tpu.memory_space<vmem>>, vector<16xi32>,
        %gather3A_117 = tpu.vector_load_idx %arg21[%xor3A_27] : memref<16xi32, #tpu.memory_space<vmem>>[vector<16xi32>], vector<16xi32>,
        %min3A = arith.minsi %scan3A_113, %gather3A_117 : vector<16xi32>
        %swap3A_118 = arith.constant 0 : index
        %swap3A_119 = tpu.vector_load %arg21[%swap3A_118] {strides = array<i32>} : memref<16xi32, #tpu.memory_space<vmem>>, vector<16xi32>,
        tpu.vector_store %arg21[%swap3A_118], %min3A {strides = array<i32>} : memref<16xi32, #tpu.memory_space<vmem>>, vector<16xi32>,
        %gather3A_120 = tpu.vector_load_idx %arg21[%xor3A_30] : memref<16xi32, #tpu.memory_space<vmem>>[vector<16xi32>], vector<16xi32>,
        %min3A_121 = arith.minsi %min3A, %gather3A_120 : vector<16xi32>
        %swap3A_122 = arith.constant 0 : index
        %swap3A_123 = tpu.vector_load %arg21[%swap3A_122] {strides = array<i32>} : memref<16xi32, #tpu.memory_space<vmem>>, vector<16xi32>,
        tpu.vector_store %arg21[%swap3A_122], %min3A_121 {strides = array<i32>} : memref<16xi32, #tpu.memory_space<vmem>>, vector<16xi32>,
        %gather3A_124 = tpu.vector_load_idx %arg21[%xor3A_33] : memref<16xi32, #tpu.memory_space<vmem>>[vector<16xi32>], vector<16xi32>,
        %min3A_125 = arith.minsi %min3A_121, %gather3A_124 : vector<16xi32>
        %swap3A_126 = arith.constant 0 : index
        %swap3A_127 = tpu.vector_load %arg21[%swap3A_126] {strides = array<i32>} : memref<16xi32, #tpu.memory_space<vmem>>, vector<16xi32>,
        tpu.vector_store %arg21[%swap3A_126], %min3A_125 {strides = array<i32>} : memref<16xi32, #tpu.memory_space<vmem>>, vector<16xi32>,
        %gather3A_128 = tpu.vector_load_idx %arg21[%xor3A_36] : memref<16xi32, #tpu.memory_space<vmem>>[vector<16xi32>], vector<16xi32>,
        %min3A_129 = arith.minsi %min3A_125, %gather3A_128 : vector<16xi32>
        %gather3A_130 = tpu.vector_load_idx %arg11[%min3A_129] : memref<1024xf32, #tpu.memory_space<vmem>>[vector<16xi32>], vector<16xf32>,
        %gather3A_131 = tpu.vector_load_idx %arg12[%min3A_129] : memref<1024xf32, #tpu.memory_space<vmem>>[vector<16xi32>], vector<16xf32>,
        %gather3A_132 = tpu.vector_load_idx %arg13[%min3A_129] : memref<1024xf32, #tpu.memory_space<vmem>>[vector<16xi32>], vector<16xf32>,
        %gather3A_133 = tpu.vector_load_idx %arg14[%min3A_129] : memref<1024xf32, #tpu.memory_space<vmem>>[vector<16xi32>], vector<16xf32>,
        %gather3A_134 = tpu.vector_load_idx %arg15[%min3A_129] : memref<1024xf32, #tpu.memory_space<vmem>>[vector<16xi32>], vector<16xf32>,
        %le3A = arith.constant -1.000000e+08 : f32
        %le3A_135 = vector.broadcast %le3A : f32 to vector<16xf32>
        %le3A_136 = arith.cmpf ole, %max3A_105, %le3A_135 : vector<16xf32>
        %sub3A_137 = arith.subf %gather3A_132, %gather3A_130 : vector<16xf32>
        %max3A_138 = arith.constant 0.000000e+00 : f32
        %max3A_139 = vector.broadcast %max3A_138 : f32 to vector<16xf32>
        %max3A_140 = arith.maximumf %sub3A_137, %max3A_139 : vector<16xf32>
        %sub3A_141 = arith.subf %gather3A_133, %gather3A_131 : vector<16xf32>
        %max3A_142 = arith.constant 0.000000e+00 : f32
        %max3A_143 = vector.broadcast %max3A_142 : f32 to vector<16xf32>
        %max3A_144 = arith.maximumf %sub3A_141, %max3A_143 : vector<16xf32>
        %mul3A_145 = arith.mulf %max3A_140, %max3A_144 : vector<16xf32>
        %select_n3A = arith.select %le3A_136, %gather3A, %gather3A_130 : vector<16xi1>, vector<16xf32>
        %select_n3A_146 = arith.select %le3A_136, %gather3A_61, %gather3A_131 : vector<16xi1>, vector<16xf32>
        %select_n3A_147 = arith.select %le3A_136, %gather3A_65, %gather3A_132 : vector<16xi1>, vector<16xf32>
        %select_n3A_148 = arith.select %le3A_136, %gather3A_69, %gather3A_133 : vector<16xi1>, vector<16xf32>
        %select_n3A_149 = arith.select %le3A_136, %gather3A_73, %gather3A_134 : vector<16xi1>, vector<16xf32>
        %select_n3A_150 = arith.select %le3A_136, %broadcast_in_dim3A_3, %max3A_105 : vector<16xi1>, vector<16xf32>
        %eq3A = arith.constant 0 : i32
        %eq3A_151 = vector.broadcast %eq3A : i32 to vector<16xi32>
        %eq3A_152 = arith.cmpi eq, %iota3A, %eq3A_151 : vector<16xi32>
        %eq3A_153 = arith.constant 1 : i32
        %eq3A_154 = vector.broadcast %eq3A_153 : i32 to vector<16xi32>
        %eq3A_155 = arith.cmpi eq, %iota3A, %eq3A_154 : vector<16xi32>
        %eq3A_156 = arith.constant 2 : i32
        %eq3A_157 = vector.broadcast %eq3A_156 : i32 to vector<16xi32>
        %eq3A_158 = arith.cmpi eq, %iota3A, %eq3A_157 : vector<16xi32>
        %eq3A_159 = arith.constant 3 : i32
        %eq3A_160 = vector.broadcast %eq3A_159 : i32 to vector<16xi32>
        %eq3A_161 = arith.cmpi eq, %iota3A, %eq3A_160 : vector<16xi32>
        %eq3A_162 = arith.constant 4 : i32
        %eq3A_163 = vector.broadcast %eq3A_162 : i32 to vector<16xi32>
        %eq3A_164 = arith.cmpi eq, %iota3A, %eq3A_163 : vector<16xi32>
        %eq3A_165 = arith.constant 5 : i32
        %eq3A_166 = vector.broadcast %eq3A_165 : i32 to vector<16xi32>
        %eq3A_167 = arith.cmpi eq, %iota3A, %eq3A_166 : vector<16xi32>
        %select_n3A_168 = arith.select %eq3A_167, %select_n3A_149, %broadcast_in_dim3A_3 : vector<16xi1>, vector<16xf32>
        %select_n3A_169 = arith.select %eq3A_164, %select_n3A_150, %select_n3A_168 : vector<16xi1>, vector<16xf32>
        %select_n3A_170 = arith.select %eq3A_161, %select_n3A_148, %select_n3A_169 : vector<16xi1>, vector<16xf32>
        %select_n3A_171 = arith.select %eq3A_158, %select_n3A_147, %select_n3A_170 : vector<16xi1>, vector<16xf32>
        %select_n3A_172 = arith.select %eq3A_155, %select_n3A_146, %select_n3A_171 : vector<16xi1>, vector<16xf32>
        %select_n3A_173 = arith.select %eq3A_152, %select_n3A, %select_n3A_172 : vector<16xi1>, vector<16xf32>
        %mul3A_174 = arith.constant 16 : i32
        %mul3A_175 = arith.muli %scan3A_89, %mul3A_174 : i32
        %swap3A_176 = arith.index_cast %mul3A_175 : i32 to index
        %swap3A_177 = tpu.vector_load %arg19[%swap3A_176] {strides = array<i32>} : memref<1600xf32, #tpu.memory_space<vmem>>, vector<16xf32>,
        tpu.vector_store %arg19[%swap3A_176], %select_n3A_173 {strides = array<i32>} : memref<1600xf32, #tpu.memory_space<vmem>>, vector<16xf32>,
        %add3A_178 = arith.constant -1.000000e+09 : f32
        %add3A_179 = vector.broadcast %add3A_178 : f32 to vector<16xf32>
        %add3A_180 = arith.addf %broadcast_in_dim3A_3, %add3A_179 : vector<16xf32>
        %scan3A_181 = arith.constant 0 : i32
        %scan3A_182 = arith.constant 16 : i32
        %scan3A_183 = arith.addi %scan3A_181, %scan3A_182 : i32
        %scan3A_184 = arith.constant 1 : i32
        %scan3A_185 = scf.for %scan3A_187 = %scan3A_181 to %scan3A_183 step %scan3A_184 iter_args(%scan3A_188 = %add3A_180) -> (vector<16xf32>)  : i32 {
          %mul3A_189 = arith.constant 4 : i32
          %mul3A_190 = arith.muli %scan3A_187, %mul3A_189 : i32
          %add3A_191 = arith.constant 0 : i32
          %add3A_192 = arith.addi %mul3A_190, %add3A_191 : i32
          %mul3A_193 = arith.constant 16 : i32
          %mul3A_194 = arith.muli %add3A_192, %mul3A_193 : i32
          %get3A = arith.index_cast %mul3A_194 : i32 to index
          %get3A_195 = tpu.vector_load %arg11[%get3A] {strides = array<i32>} : memref<1024xf32, #tpu.memory_space<vmem>>, vector<16xf32>,
          %max3A_196 = arith.maximumf %gather3A_130, %get3A_195 : vector<16xf32>
          %get3A_197 = arith.index_cast %mul3A_194 : i32 to index
          %get3A_198 = tpu.vector_load %arg12[%get3A_197] {strides = array<i32>} : memref<1024xf32, #tpu.memory_space<vmem>>, vector<16xf32>,
          %max3A_199 = arith.maximumf %gather3A_131, %get3A_198 : vector<16xf32>
          %get3A_200 = arith.index_cast %mul3A_194 : i32 to index
          %get3A_201 = tpu.vector_load %arg13[%get3A_200] {strides = array<i32>} : memref<1024xf32, #tpu.memory_space<vmem>>, vector<16xf32>,
          %min3A_202 = arith.minimumf %gather3A_132, %get3A_201 : vector<16xf32>
          %get3A_203 = arith.index_cast %mul3A_194 : i32 to index
          %get3A_204 = tpu.vector_load %arg14[%get3A_203] {strides = array<i32>} : memref<1024xf32, #tpu.memory_space<vmem>>, vector<16xf32>,
          %min3A_205 = arith.minimumf %gather3A_133, %get3A_204 : vector<16xf32>
          %sub3A_206 = arith.subf %min3A_202, %max3A_196 : vector<16xf32>
          %max3A_207 = arith.constant 0.000000e+00 : f32
          %max3A_208 = vector.broadcast %max3A_207 : f32 to vector<16xf32>
          %max3A_209 = arith.maximumf %sub3A_206, %max3A_208 : vector<16xf32>
          %sub3A_210 = arith.subf %min3A_205, %max3A_199 : vector<16xf32>
          %max3A_211 = arith.constant 0.000000e+00 : f32
          %max3A_212 = vector.broadcast %max3A_211 : f32 to vector<16xf32>
          %max3A_213 = arith.maximumf %sub3A_210, %max3A_212 : vector<16xf32>
          %mul3A_214 = arith.mulf %max3A_209, %max3A_213 : vector<16xf32>
          %get3A_215 = arith.index_cast %mul3A_194 : i32 to index
          %get3A_216 = tpu.vector_load %arg17[%get3A_215] {strides = array<i32>} : memref<1024xf32, #tpu.memory_space<vmem>>, vector<16xf32>,
          %add3A_217 = arith.addf %mul3A_145, %get3A_216 : vector<16xf32>
          %sub3A_218 = arith.subf %add3A_217, %mul3A_214 : vector<16xf32>
          %add3A_219 = arith.constant 9.99999971E-10 : f32
          %add3A_220 = vector.broadcast %add3A_219 : f32 to vector<16xf32>
          %add3A_221 = arith.addf %sub3A_218, %add3A_220 : vector<16xf32>
          %div3A = arith.divf %mul3A_214, %add3A_221 : vector<16xf32>
          %gt3A = arith.constant 5.000000e-01 : f32
          %gt3A_222 = vector.broadcast %gt3A : f32 to vector<16xf32>
          %gt3A_223 = arith.cmpf ogt, %div3A, %gt3A_222 : vector<16xf32>
          %mul3A_224 = arith.constant 16 : i32
          %mul3A_225 = arith.muli %add3A_192, %mul3A_224 : i32
          %add3A_226 = vector.broadcast %mul3A_225 : i32 to vector<16xi32>
          %add3A_227 = arith.addi %iota3A, %add3A_226 : vector<16xi32>
          %eq3A_228 = arith.cmpi eq, %add3A_227, %min3A_129 : vector<16xi32>
          %or3A = arith.ori %gt3A_223, %eq3A_228 : vector<16xi1>
          %add3A_229 = arith.constant -1.000000e+09 : f32
          %add3A_230 = vector.broadcast %add3A_229 : f32 to vector<16xf32>
          %add3A_231 = arith.addf %broadcast_in_dim3A_3, %add3A_230 : vector<16xf32>
          %get3A_232 = arith.index_cast %mul3A_194 : i32 to index
          %get3A_233 = tpu.vector_load %arg16[%get3A_232] {strides = array<i32>} : memref<1024xf32, #tpu.memory_space<vmem>>, vector<16xf32>,
          %select_n3A_234 = arith.select %or3A, %add3A_231, %get3A_233 : vector<16xi1>, vector<16xf32>
          %swap3A_235 = arith.index_cast %mul3A_194 : i32 to index
          %swap3A_236 = tpu.vector_load %arg16[%swap3A_235] {strides = array<i32>} : memref<1024xf32, #tpu.memory_space<vmem>>, vector<16xf32>,
          tpu.vector_store %arg16[%swap3A_235], %select_n3A_234 {strides = array<i32>} : memref<1024xf32, #tpu.memory_space<vmem>>, vector<16xf32>,
          %max3A_237 = arith.maximumf %scan3A_188, %select_n3A_234 : vector<16xf32>
          %mul3A_238 = arith.constant 4 : i32
          %mul3A_239 = arith.muli %scan3A_187, %mul3A_238 : i32
          %add3A_240 = arith.constant 1 : i32
          %add3A_241 = arith.addi %mul3A_239, %add3A_240 : i32
          %mul3A_242 = arith.constant 16 : i32
          %mul3A_243 = arith.muli %add3A_241, %mul3A_242 : i32
          %get3A_244 = arith.index_cast %mul3A_243 : i32 to index
          %get3A_245 = tpu.vector_load %arg11[%get3A_244] {strides = array<i32>} : memref<1024xf32, #tpu.memory_space<vmem>>, vector<16xf32>,
          %max3A_246 = arith.maximumf %gather3A_130, %get3A_245 : vector<16xf32>
          %get3A_247 = arith.index_cast %mul3A_243 : i32 to index
          %get3A_248 = tpu.vector_load %arg12[%get3A_247] {strides = array<i32>} : memref<1024xf32, #tpu.memory_space<vmem>>, vector<16xf32>,
          %max3A_249 = arith.maximumf %gather3A_131, %get3A_248 : vector<16xf32>
          %get3A_250 = arith.index_cast %mul3A_243 : i32 to index
          %get3A_251 = tpu.vector_load %arg13[%get3A_250] {strides = array<i32>} : memref<1024xf32, #tpu.memory_space<vmem>>, vector<16xf32>,
          %min3A_252 = arith.minimumf %gather3A_132, %get3A_251 : vector<16xf32>
          %get3A_253 = arith.index_cast %mul3A_243 : i32 to index
          %get3A_254 = tpu.vector_load %arg14[%get3A_253] {strides = array<i32>} : memref<1024xf32, #tpu.memory_space<vmem>>, vector<16xf32>,
          %min3A_255 = arith.minimumf %gather3A_133, %get3A_254 : vector<16xf32>
          %sub3A_256 = arith.subf %min3A_252, %max3A_246 : vector<16xf32>
          %max3A_257 = arith.constant 0.000000e+00 : f32
          %max3A_258 = vector.broadcast %max3A_257 : f32 to vector<16xf32>
          %max3A_259 = arith.maximumf %sub3A_256, %max3A_258 : vector<16xf32>
          %sub3A_260 = arith.subf %min3A_255, %max3A_249 : vector<16xf32>
          %max3A_261 = arith.constant 0.000000e+00 : f32
          %max3A_262 = vector.broadcast %max3A_261 : f32 to vector<16xf32>
          %max3A_263 = arith.maximumf %sub3A_260, %max3A_262 : vector<16xf32>
          %mul3A_264 = arith.mulf %max3A_259, %max3A_263 : vector<16xf32>
          %get3A_265 = arith.index_cast %mul3A_243 : i32 to index
          %get3A_266 = tpu.vector_load %arg17[%get3A_265] {strides = array<i32>} : memref<1024xf32, #tpu.memory_space<vmem>>, vector<16xf32>,
          %add3A_267 = arith.addf %mul3A_145, %get3A_266 : vector<16xf32>
          %sub3A_268 = arith.subf %add3A_267, %mul3A_264 : vector<16xf32>
          %add3A_269 = arith.constant 9.99999971E-10 : f32
          %add3A_270 = vector.broadcast %add3A_269 : f32 to vector<16xf32>
          %add3A_271 = arith.addf %sub3A_268, %add3A_270 : vector<16xf32>
          %div3A_272 = arith.divf %mul3A_264, %add3A_271 : vector<16xf32>
          %gt3A_273 = arith.constant 5.000000e-01 : f32
          %gt3A_274 = vector.broadcast %gt3A_273 : f32 to vector<16xf32>
          %gt3A_275 = arith.cmpf ogt, %div3A_272, %gt3A_274 : vector<16xf32>
          %mul3A_276 = arith.constant 16 : i32
          %mul3A_277 = arith.muli %add3A_241, %mul3A_276 : i32
          %add3A_278 = vector.broadcast %mul3A_277 : i32 to vector<16xi32>
          %add3A_279 = arith.addi %iota3A, %add3A_278 : vector<16xi32>
          %eq3A_280 = arith.cmpi eq, %add3A_279, %min3A_129 : vector<16xi32>
          %or3A_281 = arith.ori %gt3A_275, %eq3A_280 : vector<16xi1>
          %add3A_282 = arith.constant -1.000000e+09 : f32
          %add3A_283 = vector.broadcast %add3A_282 : f32 to vector<16xf32>
          %add3A_284 = arith.addf %broadcast_in_dim3A_3, %add3A_283 : vector<16xf32>
          %get3A_285 = arith.index_cast %mul3A_243 : i32 to index
          %get3A_286 = tpu.vector_load %arg16[%get3A_285] {strides = array<i32>} : memref<1024xf32, #tpu.memory_space<vmem>>, vector<16xf32>,
          %select_n3A_287 = arith.select %or3A_281, %add3A_284, %get3A_286 : vector<16xi1>, vector<16xf32>
          %swap3A_288 = arith.index_cast %mul3A_243 : i32 to index
          %swap3A_289 = tpu.vector_load %arg16[%swap3A_288] {strides = array<i32>} : memref<1024xf32, #tpu.memory_space<vmem>>, vector<16xf32>,
          tpu.vector_store %arg16[%swap3A_288], %select_n3A_287 {strides = array<i32>} : memref<1024xf32, #tpu.memory_space<vmem>>, vector<16xf32>,
          %max3A_290 = arith.maximumf %max3A_237, %select_n3A_287 : vector<16xf32>
          %mul3A_291 = arith.constant 4 : i32
          %mul3A_292 = arith.muli %scan3A_187, %mul3A_291 : i32
          %add3A_293 = arith.constant 2 : i32
          %add3A_294 = arith.addi %mul3A_292, %add3A_293 : i32
          %mul3A_295 = arith.constant 16 : i32
          %mul3A_296 = arith.muli %add3A_294, %mul3A_295 : i32
          %get3A_297 = arith.index_cast %mul3A_296 : i32 to index
          %get3A_298 = tpu.vector_load %arg11[%get3A_297] {strides = array<i32>} : memref<1024xf32, #tpu.memory_space<vmem>>, vector<16xf32>,
          %max3A_299 = arith.maximumf %gather3A_130, %get3A_298 : vector<16xf32>
          %get3A_300 = arith.index_cast %mul3A_296 : i32 to index
          %get3A_301 = tpu.vector_load %arg12[%get3A_300] {strides = array<i32>} : memref<1024xf32, #tpu.memory_space<vmem>>, vector<16xf32>,
          %max3A_302 = arith.maximumf %gather3A_131, %get3A_301 : vector<16xf32>
          %get3A_303 = arith.index_cast %mul3A_296 : i32 to index
          %get3A_304 = tpu.vector_load %arg13[%get3A_303] {strides = array<i32>} : memref<1024xf32, #tpu.memory_space<vmem>>, vector<16xf32>,
          %min3A_305 = arith.minimumf %gather3A_132, %get3A_304 : vector<16xf32>
          %get3A_306 = arith.index_cast %mul3A_296 : i32 to index
          %get3A_307 = tpu.vector_load %arg14[%get3A_306] {strides = array<i32>} : memref<1024xf32, #tpu.memory_space<vmem>>, vector<16xf32>,
          %min3A_308 = arith.minimumf %gather3A_133, %get3A_307 : vector<16xf32>
          %sub3A_309 = arith.subf %min3A_305, %max3A_299 : vector<16xf32>
          %max3A_310 = arith.constant 0.000000e+00 : f32
          %max3A_311 = vector.broadcast %max3A_310 : f32 to vector<16xf32>
          %max3A_312 = arith.maximumf %sub3A_309, %max3A_311 : vector<16xf32>
          %sub3A_313 = arith.subf %min3A_308, %max3A_302 : vector<16xf32>
          %max3A_314 = arith.constant 0.000000e+00 : f32
          %max3A_315 = vector.broadcast %max3A_314 : f32 to vector<16xf32>
          %max3A_316 = arith.maximumf %sub3A_313, %max3A_315 : vector<16xf32>
          %mul3A_317 = arith.mulf %max3A_312, %max3A_316 : vector<16xf32>
          %get3A_318 = arith.index_cast %mul3A_296 : i32 to index
          %get3A_319 = tpu.vector_load %arg17[%get3A_318] {strides = array<i32>} : memref<1024xf32, #tpu.memory_space<vmem>>, vector<16xf32>,
          %add3A_320 = arith.addf %mul3A_145, %get3A_319 : vector<16xf32>
          %sub3A_321 = arith.subf %add3A_320, %mul3A_317 : vector<16xf32>
          %add3A_322 = arith.constant 9.99999971E-10 : f32
          %add3A_323 = vector.broadcast %add3A_322 : f32 to vector<16xf32>
          %add3A_324 = arith.addf %sub3A_321, %add3A_323 : vector<16xf32>
          %div3A_325 = arith.divf %mul3A_317, %add3A_324 : vector<16xf32>
          %gt3A_326 = arith.constant 5.000000e-01 : f32
          %gt3A_327 = vector.broadcast %gt3A_326 : f32 to vector<16xf32>
          %gt3A_328 = arith.cmpf ogt, %div3A_325, %gt3A_327 : vector<16xf32>
          %mul3A_329 = arith.constant 16 : i32
          %mul3A_330 = arith.muli %add3A_294, %mul3A_329 : i32
          %add3A_331 = vector.broadcast %mul3A_330 : i32 to vector<16xi32>
          %add3A_332 = arith.addi %iota3A, %add3A_331 : vector<16xi32>
          %eq3A_333 = arith.cmpi eq, %add3A_332, %min3A_129 : vector<16xi32>
          %or3A_334 = arith.ori %gt3A_328, %eq3A_333 : vector<16xi1>
          %add3A_335 = arith.constant -1.000000e+09 : f32
          %add3A_336 = vector.broadcast %add3A_335 : f32 to vector<16xf32>
          %add3A_337 = arith.addf %broadcast_in_dim3A_3, %add3A_336 : vector<16xf32>
          %get3A_338 = arith.index_cast %mul3A_296 : i32 to index
          %get3A_339 = tpu.vector_load %arg16[%get3A_338] {strides = array<i32>} : memref<1024xf32, #tpu.memory_space<vmem>>, vector<16xf32>,
          %select_n3A_340 = arith.select %or3A_334, %add3A_337, %get3A_339 : vector<16xi1>, vector<16xf32>
          %swap3A_341 = arith.index_cast %mul3A_296 : i32 to index
          %swap3A_342 = tpu.vector_load %arg16[%swap3A_341] {strides = array<i32>} : memref<1024xf32, #tpu.memory_space<vmem>>, vector<16xf32>,
          tpu.vector_store %arg16[%swap3A_341], %select_n3A_340 {strides = array<i32>} : memref<1024xf32, #tpu.memory_space<vmem>>, vector<16xf32>,
          %max3A_343 = arith.maximumf %max3A_290, %select_n3A_340 : vector<16xf32>
          %mul3A_344 = arith.constant 4 : i32
          %mul3A_345 = arith.muli %scan3A_187, %mul3A_344 : i32
          %add3A_346 = arith.constant 3 : i32
          %add3A_347 = arith.addi %mul3A_345, %add3A_346 : i32
          %mul3A_348 = arith.constant 16 : i32
          %mul3A_349 = arith.muli %add3A_347, %mul3A_348 : i32
          %get3A_350 = arith.index_cast %mul3A_349 : i32 to index
          %get3A_351 = tpu.vector_load %arg11[%get3A_350] {strides = array<i32>} : memref<1024xf32, #tpu.memory_space<vmem>>, vector<16xf32>,
          %max3A_352 = arith.maximumf %gather3A_130, %get3A_351 : vector<16xf32>
          %get3A_353 = arith.index_cast %mul3A_349 : i32 to index
          %get3A_354 = tpu.vector_load %arg12[%get3A_353] {strides = array<i32>} : memref<1024xf32, #tpu.memory_space<vmem>>, vector<16xf32>,
          %max3A_355 = arith.maximumf %gather3A_131, %get3A_354 : vector<16xf32>
          %get3A_356 = arith.index_cast %mul3A_349 : i32 to index
          %get3A_357 = tpu.vector_load %arg13[%get3A_356] {strides = array<i32>} : memref<1024xf32, #tpu.memory_space<vmem>>, vector<16xf32>,
          %min3A_358 = arith.minimumf %gather3A_132, %get3A_357 : vector<16xf32>
          %get3A_359 = arith.index_cast %mul3A_349 : i32 to index
          %get3A_360 = tpu.vector_load %arg14[%get3A_359] {strides = array<i32>} : memref<1024xf32, #tpu.memory_space<vmem>>, vector<16xf32>,
          %min3A_361 = arith.minimumf %gather3A_133, %get3A_360 : vector<16xf32>
          %sub3A_362 = arith.subf %min3A_358, %max3A_352 : vector<16xf32>
          %max3A_363 = arith.constant 0.000000e+00 : f32
          %max3A_364 = vector.broadcast %max3A_363 : f32 to vector<16xf32>
          %max3A_365 = arith.maximumf %sub3A_362, %max3A_364 : vector<16xf32>
          %sub3A_366 = arith.subf %min3A_361, %max3A_355 : vector<16xf32>
          %max3A_367 = arith.constant 0.000000e+00 : f32
          %max3A_368 = vector.broadcast %max3A_367 : f32 to vector<16xf32>
          %max3A_369 = arith.maximumf %sub3A_366, %max3A_368 : vector<16xf32>
          %mul3A_370 = arith.mulf %max3A_365, %max3A_369 : vector<16xf32>
          %get3A_371 = arith.index_cast %mul3A_349 : i32 to index
          %get3A_372 = tpu.vector_load %arg17[%get3A_371] {strides = array<i32>} : memref<1024xf32, #tpu.memory_space<vmem>>, vector<16xf32>,
          %add3A_373 = arith.addf %mul3A_145, %get3A_372 : vector<16xf32>
          %sub3A_374 = arith.subf %add3A_373, %mul3A_370 : vector<16xf32>
          %add3A_375 = arith.constant 9.99999971E-10 : f32
          %add3A_376 = vector.broadcast %add3A_375 : f32 to vector<16xf32>
          %add3A_377 = arith.addf %sub3A_374, %add3A_376 : vector<16xf32>
          %div3A_378 = arith.divf %mul3A_370, %add3A_377 : vector<16xf32>
          %gt3A_379 = arith.constant 5.000000e-01 : f32
          %gt3A_380 = vector.broadcast %gt3A_379 : f32 to vector<16xf32>
          %gt3A_381 = arith.cmpf ogt, %div3A_378, %gt3A_380 : vector<16xf32>
          %mul3A_382 = arith.constant 16 : i32
          %mul3A_383 = arith.muli %add3A_347, %mul3A_382 : i32
          %add3A_384 = vector.broadcast %mul3A_383 : i32 to vector<16xi32>
          %add3A_385 = arith.addi %iota3A, %add3A_384 : vector<16xi32>
          %eq3A_386 = arith.cmpi eq, %add3A_385, %min3A_129 : vector<16xi32>
          %or3A_387 = arith.ori %gt3A_381, %eq3A_386 : vector<16xi1>
          %add3A_388 = arith.constant -1.000000e+09 : f32
          %add3A_389 = vector.broadcast %add3A_388 : f32 to vector<16xf32>
          %add3A_390 = arith.addf %broadcast_in_dim3A_3, %add3A_389 : vector<16xf32>
          %get3A_391 = arith.index_cast %mul3A_349 : i32 to index
          %get3A_392 = tpu.vector_load %arg16[%get3A_391] {strides = array<i32>} : memref<1024xf32, #tpu.memory_space<vmem>>, vector<16xf32>,
          %select_n3A_393 = arith.select %or3A_387, %add3A_390, %get3A_392 : vector<16xi1>, vector<16xf32>
          %swap3A_394 = arith.index_cast %mul3A_349 : i32 to index
          %swap3A_395 = tpu.vector_load %arg16[%swap3A_394] {strides = array<i32>} : memref<1024xf32, #tpu.memory_space<vmem>>, vector<16xf32>,
          tpu.vector_store %arg16[%swap3A_394], %select_n3A_393 {strides = array<i32>} : memref<1024xf32, #tpu.memory_space<vmem>>, vector<16xf32>,
          %max3A_396 = arith.maximumf %max3A_343, %select_n3A_393 : vector<16xf32>
          scf.yield %max3A_396 : vector<16xf32>
        }
        %scan3A_186 = arith.constant 16 : i32
        scf.yield %scan3A_185 : vector<16xf32>
      }
      %scan3A_88 = arith.constant 100 : i32
      "tpu.region"() ({
        %run_scoped3A = tpu.sem_alloc : memref<!tpu.dma_semaphore, #tpu.memory_space<semaphore_mem>>
        %dma_start3A = arith.constant 0 : i32
        %dma_start3A_89 = tpu.memref_slice %arg4[%add3A, %dma_start3A] : memref<8x1600xf32, #tpu.memory_space<hbm>> -> memref<1x1600xf32, #tpu.memory_space<hbm>>
        %dma_start3A_90 = tpu.memref_squeeze %dma_start3A_89 : memref<1x1600xf32, #tpu.memory_space<hbm>> -> memref<1600xf32, #tpu.memory_space<hbm>>
        %dma_start3A_91 = arith.constant 0 : i32
        %dma_start3A_92 = tpu.memref_slice %arg4[%add3A, %dma_start3A_91] : memref<8x1600xf32, #tpu.memory_space<hbm>> -> memref<1x1600xf32, #tpu.memory_space<hbm>>
        %dma_start3A_93 = tpu.memref_squeeze %dma_start3A_92 : memref<1x1600xf32, #tpu.memory_space<hbm>> -> memref<1600xf32, #tpu.memory_space<hbm>>
        tpu.enqueue_dma source(%arg19 : memref<1600xf32, #tpu.memory_space<vmem>>) target(%dma_start3A_93 : memref<1600xf32, #tpu.memory_space<hbm>>) target_semaphore(%run_scoped3A : memref<!tpu.dma_semaphore, #tpu.memory_space<semaphore_mem>>)
        %dma_wait3A = arith.constant 0 : i32
        %dma_wait3A_94 = tpu.memref_slice %arg4[%add3A, %dma_wait3A] : memref<8x1600xf32, #tpu.memory_space<hbm>> -> memref<1x1600xf32, #tpu.memory_space<hbm>>
        %dma_wait3A_95 = tpu.memref_squeeze %dma_wait3A_94 : memref<1x1600xf32, #tpu.memory_space<hbm>> -> memref<1600xf32, #tpu.memory_space<hbm>>
        %dma_wait3A_96 = arith.constant 0 : i32
        %dma_wait3A_97 = tpu.memref_slice %arg4[%add3A, %dma_wait3A_96] : memref<8x1600xf32, #tpu.memory_space<hbm>> -> memref<1x1600xf32, #tpu.memory_space<hbm>>
        %dma_wait3A_98 = tpu.memref_squeeze %dma_wait3A_97 : memref<1x1600xf32, #tpu.memory_space<hbm>> -> memref<1600xf32, #tpu.memory_space<hbm>>
        tpu.wait_dma2 semaphore(%run_scoped3A : memref<!tpu.dma_semaphore, #tpu.memory_space<semaphore_mem>>) src(%arg19 : memref<1600xf32, #tpu.memory_space<vmem>>) dst(%dma_wait3A_98 : memref<1600xf32, #tpu.memory_space<hbm>>)
        tpu.yield
      }) : () -> ()
    } else {
    }
    return
  }
}

module attributes {stable_mosaic.version = 14 : i64} {
  func.func @_decode_kernel(%arg0: i32, %arg1: memref<2x1x23424xf32, #tpu.memory_space<vmem>>, %arg2: memref<1x361x255xf32, #tpu.memory_space<vmem>>, %arg3: memref<1x1444x255xf32, #tpu.memory_space<vmem>>, %arg4: memref<1x5776x255xf32, #tpu.memory_space<vmem>>, %arg5: memref<1x6x1x23424xf32, #tpu.memory_space<vmem>>, %arg6: memref<1x1x128xf32, #tpu.memory_space<vmem>>, %arg7: memref<1x23424xf32, #tpu.memory_space<vmem>>, %arg8: memref<1x23424xi32, #tpu.memory_space<vmem>>) attributes {dimension_semantics = [#tpu.dimension_semantics<parallel>], iteration_bounds = array<i64: 8>, scalar_prefetch = 0 : i64, scratch_operands = 2 : i64, tpu.core_type = #tpu.core_type<tc>, window_params = [{pipeline_mode = #tpu.pipeline_mode<synchronous>, transform_indices = @transform_0, window_bounds = array<i64: 2, 1, 23424>}, {transform_indices = @transform_1, window_bounds = array<i64: 1, 361, 255>}, {transform_indices = @transform_2, window_bounds = array<i64: 1, 1444, 255>}, {transform_indices = @transform_3, window_bounds = array<i64: 1, 5776, 255>}, {transform_indices = @transform_4, window_bounds = array<i64: 1, 6, 1, 23424>}, {transform_indices = @transform_5, window_bounds = array<i64: 1, 1, 128>}]} {
    %broadcast_in_dim3A = arith.constant -1.000000e+00 : f32
    %broadcast_in_dim3A_0 = vector.broadcast %broadcast_in_dim3A : f32 to vector<1x23424xf32>
    %swap3A = arith.constant 0 : index
    %swap3A_1 = arith.constant 0 : index
    %swap3A_2 = vector.load %arg7[%swap3A, %swap3A_1] : memref<1x23424xf32, #tpu.memory_space<vmem>>, vector<1x23424xf32>
    tpu.vector_store %arg7[%swap3A, %swap3A_1], %broadcast_in_dim3A_0 {strides = array<i32>} : memref<1x23424xf32, #tpu.memory_space<vmem>>, vector<1x23424xf32>,
    %broadcast_in_dim3A_3 = arith.constant 536870912 : i32
    %broadcast_in_dim3A_4 = vector.broadcast %broadcast_in_dim3A_3 : i32 to vector<1x23424xi32>
    %swap3A_5 = arith.constant 0 : index
    %swap3A_6 = arith.constant 0 : index
    %swap3A_7 = vector.load %arg8[%swap3A_5, %swap3A_6] : memref<1x23424xi32, #tpu.memory_space<vmem>>, vector<1x23424xi32>
    tpu.vector_store %arg8[%swap3A_5, %swap3A_6], %broadcast_in_dim3A_4 {strides = array<i32>} : memref<1x23424xi32, #tpu.memory_space<vmem>>, vector<1x23424xi32>,
    %get3A = arith.constant 0 : index
    %get3A_8 = arith.constant 0 : index
    %get3A_9 = arith.constant 0 : index
    %get3A_10 = vector.load %arg2[%get3A, %get3A_8, %get3A_9] : memref<1x361x255xf32, #tpu.memory_space<vmem>>, vector<1x361x255xf32>
    %get3A_11 = vector.shape_cast %get3A_10 : vector<1x361x255xf32> to vector<361x255xf32>
    %transpose3A = tpu.transpose %get3A_11, [1, 0] : vector<361x255xf32> -> vector<255x361xf32>
    %slice3A = vector.extract_strided_slice %transpose3A {offsets = [4, 0], sizes = [1, 361], strides = [1, 1]} : vector<255x361xf32> to vector<1x361xf32>
    %logistic3A = arith.negf %slice3A : vector<1x361xf32>
    %logistic3A_12 = math.exp %logistic3A : vector<1x361xf32>
    %logistic3A_13 = arith.constant 1.000000e+00 : f32
    %logistic3A_14 = vector.broadcast %logistic3A_13 : f32 to vector<1x361xf32>
    %logistic3A_15 = arith.addf %logistic3A_14, %logistic3A_12 : vector<1x361xf32>
    %logistic3A_16 = arith.divf %logistic3A_14, %logistic3A_15 : vector<1x361xf32>
    %slice3A_17 = vector.extract_strided_slice %transpose3A {offsets = [5, 0], sizes = [80, 361], strides = [1, 1]} : vector<255x361xf32> to vector<80x361xf32>
    %logistic3A_18 = arith.negf %slice3A_17 : vector<80x361xf32>
    %logistic3A_19 = math.exp %logistic3A_18 : vector<80x361xf32>
    %logistic3A_20 = arith.constant 1.000000e+00 : f32
    %logistic3A_21 = vector.broadcast %logistic3A_20 : f32 to vector<80x361xf32>
    %logistic3A_22 = arith.addf %logistic3A_21, %logistic3A_19 : vector<80x361xf32>
    %logistic3A_23 = arith.divf %logistic3A_21, %logistic3A_22 : vector<80x361xf32>
    %mul3A = vector.broadcast %logistic3A_16 : vector<1x361xf32> to vector<80x361xf32>
    %mul3A_24 = arith.mulf %logistic3A_23, %mul3A : vector<80x361xf32>
    %reduce_max3A = arith.constant dense<0xFF800000> : vector<361xf32>
    %reduce_max3A_25 = vector.multi_reduction <maximumf>, %mul3A_24, %reduce_max3A [0] : vector<80x361xf32> to vector<361xf32>
    %broadcast_in_dim3A_26 = vector.shape_cast %reduce_max3A_25 : vector<361xf32> to vector<1x361xf32>
    %iota3A = tpu.iota {dimensions = array<i32: 0>} : vector<80x361xi32>
    %eq3A = vector.broadcast %broadcast_in_dim3A_26 : vector<1x361xf32> to vector<80x361xf32>
    %eq3A_27 = arith.cmpf oeq, %mul3A_24, %eq3A : vector<80x361xf32>
    %jit3A = arith.constant 1000 : i32
    %broadcast_in_dim3A_28 = vector.broadcast %jit3A : i32 to vector<80x361xi32>
    %select_n3A = arith.select %eq3A_27, %iota3A, %broadcast_in_dim3A_28 : vector<80x361xi1>, vector<80x361xi32>
    %reduce_min3A = arith.constant dense<2147483647> : vector<361xi32>
    %reduce_min3A_29 = vector.multi_reduction <minsi>, %select_n3A, %reduce_min3A [0] : vector<80x361xi32> to vector<361xi32>
    %broadcast_in_dim3A_30 = vector.shape_cast %reduce_min3A_29 : vector<361xi32> to vector<1x361xi32>
    %convert_element_type3A = arith.sitofp %broadcast_in_dim3A_30 : vector<1x361xi32> to vector<1x361xf32>
    %slice3A_31 = vector.extract_strided_slice %transpose3A {offsets = [0, 0], sizes = [1, 361], strides = [1, 1]} : vector<255x361xf32> to vector<1x361xf32>
    %logistic3A_32 = arith.negf %slice3A_31 : vector<1x361xf32>
    %logistic3A_33 = math.exp %logistic3A_32 : vector<1x361xf32>
    %logistic3A_34 = arith.constant 1.000000e+00 : f32
    %logistic3A_35 = vector.broadcast %logistic3A_34 : f32 to vector<1x361xf32>
    %logistic3A_36 = arith.addf %logistic3A_35, %logistic3A_33 : vector<1x361xf32>
    %logistic3A_37 = arith.divf %logistic3A_35, %logistic3A_36 : vector<1x361xf32>
    %slice3A_38 = vector.extract_strided_slice %transpose3A {offsets = [1, 0], sizes = [1, 361], strides = [1, 1]} : vector<255x361xf32> to vector<1x361xf32>
    %logistic3A_39 = arith.negf %slice3A_38 : vector<1x361xf32>
    %logistic3A_40 = math.exp %logistic3A_39 : vector<1x361xf32>
    %logistic3A_41 = arith.constant 1.000000e+00 : f32
    %logistic3A_42 = vector.broadcast %logistic3A_41 : f32 to vector<1x361xf32>
    %logistic3A_43 = arith.addf %logistic3A_42, %logistic3A_40 : vector<1x361xf32>
    %logistic3A_44 = arith.divf %logistic3A_42, %logistic3A_43 : vector<1x361xf32>
    %slice3A_45 = vector.extract_strided_slice %transpose3A {offsets = [2, 0], sizes = [1, 361], strides = [1, 1]} : vector<255x361xf32> to vector<1x361xf32>
    %jit3A_46 = arith.constant -1.000000e+01 : f32
    %jit3A_47 = arith.constant 1.000000e+01 : f32
    %max3A = vector.broadcast %jit3A_46 : f32 to vector<1x361xf32>
    %max3A_48 = arith.maximumf %max3A, %slice3A_45 : vector<1x361xf32>
    %min3A = vector.broadcast %jit3A_47 : f32 to vector<1x361xf32>
    %min3A_49 = arith.minimumf %min3A, %max3A_48 : vector<1x361xf32>
    %exp3A = math.exp %min3A_49 : vector<1x361xf32>
    %mul3A_50 = arith.constant 1.160000e+02 : f32
    %mul3A_51 = vector.broadcast %mul3A_50 : f32 to vector<1x361xf32>
    %mul3A_52 = arith.mulf %exp3A, %mul3A_51 : vector<1x361xf32>
    %div3A = arith.constant 6.080000e+02 : f32
    %div3A_53 = vector.broadcast %div3A : f32 to vector<1x361xf32>
    %div3A_54 = arith.divf %mul3A_52, %div3A_53 : vector<1x361xf32>
    %slice3A_55 = vector.extract_strided_slice %transpose3A {offsets = [3, 0], sizes = [1, 361], strides = [1, 1]} : vector<255x361xf32> to vector<1x361xf32>
    %jit3A_56 = arith.constant -1.000000e+01 : f32
    %jit3A_57 = arith.constant 1.000000e+01 : f32
    %max3A_58 = vector.broadcast %jit3A_56 : f32 to vector<1x361xf32>
    %max3A_59 = arith.maximumf %max3A_58, %slice3A_55 : vector<1x361xf32>
    %min3A_60 = vector.broadcast %jit3A_57 : f32 to vector<1x361xf32>
    %min3A_61 = arith.minimumf %min3A_60, %max3A_59 : vector<1x361xf32>
    %exp3A_62 = math.exp %min3A_61 : vector<1x361xf32>
    %mul3A_63 = arith.constant 9.000000e+01 : f32
    %mul3A_64 = vector.broadcast %mul3A_63 : f32 to vector<1x361xf32>
    %mul3A_65 = arith.mulf %exp3A_62, %mul3A_64 : vector<1x361xf32>
    %div3A_66 = arith.constant 6.080000e+02 : f32
    %div3A_67 = vector.broadcast %div3A_66 : f32 to vector<1x361xf32>
    %div3A_68 = arith.divf %mul3A_65, %div3A_67 : vector<1x361xf32>
    %get3A_69 = arith.constant 0 : index
    %get3A_70 = arith.constant 0 : index
    %get3A_71 = arith.constant 0 : index
    %get3A_72 = vector.load %arg1[%get3A_69, %get3A_70, %get3A_71] : memref<2x1x23424xf32, #tpu.memory_space<vmem>>, vector<1x1x361xf32>
    %get3A_73 = vector.shape_cast %get3A_72 : vector<1x1x361xf32> to vector<1x361xf32>
    %get3A_74 = arith.constant 1 : index
    %get3A_75 = arith.constant 0 : index
    %get3A_76 = arith.constant 0 : index
    %get3A_77 = vector.load %arg1[%get3A_74, %get3A_75, %get3A_76] : memref<2x1x23424xf32, #tpu.memory_space<vmem>>, vector<1x1x361xf32>
    %get3A_78 = vector.shape_cast %get3A_77 : vector<1x1x361xf32> to vector<1x361xf32>
    %add3A = arith.addf %logistic3A_37, %get3A_73 : vector<1x361xf32>
    %div3A_79 = arith.constant 1.900000e+01 : f32
    %div3A_80 = vector.broadcast %div3A_79 : f32 to vector<1x361xf32>
    %div3A_81 = arith.divf %add3A, %div3A_80 : vector<1x361xf32>
    %add3A_82 = arith.addf %logistic3A_44, %get3A_78 : vector<1x361xf32>
    %div3A_83 = arith.constant 1.900000e+01 : f32
    %div3A_84 = vector.broadcast %div3A_83 : f32 to vector<1x361xf32>
    %div3A_85 = arith.divf %add3A_82, %div3A_84 : vector<1x361xf32>
    %iota3A_86 = tpu.iota {dimensions = array<i32: 1>} : vector<1x361xi32>
    %mul3A_87 = arith.constant 3 : i32
    %mul3A_88 = vector.broadcast %mul3A_87 : i32 to vector<1x361xi32>
    %mul3A_89 = arith.muli %mul3A_88, %iota3A_86 : vector<1x361xi32>
    %add3A_90 = arith.constant 0 : i32
    %add3A_91 = vector.broadcast %add3A_90 : i32 to vector<1x361xi32>
    %add3A_92 = arith.addi %add3A_91, %mul3A_89 : vector<1x361xi32>
    %mul3A_93 = arith.constant 5.000000e-01 : f32
    %mul3A_94 = vector.broadcast %mul3A_93 : f32 to vector<1x361xf32>
    %mul3A_95 = arith.mulf %div3A_54, %mul3A_94 : vector<1x361xf32>
    %sub3A = arith.subf %div3A_81, %mul3A_95 : vector<1x361xf32>
    %swap3A_96 = arith.constant 0 : index
    %swap3A_97 = arith.constant 0 : index
    %swap3A_98 = arith.constant 0 : index
    %swap3A_99 = arith.constant 0 : index
    %swap3A_100 = vector.load %arg5[%swap3A_96, %swap3A_97, %swap3A_98, %swap3A_99] : memref<1x6x1x23424xf32, #tpu.memory_space<vmem>>, vector<1x1x1x361xf32>
    %swap3A_101 = vector.shape_cast %swap3A_100 : vector<1x1x1x361xf32> to vector<1x361xf32>
    %swap3A_102 = vector.shape_cast %sub3A : vector<1x361xf32> to vector<1x1x1x361xf32>
    tpu.vector_store %arg5[%swap3A_96, %swap3A_97, %swap3A_98, %swap3A_99], %swap3A_102 {strides = array<i32>} : memref<1x6x1x23424xf32, #tpu.memory_space<vmem>>, vector<1x1x1x361xf32>,
    %mul3A_103 = arith.constant 5.000000e-01 : f32
    %mul3A_104 = vector.broadcast %mul3A_103 : f32 to vector<1x361xf32>
    %mul3A_105 = arith.mulf %div3A_68, %mul3A_104 : vector<1x361xf32>
    %sub3A_106 = arith.subf %div3A_85, %mul3A_105 : vector<1x361xf32>
    %swap3A_107 = arith.constant 0 : index
    %swap3A_108 = arith.constant 1 : index
    %swap3A_109 = arith.constant 0 : index
    %swap3A_110 = arith.constant 0 : index
    %swap3A_111 = vector.load %arg5[%swap3A_107, %swap3A_108, %swap3A_109, %swap3A_110] : memref<1x6x1x23424xf32, #tpu.memory_space<vmem>>, vector<1x1x1x361xf32>
    %swap3A_112 = vector.shape_cast %swap3A_111 : vector<1x1x1x361xf32> to vector<1x361xf32>
    %swap3A_113 = vector.shape_cast %sub3A_106 : vector<1x361xf32> to vector<1x1x1x361xf32>
    tpu.vector_store %arg5[%swap3A_107, %swap3A_108, %swap3A_109, %swap3A_110], %swap3A_113 {strides = array<i32>} : memref<1x6x1x23424xf32, #tpu.memory_space<vmem>>, vector<1x1x1x361xf32>,
    %mul3A_114 = arith.constant 5.000000e-01 : f32
    %mul3A_115 = vector.broadcast %mul3A_114 : f32 to vector<1x361xf32>
    %mul3A_116 = arith.mulf %div3A_54, %mul3A_115 : vector<1x361xf32>
    %add3A_117 = arith.addf %div3A_81, %mul3A_116 : vector<1x361xf32>
    %swap3A_118 = arith.constant 0 : index
    %swap3A_119 = arith.constant 2 : index
    %swap3A_120 = arith.constant 0 : index
    %swap3A_121 = arith.constant 0 : index
    %swap3A_122 = vector.load %arg5[%swap3A_118, %swap3A_119, %swap3A_120, %swap3A_121] : memref<1x6x1x23424xf32, #tpu.memory_space<vmem>>, vector<1x1x1x361xf32>
    %swap3A_123 = vector.shape_cast %swap3A_122 : vector<1x1x1x361xf32> to vector<1x361xf32>
    %swap3A_124 = vector.shape_cast %add3A_117 : vector<1x361xf32> to vector<1x1x1x361xf32>
    tpu.vector_store %arg5[%swap3A_118, %swap3A_119, %swap3A_120, %swap3A_121], %swap3A_124 {strides = array<i32>} : memref<1x6x1x23424xf32, #tpu.memory_space<vmem>>, vector<1x1x1x361xf32>,
    %mul3A_125 = arith.constant 5.000000e-01 : f32
    %mul3A_126 = vector.broadcast %mul3A_125 : f32 to vector<1x361xf32>
    %mul3A_127 = arith.mulf %div3A_68, %mul3A_126 : vector<1x361xf32>
    %add3A_128 = arith.addf %div3A_85, %mul3A_127 : vector<1x361xf32>
    %swap3A_129 = arith.constant 0 : index
    %swap3A_130 = arith.constant 3 : index
    %swap3A_131 = arith.constant 0 : index
    %swap3A_132 = arith.constant 0 : index
    %swap3A_133 = vector.load %arg5[%swap3A_129, %swap3A_130, %swap3A_131, %swap3A_132] : memref<1x6x1x23424xf32, #tpu.memory_space<vmem>>, vector<1x1x1x361xf32>
    %swap3A_134 = vector.shape_cast %swap3A_133 : vector<1x1x1x361xf32> to vector<1x361xf32>
    %swap3A_135 = vector.shape_cast %add3A_128 : vector<1x361xf32> to vector<1x1x1x361xf32>
    tpu.vector_store %arg5[%swap3A_129, %swap3A_130, %swap3A_131, %swap3A_132], %swap3A_135 {strides = array<i32>} : memref<1x6x1x23424xf32, #tpu.memory_space<vmem>>, vector<1x1x1x361xf32>,
    %swap3A_136 = arith.constant 0 : index
    %swap3A_137 = arith.constant 4 : index
    %swap3A_138 = arith.constant 0 : index
    %swap3A_139 = arith.constant 0 : index
    %swap3A_140 = vector.load %arg5[%swap3A_136, %swap3A_137, %swap3A_138, %swap3A_139] : memref<1x6x1x23424xf32, #tpu.memory_space<vmem>>, vector<1x1x1x361xf32>
    %swap3A_141 = vector.shape_cast %swap3A_140 : vector<1x1x1x361xf32> to vector<1x361xf32>
    %swap3A_142 = vector.shape_cast %convert_element_type3A : vector<1x361xf32> to vector<1x1x1x361xf32>
    tpu.vector_store %arg5[%swap3A_136, %swap3A_137, %swap3A_138, %swap3A_139], %swap3A_142 {strides = array<i32>} : memref<1x6x1x23424xf32, #tpu.memory_space<vmem>>, vector<1x1x1x361xf32>,
    %swap3A_143 = arith.constant 0 : index
    %swap3A_144 = arith.constant 0 : index
    %swap3A_145 = vector.load %arg7[%swap3A_143, %swap3A_144] : memref<1x23424xf32, #tpu.memory_space<vmem>>, vector<1x361xf32>
    tpu.vector_store %arg7[%swap3A_143, %swap3A_144], %broadcast_in_dim3A_26 {strides = array<i32>} : memref<1x23424xf32, #tpu.memory_space<vmem>>, vector<1x361xf32>,
    %swap3A_146 = arith.constant 0 : index
    %swap3A_147 = arith.constant 0 : index
    %swap3A_148 = vector.load %arg8[%swap3A_146, %swap3A_147] : memref<1x23424xi32, #tpu.memory_space<vmem>>, vector<1x361xi32>
    tpu.vector_store %arg8[%swap3A_146, %swap3A_147], %add3A_92 {strides = array<i32>} : memref<1x23424xi32, #tpu.memory_space<vmem>>, vector<1x361xi32>,
    %slice3A_149 = vector.extract_strided_slice %transpose3A {offsets = [89, 0], sizes = [1, 361], strides = [1, 1]} : vector<255x361xf32> to vector<1x361xf32>
    %logistic3A_150 = arith.negf %slice3A_149 : vector<1x361xf32>
    %logistic3A_151 = math.exp %logistic3A_150 : vector<1x361xf32>
    %logistic3A_152 = arith.constant 1.000000e+00 : f32
    %logistic3A_153 = vector.broadcast %logistic3A_152 : f32 to vector<1x361xf32>
    %logistic3A_154 = arith.addf %logistic3A_153, %logistic3A_151 : vector<1x361xf32>
    %logistic3A_155 = arith.divf %logistic3A_153, %logistic3A_154 : vector<1x361xf32>
    %slice3A_156 = vector.extract_strided_slice %transpose3A {offsets = [90, 0], sizes = [80, 361], strides = [1, 1]} : vector<255x361xf32> to vector<80x361xf32>
    %logistic3A_157 = arith.negf %slice3A_156 : vector<80x361xf32>
    %logistic3A_158 = math.exp %logistic3A_157 : vector<80x361xf32>
    %logistic3A_159 = arith.constant 1.000000e+00 : f32
    %logistic3A_160 = vector.broadcast %logistic3A_159 : f32 to vector<80x361xf32>
    %logistic3A_161 = arith.addf %logistic3A_160, %logistic3A_158 : vector<80x361xf32>
    %logistic3A_162 = arith.divf %logistic3A_160, %logistic3A_161 : vector<80x361xf32>
    %mul3A_163 = vector.broadcast %logistic3A_155 : vector<1x361xf32> to vector<80x361xf32>
    %mul3A_164 = arith.mulf %logistic3A_162, %mul3A_163 : vector<80x361xf32>
    %reduce_max3A_165 = arith.constant dense<0xFF800000> : vector<361xf32>
    %reduce_max3A_166 = vector.multi_reduction <maximumf>, %mul3A_164, %reduce_max3A_165 [0] : vector<80x361xf32> to vector<361xf32>
    %broadcast_in_dim3A_167 = vector.shape_cast %reduce_max3A_166 : vector<361xf32> to vector<1x361xf32>
    %iota3A_168 = tpu.iota {dimensions = array<i32: 0>} : vector<80x361xi32>
    %eq3A_169 = vector.broadcast %broadcast_in_dim3A_167 : vector<1x361xf32> to vector<80x361xf32>
    %eq3A_170 = arith.cmpf oeq, %mul3A_164, %eq3A_169 : vector<80x361xf32>
    %jit3A_171 = arith.constant 1000 : i32
    %broadcast_in_dim3A_172 = vector.broadcast %jit3A_171 : i32 to vector<80x361xi32>
    %select_n3A_173 = arith.select %eq3A_170, %iota3A_168, %broadcast_in_dim3A_172 : vector<80x361xi1>, vector<80x361xi32>
    %reduce_min3A_174 = arith.constant dense<2147483647> : vector<361xi32>
    %reduce_min3A_175 = vector.multi_reduction <minsi>, %select_n3A_173, %reduce_min3A_174 [0] : vector<80x361xi32> to vector<361xi32>
    %broadcast_in_dim3A_176 = vector.shape_cast %reduce_min3A_175 : vector<361xi32> to vector<1x361xi32>
    %convert_element_type3A_177 = arith.sitofp %broadcast_in_dim3A_176 : vector<1x361xi32> to vector<1x361xf32>
    %slice3A_178 = vector.extract_strided_slice %transpose3A {offsets = [85, 0], sizes = [1, 361], strides = [1, 1]} : vector<255x361xf32> to vector<1x361xf32>
    %logistic3A_179 = arith.negf %slice3A_178 : vector<1x361xf32>
    %logistic3A_180 = math.exp %logistic3A_179 : vector<1x361xf32>
    %logistic3A_181 = arith.constant 1.000000e+00 : f32
    %logistic3A_182 = vector.broadcast %logistic3A_181 : f32 to vector<1x361xf32>
    %logistic3A_183 = arith.addf %logistic3A_182, %logistic3A_180 : vector<1x361xf32>
    %logistic3A_184 = arith.divf %logistic3A_182, %logistic3A_183 : vector<1x361xf32>
    %slice3A_185 = vector.extract_strided_slice %transpose3A {offsets = [86, 0], sizes = [1, 361], strides = [1, 1]} : vector<255x361xf32> to vector<1x361xf32>
    %logistic3A_186 = arith.negf %slice3A_185 : vector<1x361xf32>
    %logistic3A_187 = math.exp %logistic3A_186 : vector<1x361xf32>
    %logistic3A_188 = arith.constant 1.000000e+00 : f32
    %logistic3A_189 = vector.broadcast %logistic3A_188 : f32 to vector<1x361xf32>
    %logistic3A_190 = arith.addf %logistic3A_189, %logistic3A_187 : vector<1x361xf32>
    %logistic3A_191 = arith.divf %logistic3A_189, %logistic3A_190 : vector<1x361xf32>
    %slice3A_192 = vector.extract_strided_slice %transpose3A {offsets = [87, 0], sizes = [1, 361], strides = [1, 1]} : vector<255x361xf32> to vector<1x361xf32>
    %jit3A_193 = arith.constant -1.000000e+01 : f32
    %jit3A_194 = arith.constant 1.000000e+01 : f32
    %max3A_195 = vector.broadcast %jit3A_193 : f32 to vector<1x361xf32>
    %max3A_196 = arith.maximumf %max3A_195, %slice3A_192 : vector<1x361xf32>
    %min3A_197 = vector.broadcast %jit3A_194 : f32 to vector<1x361xf32>
    %min3A_198 = arith.minimumf %min3A_197, %max3A_196 : vector<1x361xf32>
    %exp3A_199 = math.exp %min3A_198 : vector<1x361xf32>
    %mul3A_200 = arith.constant 1.560000e+02 : f32
    %mul3A_201 = vector.broadcast %mul3A_200 : f32 to vector<1x361xf32>
    %mul3A_202 = arith.mulf %exp3A_199, %mul3A_201 : vector<1x361xf32>
    %div3A_203 = arith.constant 6.080000e+02 : f32
    %div3A_204 = vector.broadcast %div3A_203 : f32 to vector<1x361xf32>
    %div3A_205 = arith.divf %mul3A_202, %div3A_204 : vector<1x361xf32>
    %slice3A_206 = vector.extract_strided_slice %transpose3A {offsets = [88, 0], sizes = [1, 361], strides = [1, 1]} : vector<255x361xf32> to vector<1x361xf32>
    %jit3A_207 = arith.constant -1.000000e+01 : f32
    %jit3A_208 = arith.constant 1.000000e+01 : f32
    %max3A_209 = vector.broadcast %jit3A_207 : f32 to vector<1x361xf32>
    %max3A_210 = arith.maximumf %max3A_209, %slice3A_206 : vector<1x361xf32>
    %min3A_211 = vector.broadcast %jit3A_208 : f32 to vector<1x361xf32>
    %min3A_212 = arith.minimumf %min3A_211, %max3A_210 : vector<1x361xf32>
    %exp3A_213 = math.exp %min3A_212 : vector<1x361xf32>
    %mul3A_214 = arith.constant 1.980000e+02 : f32
    %mul3A_215 = vector.broadcast %mul3A_214 : f32 to vector<1x361xf32>
    %mul3A_216 = arith.mulf %exp3A_213, %mul3A_215 : vector<1x361xf32>
    %div3A_217 = arith.constant 6.080000e+02 : f32
    %div3A_218 = vector.broadcast %div3A_217 : f32 to vector<1x361xf32>
    %div3A_219 = arith.divf %mul3A_216, %div3A_218 : vector<1x361xf32>
    %get3A_220 = arith.constant 0 : index
    %get3A_221 = arith.constant 0 : index
    %get3A_222 = arith.constant 384 : index
    %get3A_223 = vector.load %arg1[%get3A_220, %get3A_221, %get3A_222] : memref<2x1x23424xf32, #tpu.memory_space<vmem>>, vector<1x1x361xf32>
    %get3A_224 = vector.shape_cast %get3A_223 : vector<1x1x361xf32> to vector<1x361xf32>
    %get3A_225 = arith.constant 1 : index
    %get3A_226 = arith.constant 0 : index
    %get3A_227 = arith.constant 384 : index
    %get3A_228 = vector.load %arg1[%get3A_225, %get3A_226, %get3A_227] : memref<2x1x23424xf32, #tpu.memory_space<vmem>>, vector<1x1x361xf32>
    %get3A_229 = vector.shape_cast %get3A_228 : vector<1x1x361xf32> to vector<1x361xf32>
    %add3A_230 = arith.addf %logistic3A_184, %get3A_224 : vector<1x361xf32>
    %div3A_231 = arith.constant 1.900000e+01 : f32
    %div3A_232 = vector.broadcast %div3A_231 : f32 to vector<1x361xf32>
    %div3A_233 = arith.divf %add3A_230, %div3A_232 : vector<1x361xf32>
    %add3A_234 = arith.addf %logistic3A_191, %get3A_229 : vector<1x361xf32>
    %div3A_235 = arith.constant 1.900000e+01 : f32
    %div3A_236 = vector.broadcast %div3A_235 : f32 to vector<1x361xf32>
    %div3A_237 = arith.divf %add3A_234, %div3A_236 : vector<1x361xf32>
    %iota3A_238 = tpu.iota {dimensions = array<i32: 1>} : vector<1x361xi32>
    %mul3A_239 = arith.constant 3 : i32
    %mul3A_240 = vector.broadcast %mul3A_239 : i32 to vector<1x361xi32>
    %mul3A_241 = arith.muli %mul3A_240, %iota3A_238 : vector<1x361xi32>
    %add3A_242 = arith.constant 1 : i32
    %add3A_243 = vector.broadcast %add3A_242 : i32 to vector<1x361xi32>
    %add3A_244 = arith.addi %add3A_243, %mul3A_241 : vector<1x361xi32>
    %mul3A_245 = arith.constant 5.000000e-01 : f32
    %mul3A_246 = vector.broadcast %mul3A_245 : f32 to vector<1x361xf32>
    %mul3A_247 = arith.mulf %div3A_205, %mul3A_246 : vector<1x361xf32>
    %sub3A_248 = arith.subf %div3A_233, %mul3A_247 : vector<1x361xf32>
    %swap3A_249 = arith.constant 0 : index
    %swap3A_250 = arith.constant 0 : index
    %swap3A_251 = arith.constant 0 : index
    %swap3A_252 = arith.constant 384 : index
    %swap3A_253 = vector.load %arg5[%swap3A_249, %swap3A_250, %swap3A_251, %swap3A_252] : memref<1x6x1x23424xf32, #tpu.memory_space<vmem>>, vector<1x1x1x361xf32>
    %swap3A_254 = vector.shape_cast %swap3A_253 : vector<1x1x1x361xf32> to vector<1x361xf32>
    %swap3A_255 = vector.shape_cast %sub3A_248 : vector<1x361xf32> to vector<1x1x1x361xf32>
    tpu.vector_store %arg5[%swap3A_249, %swap3A_250, %swap3A_251, %swap3A_252], %swap3A_255 {strides = array<i32>} : memref<1x6x1x23424xf32, #tpu.memory_space<vmem>>, vector<1x1x1x361xf32>,
    %mul3A_256 = arith.constant 5.000000e-01 : f32
    %mul3A_257 = vector.broadcast %mul3A_256 : f32 to vector<1x361xf32>
    %mul3A_258 = arith.mulf %div3A_219, %mul3A_257 : vector<1x361xf32>
    %sub3A_259 = arith.subf %div3A_237, %mul3A_258 : vector<1x361xf32>
    %swap3A_260 = arith.constant 0 : index
    %swap3A_261 = arith.constant 1 : index
    %swap3A_262 = arith.constant 0 : index
    %swap3A_263 = arith.constant 384 : index
    %swap3A_264 = vector.load %arg5[%swap3A_260, %swap3A_261, %swap3A_262, %swap3A_263] : memref<1x6x1x23424xf32, #tpu.memory_space<vmem>>, vector<1x1x1x361xf32>
    %swap3A_265 = vector.shape_cast %swap3A_264 : vector<1x1x1x361xf32> to vector<1x361xf32>
    %swap3A_266 = vector.shape_cast %sub3A_259 : vector<1x361xf32> to vector<1x1x1x361xf32>
    tpu.vector_store %arg5[%swap3A_260, %swap3A_261, %swap3A_262, %swap3A_263], %swap3A_266 {strides = array<i32>} : memref<1x6x1x23424xf32, #tpu.memory_space<vmem>>, vector<1x1x1x361xf32>,
    %mul3A_267 = arith.constant 5.000000e-01 : f32
    %mul3A_268 = vector.broadcast %mul3A_267 : f32 to vector<1x361xf32>
    %mul3A_269 = arith.mulf %div3A_205, %mul3A_268 : vector<1x361xf32>
    %add3A_270 = arith.addf %div3A_233, %mul3A_269 : vector<1x361xf32>
    %swap3A_271 = arith.constant 0 : index
    %swap3A_272 = arith.constant 2 : index
    %swap3A_273 = arith.constant 0 : index
    %swap3A_274 = arith.constant 384 : index
    %swap3A_275 = vector.load %arg5[%swap3A_271, %swap3A_272, %swap3A_273, %swap3A_274] : memref<1x6x1x23424xf32, #tpu.memory_space<vmem>>, vector<1x1x1x361xf32>
    %swap3A_276 = vector.shape_cast %swap3A_275 : vector<1x1x1x361xf32> to vector<1x361xf32>
    %swap3A_277 = vector.shape_cast %add3A_270 : vector<1x361xf32> to vector<1x1x1x361xf32>
    tpu.vector_store %arg5[%swap3A_271, %swap3A_272, %swap3A_273, %swap3A_274], %swap3A_277 {strides = array<i32>} : memref<1x6x1x23424xf32, #tpu.memory_space<vmem>>, vector<1x1x1x361xf32>,
    %mul3A_278 = arith.constant 5.000000e-01 : f32
    %mul3A_279 = vector.broadcast %mul3A_278 : f32 to vector<1x361xf32>
    %mul3A_280 = arith.mulf %div3A_219, %mul3A_279 : vector<1x361xf32>
    %add3A_281 = arith.addf %div3A_237, %mul3A_280 : vector<1x361xf32>
    %swap3A_282 = arith.constant 0 : index
    %swap3A_283 = arith.constant 3 : index
    %swap3A_284 = arith.constant 0 : index
    %swap3A_285 = arith.constant 384 : index
    %swap3A_286 = vector.load %arg5[%swap3A_282, %swap3A_283, %swap3A_284, %swap3A_285] : memref<1x6x1x23424xf32, #tpu.memory_space<vmem>>, vector<1x1x1x361xf32>
    %swap3A_287 = vector.shape_cast %swap3A_286 : vector<1x1x1x361xf32> to vector<1x361xf32>
    %swap3A_288 = vector.shape_cast %add3A_281 : vector<1x361xf32> to vector<1x1x1x361xf32>
    tpu.vector_store %arg5[%swap3A_282, %swap3A_283, %swap3A_284, %swap3A_285], %swap3A_288 {strides = array<i32>} : memref<1x6x1x23424xf32, #tpu.memory_space<vmem>>, vector<1x1x1x361xf32>,
    %swap3A_289 = arith.constant 0 : index
    %swap3A_290 = arith.constant 4 : index
    %swap3A_291 = arith.constant 0 : index
    %swap3A_292 = arith.constant 384 : index
    %swap3A_293 = vector.load %arg5[%swap3A_289, %swap3A_290, %swap3A_291, %swap3A_292] : memref<1x6x1x23424xf32, #tpu.memory_space<vmem>>, vector<1x1x1x361xf32>
    %swap3A_294 = vector.shape_cast %swap3A_293 : vector<1x1x1x361xf32> to vector<1x361xf32>
    %swap3A_295 = vector.shape_cast %convert_element_type3A_177 : vector<1x361xf32> to vector<1x1x1x361xf32>
    tpu.vector_store %arg5[%swap3A_289, %swap3A_290, %swap3A_291, %swap3A_292], %swap3A_295 {strides = array<i32>} : memref<1x6x1x23424xf32, #tpu.memory_space<vmem>>, vector<1x1x1x361xf32>,
    %swap3A_296 = arith.constant 0 : index
    %swap3A_297 = arith.constant 384 : index
    %swap3A_298 = vector.load %arg7[%swap3A_296, %swap3A_297] : memref<1x23424xf32, #tpu.memory_space<vmem>>, vector<1x361xf32>
    tpu.vector_store %arg7[%swap3A_296, %swap3A_297], %broadcast_in_dim3A_167 {strides = array<i32>} : memref<1x23424xf32, #tpu.memory_space<vmem>>, vector<1x361xf32>,
    %swap3A_299 = arith.constant 0 : index
    %swap3A_300 = arith.constant 384 : index
    %swap3A_301 = vector.load %arg8[%swap3A_299, %swap3A_300] : memref<1x23424xi32, #tpu.memory_space<vmem>>, vector<1x361xi32>
    tpu.vector_store %arg8[%swap3A_299, %swap3A_300], %add3A_244 {strides = array<i32>} : memref<1x23424xi32, #tpu.memory_space<vmem>>, vector<1x361xi32>,
    %slice3A_302 = vector.extract_strided_slice %transpose3A {offsets = [174, 0], sizes = [1, 361], strides = [1, 1]} : vector<255x361xf32> to vector<1x361xf32>
    %logistic3A_303 = arith.negf %slice3A_302 : vector<1x361xf32>
    %logistic3A_304 = math.exp %logistic3A_303 : vector<1x361xf32>
    %logistic3A_305 = arith.constant 1.000000e+00 : f32
    %logistic3A_306 = vector.broadcast %logistic3A_305 : f32 to vector<1x361xf32>
    %logistic3A_307 = arith.addf %logistic3A_306, %logistic3A_304 : vector<1x361xf32>
    %logistic3A_308 = arith.divf %logistic3A_306, %logistic3A_307 : vector<1x361xf32>
    %slice3A_309 = vector.extract_strided_slice %transpose3A {offsets = [175, 0], sizes = [80, 361], strides = [1, 1]} : vector<255x361xf32> to vector<80x361xf32>
    %logistic3A_310 = arith.negf %slice3A_309 : vector<80x361xf32>
    %logistic3A_311 = math.exp %logistic3A_310 : vector<80x361xf32>
    %logistic3A_312 = arith.constant 1.000000e+00 : f32
    %logistic3A_313 = vector.broadcast %logistic3A_312 : f32 to vector<80x361xf32>
    %logistic3A_314 = arith.addf %logistic3A_313, %logistic3A_311 : vector<80x361xf32>
    %logistic3A_315 = arith.divf %logistic3A_313, %logistic3A_314 : vector<80x361xf32>
    %mul3A_316 = vector.broadcast %logistic3A_308 : vector<1x361xf32> to vector<80x361xf32>
    %mul3A_317 = arith.mulf %logistic3A_315, %mul3A_316 : vector<80x361xf32>
    %reduce_max3A_318 = arith.constant dense<0xFF800000> : vector<361xf32>
    %reduce_max3A_319 = vector.multi_reduction <maximumf>, %mul3A_317, %reduce_max3A_318 [0] : vector<80x361xf32> to vector<361xf32>
    %broadcast_in_dim3A_320 = vector.shape_cast %reduce_max3A_319 : vector<361xf32> to vector<1x361xf32>
    %iota3A_321 = tpu.iota {dimensions = array<i32: 0>} : vector<80x361xi32>
    %eq3A_322 = vector.broadcast %broadcast_in_dim3A_320 : vector<1x361xf32> to vector<80x361xf32>
    %eq3A_323 = arith.cmpf oeq, %mul3A_317, %eq3A_322 : vector<80x361xf32>
    %jit3A_324 = arith.constant 1000 : i32
    %broadcast_in_dim3A_325 = vector.broadcast %jit3A_324 : i32 to vector<80x361xi32>
    %select_n3A_326 = arith.select %eq3A_323, %iota3A_321, %broadcast_in_dim3A_325 : vector<80x361xi1>, vector<80x361xi32>
    %reduce_min3A_327 = arith.constant dense<2147483647> : vector<361xi32>
    %reduce_min3A_328 = vector.multi_reduction <minsi>, %select_n3A_326, %reduce_min3A_327 [0] : vector<80x361xi32> to vector<361xi32>
    %broadcast_in_dim3A_329 = vector.shape_cast %reduce_min3A_328 : vector<361xi32> to vector<1x361xi32>
    %convert_element_type3A_330 = arith.sitofp %broadcast_in_dim3A_329 : vector<1x361xi32> to vector<1x361xf32>
    %slice3A_331 = vector.extract_strided_slice %transpose3A {offsets = [170, 0], sizes = [1, 361], strides = [1, 1]} : vector<255x361xf32> to vector<1x361xf32>
    %logistic3A_332 = arith.negf %slice3A_331 : vector<1x361xf32>
    %logistic3A_333 = math.exp %logistic3A_332 : vector<1x361xf32>
    %logistic3A_334 = arith.constant 1.000000e+00 : f32
    %logistic3A_335 = vector.broadcast %logistic3A_334 : f32 to vector<1x361xf32>
    %logistic3A_336 = arith.addf %logistic3A_335, %logistic3A_333 : vector<1x361xf32>
    %logistic3A_337 = arith.divf %logistic3A_335, %logistic3A_336 : vector<1x361xf32>
    %slice3A_338 = vector.extract_strided_slice %transpose3A {offsets = [171, 0], sizes = [1, 361], strides = [1, 1]} : vector<255x361xf32> to vector<1x361xf32>
    %logistic3A_339 = arith.negf %slice3A_338 : vector<1x361xf32>
    %logistic3A_340 = math.exp %logistic3A_339 : vector<1x361xf32>
    %logistic3A_341 = arith.constant 1.000000e+00 : f32
    %logistic3A_342 = vector.broadcast %logistic3A_341 : f32 to vector<1x361xf32>
    %logistic3A_343 = arith.addf %logistic3A_342, %logistic3A_340 : vector<1x361xf32>
    %logistic3A_344 = arith.divf %logistic3A_342, %logistic3A_343 : vector<1x361xf32>
    %slice3A_345 = vector.extract_strided_slice %transpose3A {offsets = [172, 0], sizes = [1, 361], strides = [1, 1]} : vector<255x361xf32> to vector<1x361xf32>
    %jit3A_346 = arith.constant -1.000000e+01 : f32
    %jit3A_347 = arith.constant 1.000000e+01 : f32
    %max3A_348 = vector.broadcast %jit3A_346 : f32 to vector<1x361xf32>
    %max3A_349 = arith.maximumf %max3A_348, %slice3A_345 : vector<1x361xf32>
    %min3A_350 = vector.broadcast %jit3A_347 : f32 to vector<1x361xf32>
    %min3A_351 = arith.minimumf %min3A_350, %max3A_349 : vector<1x361xf32>
    %exp3A_352 = math.exp %min3A_351 : vector<1x361xf32>
    %mul3A_353 = arith.constant 3.730000e+02 : f32
    %mul3A_354 = vector.broadcast %mul3A_353 : f32 to vector<1x361xf32>
    %mul3A_355 = arith.mulf %exp3A_352, %mul3A_354 : vector<1x361xf32>
    %div3A_356 = arith.constant 6.080000e+02 : f32
    %div3A_357 = vector.broadcast %div3A_356 : f32 to vector<1x361xf32>
    %div3A_358 = arith.divf %mul3A_355, %div3A_357 : vector<1x361xf32>
    %slice3A_359 = vector.extract_strided_slice %transpose3A {offsets = [173, 0], sizes = [1, 361], strides = [1, 1]} : vector<255x361xf32> to vector<1x361xf32>
    %jit3A_360 = arith.constant -1.000000e+01 : f32
    %jit3A_361 = arith.constant 1.000000e+01 : f32
    %max3A_362 = vector.broadcast %jit3A_360 : f32 to vector<1x361xf32>
    %max3A_363 = arith.maximumf %max3A_362, %slice3A_359 : vector<1x361xf32>
    %min3A_364 = vector.broadcast %jit3A_361 : f32 to vector<1x361xf32>
    %min3A_365 = arith.minimumf %min3A_364, %max3A_363 : vector<1x361xf32>
    %exp3A_366 = math.exp %min3A_365 : vector<1x361xf32>
    %mul3A_367 = arith.constant 3.260000e+02 : f32
    %mul3A_368 = vector.broadcast %mul3A_367 : f32 to vector<1x361xf32>
    %mul3A_369 = arith.mulf %exp3A_366, %mul3A_368 : vector<1x361xf32>
    %div3A_370 = arith.constant 6.080000e+02 : f32
    %div3A_371 = vector.broadcast %div3A_370 : f32 to vector<1x361xf32>
    %div3A_372 = arith.divf %mul3A_369, %div3A_371 : vector<1x361xf32>
    %get3A_373 = arith.constant 0 : index
    %get3A_374 = arith.constant 0 : index
    %get3A_375 = arith.constant 768 : index
    %get3A_376 = vector.load %arg1[%get3A_373, %get3A_374, %get3A_375] : memref<2x1x23424xf32, #tpu.memory_space<vmem>>, vector<1x1x361xf32>
    %get3A_377 = vector.shape_cast %get3A_376 : vector<1x1x361xf32> to vector<1x361xf32>
    %get3A_378 = arith.constant 1 : index
    %get3A_379 = arith.constant 0 : index
    %get3A_380 = arith.constant 768 : index
    %get3A_381 = vector.load %arg1[%get3A_378, %get3A_379, %get3A_380] : memref<2x1x23424xf32, #tpu.memory_space<vmem>>, vector<1x1x361xf32>
    %get3A_382 = vector.shape_cast %get3A_381 : vector<1x1x361xf32> to vector<1x361xf32>
    %add3A_383 = arith.addf %logistic3A_337, %get3A_377 : vector<1x361xf32>
    %div3A_384 = arith.constant 1.900000e+01 : f32
    %div3A_385 = vector.broadcast %div3A_384 : f32 to vector<1x361xf32>
    %div3A_386 = arith.divf %add3A_383, %div3A_385 : vector<1x361xf32>
    %add3A_387 = arith.addf %logistic3A_344, %get3A_382 : vector<1x361xf32>
    %div3A_388 = arith.constant 1.900000e+01 : f32
    %div3A_389 = vector.broadcast %div3A_388 : f32 to vector<1x361xf32>
    %div3A_390 = arith.divf %add3A_387, %div3A_389 : vector<1x361xf32>
    %iota3A_391 = tpu.iota {dimensions = array<i32: 1>} : vector<1x361xi32>
    %mul3A_392 = arith.constant 3 : i32
    %mul3A_393 = vector.broadcast %mul3A_392 : i32 to vector<1x361xi32>
    %mul3A_394 = arith.muli %mul3A_393, %iota3A_391 : vector<1x361xi32>
    %add3A_395 = arith.constant 2 : i32
    %add3A_396 = vector.broadcast %add3A_395 : i32 to vector<1x361xi32>
    %add3A_397 = arith.addi %add3A_396, %mul3A_394 : vector<1x361xi32>
    %mul3A_398 = arith.constant 5.000000e-01 : f32
    %mul3A_399 = vector.broadcast %mul3A_398 : f32 to vector<1x361xf32>
    %mul3A_400 = arith.mulf %div3A_358, %mul3A_399 : vector<1x361xf32>
    %sub3A_401 = arith.subf %div3A_386, %mul3A_400 : vector<1x361xf32>
    %swap3A_402 = arith.constant 0 : index
    %swap3A_403 = arith.constant 0 : index
    %swap3A_404 = arith.constant 0 : index
    %swap3A_405 = arith.constant 768 : index
    %swap3A_406 = vector.load %arg5[%swap3A_402, %swap3A_403, %swap3A_404, %swap3A_405] : memref<1x6x1x23424xf32, #tpu.memory_space<vmem>>, vector<1x1x1x361xf32>
    %swap3A_407 = vector.shape_cast %swap3A_406 : vector<1x1x1x361xf32> to vector<1x361xf32>
    %swap3A_408 = vector.shape_cast %sub3A_401 : vector<1x361xf32> to vector<1x1x1x361xf32>
    tpu.vector_store %arg5[%swap3A_402, %swap3A_403, %swap3A_404, %swap3A_405], %swap3A_408 {strides = array<i32>} : memref<1x6x1x23424xf32, #tpu.memory_space<vmem>>, vector<1x1x1x361xf32>,
    %mul3A_409 = arith.constant 5.000000e-01 : f32
    %mul3A_410 = vector.broadcast %mul3A_409 : f32 to vector<1x361xf32>
    %mul3A_411 = arith.mulf %div3A_372, %mul3A_410 : vector<1x361xf32>
    %sub3A_412 = arith.subf %div3A_390, %mul3A_411 : vector<1x361xf32>
    %swap3A_413 = arith.constant 0 : index
    %swap3A_414 = arith.constant 1 : index
    %swap3A_415 = arith.constant 0 : index
    %swap3A_416 = arith.constant 768 : index
    %swap3A_417 = vector.load %arg5[%swap3A_413, %swap3A_414, %swap3A_415, %swap3A_416] : memref<1x6x1x23424xf32, #tpu.memory_space<vmem>>, vector<1x1x1x361xf32>
    %swap3A_418 = vector.shape_cast %swap3A_417 : vector<1x1x1x361xf32> to vector<1x361xf32>
    %swap3A_419 = vector.shape_cast %sub3A_412 : vector<1x361xf32> to vector<1x1x1x361xf32>
    tpu.vector_store %arg5[%swap3A_413, %swap3A_414, %swap3A_415, %swap3A_416], %swap3A_419 {strides = array<i32>} : memref<1x6x1x23424xf32, #tpu.memory_space<vmem>>, vector<1x1x1x361xf32>,
    %mul3A_420 = arith.constant 5.000000e-01 : f32
    %mul3A_421 = vector.broadcast %mul3A_420 : f32 to vector<1x361xf32>
    %mul3A_422 = arith.mulf %div3A_358, %mul3A_421 : vector<1x361xf32>
    %add3A_423 = arith.addf %div3A_386, %mul3A_422 : vector<1x361xf32>
    %swap3A_424 = arith.constant 0 : index
    %swap3A_425 = arith.constant 2 : index
    %swap3A_426 = arith.constant 0 : index
    %swap3A_427 = arith.constant 768 : index
    %swap3A_428 = vector.load %arg5[%swap3A_424, %swap3A_425, %swap3A_426, %swap3A_427] : memref<1x6x1x23424xf32, #tpu.memory_space<vmem>>, vector<1x1x1x361xf32>
    %swap3A_429 = vector.shape_cast %swap3A_428 : vector<1x1x1x361xf32> to vector<1x361xf32>
    %swap3A_430 = vector.shape_cast %add3A_423 : vector<1x361xf32> to vector<1x1x1x361xf32>
    tpu.vector_store %arg5[%swap3A_424, %swap3A_425, %swap3A_426, %swap3A_427], %swap3A_430 {strides = array<i32>} : memref<1x6x1x23424xf32, #tpu.memory_space<vmem>>, vector<1x1x1x361xf32>,
    %mul3A_431 = arith.constant 5.000000e-01 : f32
    %mul3A_432 = vector.broadcast %mul3A_431 : f32 to vector<1x361xf32>
    %mul3A_433 = arith.mulf %div3A_372, %mul3A_432 : vector<1x361xf32>
    %add3A_434 = arith.addf %div3A_390, %mul3A_433 : vector<1x361xf32>
    %swap3A_435 = arith.constant 0 : index
    %swap3A_436 = arith.constant 3 : index
    %swap3A_437 = arith.constant 0 : index
    %swap3A_438 = arith.constant 768 : index
    %swap3A_439 = vector.load %arg5[%swap3A_435, %swap3A_436, %swap3A_437, %swap3A_438] : memref<1x6x1x23424xf32, #tpu.memory_space<vmem>>, vector<1x1x1x361xf32>
    %swap3A_440 = vector.shape_cast %swap3A_439 : vector<1x1x1x361xf32> to vector<1x361xf32>
    %swap3A_441 = vector.shape_cast %add3A_434 : vector<1x361xf32> to vector<1x1x1x361xf32>
    tpu.vector_store %arg5[%swap3A_435, %swap3A_436, %swap3A_437, %swap3A_438], %swap3A_441 {strides = array<i32>} : memref<1x6x1x23424xf32, #tpu.memory_space<vmem>>, vector<1x1x1x361xf32>,
    %swap3A_442 = arith.constant 0 : index
    %swap3A_443 = arith.constant 4 : index
    %swap3A_444 = arith.constant 0 : index
    %swap3A_445 = arith.constant 768 : index
    %swap3A_446 = vector.load %arg5[%swap3A_442, %swap3A_443, %swap3A_444, %swap3A_445] : memref<1x6x1x23424xf32, #tpu.memory_space<vmem>>, vector<1x1x1x361xf32>
    %swap3A_447 = vector.shape_cast %swap3A_446 : vector<1x1x1x361xf32> to vector<1x361xf32>
    %swap3A_448 = vector.shape_cast %convert_element_type3A_330 : vector<1x361xf32> to vector<1x1x1x361xf32>
    tpu.vector_store %arg5[%swap3A_442, %swap3A_443, %swap3A_444, %swap3A_445], %swap3A_448 {strides = array<i32>} : memref<1x6x1x23424xf32, #tpu.memory_space<vmem>>, vector<1x1x1x361xf32>,
    %swap3A_449 = arith.constant 0 : index
    %swap3A_450 = arith.constant 768 : index
    %swap3A_451 = vector.load %arg7[%swap3A_449, %swap3A_450] : memref<1x23424xf32, #tpu.memory_space<vmem>>, vector<1x361xf32>
    tpu.vector_store %arg7[%swap3A_449, %swap3A_450], %broadcast_in_dim3A_320 {strides = array<i32>} : memref<1x23424xf32, #tpu.memory_space<vmem>>, vector<1x361xf32>,
    %swap3A_452 = arith.constant 0 : index
    %swap3A_453 = arith.constant 768 : index
    %swap3A_454 = vector.load %arg8[%swap3A_452, %swap3A_453] : memref<1x23424xi32, #tpu.memory_space<vmem>>, vector<1x361xi32>
    tpu.vector_store %arg8[%swap3A_452, %swap3A_453], %add3A_397 {strides = array<i32>} : memref<1x23424xi32, #tpu.memory_space<vmem>>, vector<1x361xi32>,
    %get3A_455 = arith.constant 0 : index
    %get3A_456 = arith.constant 0 : index
    %get3A_457 = arith.constant 0 : index
    %get3A_458 = vector.load %arg3[%get3A_455, %get3A_456, %get3A_457] : memref<1x1444x255xf32, #tpu.memory_space<vmem>>, vector<1x1444x255xf32>
    %get3A_459 = vector.shape_cast %get3A_458 : vector<1x1444x255xf32> to vector<1444x255xf32>
    %transpose3A_460 = tpu.transpose %get3A_459, [1, 0] : vector<1444x255xf32> -> vector<255x1444xf32>
    %slice3A_461 = vector.extract_strided_slice %transpose3A_460 {offsets = [4, 0], sizes = [1, 1444], strides = [1, 1]} : vector<255x1444xf32> to vector<1x1444xf32>
    %logistic3A_462 = arith.negf %slice3A_461 : vector<1x1444xf32>
    %logistic3A_463 = math.exp %logistic3A_462 : vector<1x1444xf32>
    %logistic3A_464 = arith.constant 1.000000e+00 : f32
    %logistic3A_465 = vector.broadcast %logistic3A_464 : f32 to vector<1x1444xf32>
    %logistic3A_466 = arith.addf %logistic3A_465, %logistic3A_463 : vector<1x1444xf32>
    %logistic3A_467 = arith.divf %logistic3A_465, %logistic3A_466 : vector<1x1444xf32>
    %slice3A_468 = vector.extract_strided_slice %transpose3A_460 {offsets = [5, 0], sizes = [80, 1444], strides = [1, 1]} : vector<255x1444xf32> to vector<80x1444xf32>
    %logistic3A_469 = arith.negf %slice3A_468 : vector<80x1444xf32>
    %logistic3A_470 = math.exp %logistic3A_469 : vector<80x1444xf32>
    %logistic3A_471 = arith.constant 1.000000e+00 : f32
    %logistic3A_472 = vector.broadcast %logistic3A_471 : f32 to vector<80x1444xf32>
    %logistic3A_473 = arith.addf %logistic3A_472, %logistic3A_470 : vector<80x1444xf32>
    %logistic3A_474 = arith.divf %logistic3A_472, %logistic3A_473 : vector<80x1444xf32>
    %mul3A_475 = vector.broadcast %logistic3A_467 : vector<1x1444xf32> to vector<80x1444xf32>
    %mul3A_476 = arith.mulf %logistic3A_474, %mul3A_475 : vector<80x1444xf32>
    %reduce_max3A_477 = arith.constant dense<0xFF800000> : vector<1444xf32>
    %reduce_max3A_478 = vector.multi_reduction <maximumf>, %mul3A_476, %reduce_max3A_477 [0] : vector<80x1444xf32> to vector<1444xf32>
    %broadcast_in_dim3A_479 = vector.shape_cast %reduce_max3A_478 : vector<1444xf32> to vector<1x1444xf32>
    %iota3A_480 = tpu.iota {dimensions = array<i32: 0>} : vector<80x1444xi32>
    %eq3A_481 = vector.broadcast %broadcast_in_dim3A_479 : vector<1x1444xf32> to vector<80x1444xf32>
    %eq3A_482 = arith.cmpf oeq, %mul3A_476, %eq3A_481 : vector<80x1444xf32>
    %jit3A_483 = arith.constant 1000 : i32
    %broadcast_in_dim3A_484 = vector.broadcast %jit3A_483 : i32 to vector<80x1444xi32>
    %select_n3A_485 = arith.select %eq3A_482, %iota3A_480, %broadcast_in_dim3A_484 : vector<80x1444xi1>, vector<80x1444xi32>
    %reduce_min3A_486 = arith.constant dense<2147483647> : vector<1444xi32>
    %reduce_min3A_487 = vector.multi_reduction <minsi>, %select_n3A_485, %reduce_min3A_486 [0] : vector<80x1444xi32> to vector<1444xi32>
    %broadcast_in_dim3A_488 = vector.shape_cast %reduce_min3A_487 : vector<1444xi32> to vector<1x1444xi32>
    %convert_element_type3A_489 = arith.sitofp %broadcast_in_dim3A_488 : vector<1x1444xi32> to vector<1x1444xf32>
    %slice3A_490 = vector.extract_strided_slice %transpose3A_460 {offsets = [0, 0], sizes = [1, 1444], strides = [1, 1]} : vector<255x1444xf32> to vector<1x1444xf32>
    %logistic3A_491 = arith.negf %slice3A_490 : vector<1x1444xf32>
    %logistic3A_492 = math.exp %logistic3A_491 : vector<1x1444xf32>
    %logistic3A_493 = arith.constant 1.000000e+00 : f32
    %logistic3A_494 = vector.broadcast %logistic3A_493 : f32 to vector<1x1444xf32>
    %logistic3A_495 = arith.addf %logistic3A_494, %logistic3A_492 : vector<1x1444xf32>
    %logistic3A_496 = arith.divf %logistic3A_494, %logistic3A_495 : vector<1x1444xf32>
    %slice3A_497 = vector.extract_strided_slice %transpose3A_460 {offsets = [1, 0], sizes = [1, 1444], strides = [1, 1]} : vector<255x1444xf32> to vector<1x1444xf32>
    %logistic3A_498 = arith.negf %slice3A_497 : vector<1x1444xf32>
    %logistic3A_499 = math.exp %logistic3A_498 : vector<1x1444xf32>
    %logistic3A_500 = arith.constant 1.000000e+00 : f32
    %logistic3A_501 = vector.broadcast %logistic3A_500 : f32 to vector<1x1444xf32>
    %logistic3A_502 = arith.addf %logistic3A_501, %logistic3A_499 : vector<1x1444xf32>
    %logistic3A_503 = arith.divf %logistic3A_501, %logistic3A_502 : vector<1x1444xf32>
    %slice3A_504 = vector.extract_strided_slice %transpose3A_460 {offsets = [2, 0], sizes = [1, 1444], strides = [1, 1]} : vector<255x1444xf32> to vector<1x1444xf32>
    %jit3A_505 = arith.constant -1.000000e+01 : f32
    %jit3A_506 = arith.constant 1.000000e+01 : f32
    %max3A_507 = vector.broadcast %jit3A_505 : f32 to vector<1x1444xf32>
    %max3A_508 = arith.maximumf %max3A_507, %slice3A_504 : vector<1x1444xf32>
    %min3A_509 = vector.broadcast %jit3A_506 : f32 to vector<1x1444xf32>
    %min3A_510 = arith.minimumf %min3A_509, %max3A_508 : vector<1x1444xf32>
    %exp3A_511 = math.exp %min3A_510 : vector<1x1444xf32>
    %mul3A_512 = arith.constant 3.000000e+01 : f32
    %mul3A_513 = vector.broadcast %mul3A_512 : f32 to vector<1x1444xf32>
    %mul3A_514 = arith.mulf %exp3A_511, %mul3A_513 : vector<1x1444xf32>
    %div3A_515 = arith.constant 6.080000e+02 : f32
    %div3A_516 = vector.broadcast %div3A_515 : f32 to vector<1x1444xf32>
    %div3A_517 = arith.divf %mul3A_514, %div3A_516 : vector<1x1444xf32>
    %slice3A_518 = vector.extract_strided_slice %transpose3A_460 {offsets = [3, 0], sizes = [1, 1444], strides = [1, 1]} : vector<255x1444xf32> to vector<1x1444xf32>
    %jit3A_519 = arith.constant -1.000000e+01 : f32
    %jit3A_520 = arith.constant 1.000000e+01 : f32
    %max3A_521 = vector.broadcast %jit3A_519 : f32 to vector<1x1444xf32>
    %max3A_522 = arith.maximumf %max3A_521, %slice3A_518 : vector<1x1444xf32>
    %min3A_523 = vector.broadcast %jit3A_520 : f32 to vector<1x1444xf32>
    %min3A_524 = arith.minimumf %min3A_523, %max3A_522 : vector<1x1444xf32>
    %exp3A_525 = math.exp %min3A_524 : vector<1x1444xf32>
    %mul3A_526 = arith.constant 6.100000e+01 : f32
    %mul3A_527 = vector.broadcast %mul3A_526 : f32 to vector<1x1444xf32>
    %mul3A_528 = arith.mulf %exp3A_525, %mul3A_527 : vector<1x1444xf32>
    %div3A_529 = arith.constant 6.080000e+02 : f32
    %div3A_530 = vector.broadcast %div3A_529 : f32 to vector<1x1444xf32>
    %div3A_531 = arith.divf %mul3A_528, %div3A_530 : vector<1x1444xf32>
    %get3A_532 = arith.constant 0 : index
    %get3A_533 = arith.constant 0 : index
    %get3A_534 = arith.constant 1152 : index
    %get3A_535 = vector.load %arg1[%get3A_532, %get3A_533, %get3A_534] : memref<2x1x23424xf32, #tpu.memory_space<vmem>>, vector<1x1x1444xf32>
    %get3A_536 = vector.shape_cast %get3A_535 : vector<1x1x1444xf32> to vector<1x1444xf32>
    %get3A_537 = arith.constant 1 : index
    %get3A_538 = arith.constant 0 : index
    %get3A_539 = arith.constant 1152 : index
    %get3A_540 = vector.load %arg1[%get3A_537, %get3A_538, %get3A_539] : memref<2x1x23424xf32, #tpu.memory_space<vmem>>, vector<1x1x1444xf32>
    %get3A_541 = vector.shape_cast %get3A_540 : vector<1x1x1444xf32> to vector<1x1444xf32>
    %add3A_542 = arith.addf %logistic3A_496, %get3A_536 : vector<1x1444xf32>
    %div3A_543 = arith.constant 3.800000e+01 : f32
    %div3A_544 = vector.broadcast %div3A_543 : f32 to vector<1x1444xf32>
    %div3A_545 = arith.divf %add3A_542, %div3A_544 : vector<1x1444xf32>
    %add3A_546 = arith.addf %logistic3A_503, %get3A_541 : vector<1x1444xf32>
    %div3A_547 = arith.constant 3.800000e+01 : f32
    %div3A_548 = vector.broadcast %div3A_547 : f32 to vector<1x1444xf32>
    %div3A_549 = arith.divf %add3A_546, %div3A_548 : vector<1x1444xf32>
    %iota3A_550 = tpu.iota {dimensions = array<i32: 1>} : vector<1x1444xi32>
    %mul3A_551 = arith.constant 3 : i32
    %mul3A_552 = vector.broadcast %mul3A_551 : i32 to vector<1x1444xi32>
    %mul3A_553 = arith.muli %mul3A_552, %iota3A_550 : vector<1x1444xi32>
    %add3A_554 = arith.constant 1083 : i32
    %add3A_555 = vector.broadcast %add3A_554 : i32 to vector<1x1444xi32>
    %add3A_556 = arith.addi %add3A_555, %mul3A_553 : vector<1x1444xi32>
    %mul3A_557 = arith.constant 5.000000e-01 : f32
    %mul3A_558 = vector.broadcast %mul3A_557 : f32 to vector<1x1444xf32>
    %mul3A_559 = arith.mulf %div3A_517, %mul3A_558 : vector<1x1444xf32>
    %sub3A_560 = arith.subf %div3A_545, %mul3A_559 : vector<1x1444xf32>
    %swap3A_561 = arith.constant 0 : index
    %swap3A_562 = arith.constant 0 : index
    %swap3A_563 = arith.constant 0 : index
    %swap3A_564 = arith.constant 1152 : index
    %swap3A_565 = vector.load %arg5[%swap3A_561, %swap3A_562, %swap3A_563, %swap3A_564] : memref<1x6x1x23424xf32, #tpu.memory_space<vmem>>, vector<1x1x1x1444xf32>
    %swap3A_566 = vector.shape_cast %swap3A_565 : vector<1x1x1x1444xf32> to vector<1x1444xf32>
    %swap3A_567 = vector.shape_cast %sub3A_560 : vector<1x1444xf32> to vector<1x1x1x1444xf32>
    tpu.vector_store %arg5[%swap3A_561, %swap3A_562, %swap3A_563, %swap3A_564], %swap3A_567 {strides = array<i32>} : memref<1x6x1x23424xf32, #tpu.memory_space<vmem>>, vector<1x1x1x1444xf32>,
    %mul3A_568 = arith.constant 5.000000e-01 : f32
    %mul3A_569 = vector.broadcast %mul3A_568 : f32 to vector<1x1444xf32>
    %mul3A_570 = arith.mulf %div3A_531, %mul3A_569 : vector<1x1444xf32>
    %sub3A_571 = arith.subf %div3A_549, %mul3A_570 : vector<1x1444xf32>
    %swap3A_572 = arith.constant 0 : index
    %swap3A_573 = arith.constant 1 : index
    %swap3A_574 = arith.constant 0 : index
    %swap3A_575 = arith.constant 1152 : index
    %swap3A_576 = vector.load %arg5[%swap3A_572, %swap3A_573, %swap3A_574, %swap3A_575] : memref<1x6x1x23424xf32, #tpu.memory_space<vmem>>, vector<1x1x1x1444xf32>
    %swap3A_577 = vector.shape_cast %swap3A_576 : vector<1x1x1x1444xf32> to vector<1x1444xf32>
    %swap3A_578 = vector.shape_cast %sub3A_571 : vector<1x1444xf32> to vector<1x1x1x1444xf32>
    tpu.vector_store %arg5[%swap3A_572, %swap3A_573, %swap3A_574, %swap3A_575], %swap3A_578 {strides = array<i32>} : memref<1x6x1x23424xf32, #tpu.memory_space<vmem>>, vector<1x1x1x1444xf32>,
    %mul3A_579 = arith.constant 5.000000e-01 : f32
    %mul3A_580 = vector.broadcast %mul3A_579 : f32 to vector<1x1444xf32>
    %mul3A_581 = arith.mulf %div3A_517, %mul3A_580 : vector<1x1444xf32>
    %add3A_582 = arith.addf %div3A_545, %mul3A_581 : vector<1x1444xf32>
    %swap3A_583 = arith.constant 0 : index
    %swap3A_584 = arith.constant 2 : index
    %swap3A_585 = arith.constant 0 : index
    %swap3A_586 = arith.constant 1152 : index
    %swap3A_587 = vector.load %arg5[%swap3A_583, %swap3A_584, %swap3A_585, %swap3A_586] : memref<1x6x1x23424xf32, #tpu.memory_space<vmem>>, vector<1x1x1x1444xf32>
    %swap3A_588 = vector.shape_cast %swap3A_587 : vector<1x1x1x1444xf32> to vector<1x1444xf32>
    %swap3A_589 = vector.shape_cast %add3A_582 : vector<1x1444xf32> to vector<1x1x1x1444xf32>
    tpu.vector_store %arg5[%swap3A_583, %swap3A_584, %swap3A_585, %swap3A_586], %swap3A_589 {strides = array<i32>} : memref<1x6x1x23424xf32, #tpu.memory_space<vmem>>, vector<1x1x1x1444xf32>,
    %mul3A_590 = arith.constant 5.000000e-01 : f32
    %mul3A_591 = vector.broadcast %mul3A_590 : f32 to vector<1x1444xf32>
    %mul3A_592 = arith.mulf %div3A_531, %mul3A_591 : vector<1x1444xf32>
    %add3A_593 = arith.addf %div3A_549, %mul3A_592 : vector<1x1444xf32>
    %swap3A_594 = arith.constant 0 : index
    %swap3A_595 = arith.constant 3 : index
    %swap3A_596 = arith.constant 0 : index
    %swap3A_597 = arith.constant 1152 : index
    %swap3A_598 = vector.load %arg5[%swap3A_594, %swap3A_595, %swap3A_596, %swap3A_597] : memref<1x6x1x23424xf32, #tpu.memory_space<vmem>>, vector<1x1x1x1444xf32>
    %swap3A_599 = vector.shape_cast %swap3A_598 : vector<1x1x1x1444xf32> to vector<1x1444xf32>
    %swap3A_600 = vector.shape_cast %add3A_593 : vector<1x1444xf32> to vector<1x1x1x1444xf32>
    tpu.vector_store %arg5[%swap3A_594, %swap3A_595, %swap3A_596, %swap3A_597], %swap3A_600 {strides = array<i32>} : memref<1x6x1x23424xf32, #tpu.memory_space<vmem>>, vector<1x1x1x1444xf32>,
    %swap3A_601 = arith.constant 0 : index
    %swap3A_602 = arith.constant 4 : index
    %swap3A_603 = arith.constant 0 : index
    %swap3A_604 = arith.constant 1152 : index
    %swap3A_605 = vector.load %arg5[%swap3A_601, %swap3A_602, %swap3A_603, %swap3A_604] : memref<1x6x1x23424xf32, #tpu.memory_space<vmem>>, vector<1x1x1x1444xf32>
    %swap3A_606 = vector.shape_cast %swap3A_605 : vector<1x1x1x1444xf32> to vector<1x1444xf32>
    %swap3A_607 = vector.shape_cast %convert_element_type3A_489 : vector<1x1444xf32> to vector<1x1x1x1444xf32>
    tpu.vector_store %arg5[%swap3A_601, %swap3A_602, %swap3A_603, %swap3A_604], %swap3A_607 {strides = array<i32>} : memref<1x6x1x23424xf32, #tpu.memory_space<vmem>>, vector<1x1x1x1444xf32>,
    %swap3A_608 = arith.constant 0 : index
    %swap3A_609 = arith.constant 1152 : index
    %swap3A_610 = vector.load %arg7[%swap3A_608, %swap3A_609] : memref<1x23424xf32, #tpu.memory_space<vmem>>, vector<1x1444xf32>
    tpu.vector_store %arg7[%swap3A_608, %swap3A_609], %broadcast_in_dim3A_479 {strides = array<i32>} : memref<1x23424xf32, #tpu.memory_space<vmem>>, vector<1x1444xf32>,
    %swap3A_611 = arith.constant 0 : index
    %swap3A_612 = arith.constant 1152 : index
    %swap3A_613 = vector.load %arg8[%swap3A_611, %swap3A_612] : memref<1x23424xi32, #tpu.memory_space<vmem>>, vector<1x1444xi32>
    tpu.vector_store %arg8[%swap3A_611, %swap3A_612], %add3A_556 {strides = array<i32>} : memref<1x23424xi32, #tpu.memory_space<vmem>>, vector<1x1444xi32>,
    %slice3A_614 = vector.extract_strided_slice %transpose3A_460 {offsets = [89, 0], sizes = [1, 1444], strides = [1, 1]} : vector<255x1444xf32> to vector<1x1444xf32>
    %logistic3A_615 = arith.negf %slice3A_614 : vector<1x1444xf32>
    %logistic3A_616 = math.exp %logistic3A_615 : vector<1x1444xf32>
    %logistic3A_617 = arith.constant 1.000000e+00 : f32
    %logistic3A_618 = vector.broadcast %logistic3A_617 : f32 to vector<1x1444xf32>
    %logistic3A_619 = arith.addf %logistic3A_618, %logistic3A_616 : vector<1x1444xf32>
    %logistic3A_620 = arith.divf %logistic3A_618, %logistic3A_619 : vector<1x1444xf32>
    %slice3A_621 = vector.extract_strided_slice %transpose3A_460 {offsets = [90, 0], sizes = [80, 1444], strides = [1, 1]} : vector<255x1444xf32> to vector<80x1444xf32>
    %logistic3A_622 = arith.negf %slice3A_621 : vector<80x1444xf32>
    %logistic3A_623 = math.exp %logistic3A_622 : vector<80x1444xf32>
    %logistic3A_624 = arith.constant 1.000000e+00 : f32
    %logistic3A_625 = vector.broadcast %logistic3A_624 : f32 to vector<80x1444xf32>
    %logistic3A_626 = arith.addf %logistic3A_625, %logistic3A_623 : vector<80x1444xf32>
    %logistic3A_627 = arith.divf %logistic3A_625, %logistic3A_626 : vector<80x1444xf32>
    %mul3A_628 = vector.broadcast %logistic3A_620 : vector<1x1444xf32> to vector<80x1444xf32>
    %mul3A_629 = arith.mulf %logistic3A_627, %mul3A_628 : vector<80x1444xf32>
    %reduce_max3A_630 = arith.constant dense<0xFF800000> : vector<1444xf32>
    %reduce_max3A_631 = vector.multi_reduction <maximumf>, %mul3A_629, %reduce_max3A_630 [0] : vector<80x1444xf32> to vector<1444xf32>
    %broadcast_in_dim3A_632 = vector.shape_cast %reduce_max3A_631 : vector<1444xf32> to vector<1x1444xf32>
    %iota3A_633 = tpu.iota {dimensions = array<i32: 0>} : vector<80x1444xi32>
    %eq3A_634 = vector.broadcast %broadcast_in_dim3A_632 : vector<1x1444xf32> to vector<80x1444xf32>
    %eq3A_635 = arith.cmpf oeq, %mul3A_629, %eq3A_634 : vector<80x1444xf32>
    %jit3A_636 = arith.constant 1000 : i32
    %broadcast_in_dim3A_637 = vector.broadcast %jit3A_636 : i32 to vector<80x1444xi32>
    %select_n3A_638 = arith.select %eq3A_635, %iota3A_633, %broadcast_in_dim3A_637 : vector<80x1444xi1>, vector<80x1444xi32>
    %reduce_min3A_639 = arith.constant dense<2147483647> : vector<1444xi32>
    %reduce_min3A_640 = vector.multi_reduction <minsi>, %select_n3A_638, %reduce_min3A_639 [0] : vector<80x1444xi32> to vector<1444xi32>
    %broadcast_in_dim3A_641 = vector.shape_cast %reduce_min3A_640 : vector<1444xi32> to vector<1x1444xi32>
    %convert_element_type3A_642 = arith.sitofp %broadcast_in_dim3A_641 : vector<1x1444xi32> to vector<1x1444xf32>
    %slice3A_643 = vector.extract_strided_slice %transpose3A_460 {offsets = [85, 0], sizes = [1, 1444], strides = [1, 1]} : vector<255x1444xf32> to vector<1x1444xf32>
    %logistic3A_644 = arith.negf %slice3A_643 : vector<1x1444xf32>
    %logistic3A_645 = math.exp %logistic3A_644 : vector<1x1444xf32>
    %logistic3A_646 = arith.constant 1.000000e+00 : f32
    %logistic3A_647 = vector.broadcast %logistic3A_646 : f32 to vector<1x1444xf32>
    %logistic3A_648 = arith.addf %logistic3A_647, %logistic3A_645 : vector<1x1444xf32>
    %logistic3A_649 = arith.divf %logistic3A_647, %logistic3A_648 : vector<1x1444xf32>
    %slice3A_650 = vector.extract_strided_slice %transpose3A_460 {offsets = [86, 0], sizes = [1, 1444], strides = [1, 1]} : vector<255x1444xf32> to vector<1x1444xf32>
    %logistic3A_651 = arith.negf %slice3A_650 : vector<1x1444xf32>
    %logistic3A_652 = math.exp %logistic3A_651 : vector<1x1444xf32>
    %logistic3A_653 = arith.constant 1.000000e+00 : f32
    %logistic3A_654 = vector.broadcast %logistic3A_653 : f32 to vector<1x1444xf32>
    %logistic3A_655 = arith.addf %logistic3A_654, %logistic3A_652 : vector<1x1444xf32>
    %logistic3A_656 = arith.divf %logistic3A_654, %logistic3A_655 : vector<1x1444xf32>
    %slice3A_657 = vector.extract_strided_slice %transpose3A_460 {offsets = [87, 0], sizes = [1, 1444], strides = [1, 1]} : vector<255x1444xf32> to vector<1x1444xf32>
    %jit3A_658 = arith.constant -1.000000e+01 : f32
    %jit3A_659 = arith.constant 1.000000e+01 : f32
    %max3A_660 = vector.broadcast %jit3A_658 : f32 to vector<1x1444xf32>
    %max3A_661 = arith.maximumf %max3A_660, %slice3A_657 : vector<1x1444xf32>
    %min3A_662 = vector.broadcast %jit3A_659 : f32 to vector<1x1444xf32>
    %min3A_663 = arith.minimumf %min3A_662, %max3A_661 : vector<1x1444xf32>
    %exp3A_664 = math.exp %min3A_663 : vector<1x1444xf32>
    %mul3A_665 = arith.constant 6.200000e+01 : f32
    %mul3A_666 = vector.broadcast %mul3A_665 : f32 to vector<1x1444xf32>
    %mul3A_667 = arith.mulf %exp3A_664, %mul3A_666 : vector<1x1444xf32>
    %div3A_668 = arith.constant 6.080000e+02 : f32
    %div3A_669 = vector.broadcast %div3A_668 : f32 to vector<1x1444xf32>
    %div3A_670 = arith.divf %mul3A_667, %div3A_669 : vector<1x1444xf32>
    %slice3A_671 = vector.extract_strided_slice %transpose3A_460 {offsets = [88, 0], sizes = [1, 1444], strides = [1, 1]} : vector<255x1444xf32> to vector<1x1444xf32>
    %jit3A_672 = arith.constant -1.000000e+01 : f32
    %jit3A_673 = arith.constant 1.000000e+01 : f32
    %max3A_674 = vector.broadcast %jit3A_672 : f32 to vector<1x1444xf32>
    %max3A_675 = arith.maximumf %max3A_674, %slice3A_671 : vector<1x1444xf32>
    %min3A_676 = vector.broadcast %jit3A_673 : f32 to vector<1x1444xf32>
    %min3A_677 = arith.minimumf %min3A_676, %max3A_675 : vector<1x1444xf32>
    %exp3A_678 = math.exp %min3A_677 : vector<1x1444xf32>
    %mul3A_679 = arith.constant 4.500000e+01 : f32
    %mul3A_680 = vector.broadcast %mul3A_679 : f32 to vector<1x1444xf32>
    %mul3A_681 = arith.mulf %exp3A_678, %mul3A_680 : vector<1x1444xf32>
    %div3A_682 = arith.constant 6.080000e+02 : f32
    %div3A_683 = vector.broadcast %div3A_682 : f32 to vector<1x1444xf32>
    %div3A_684 = arith.divf %mul3A_681, %div3A_683 : vector<1x1444xf32>
    %get3A_685 = arith.constant 0 : index
    %get3A_686 = arith.constant 0 : index
    %get3A_687 = arith.constant 2688 : index
    %get3A_688 = vector.load %arg1[%get3A_685, %get3A_686, %get3A_687] : memref<2x1x23424xf32, #tpu.memory_space<vmem>>, vector<1x1x1444xf32>
    %get3A_689 = vector.shape_cast %get3A_688 : vector<1x1x1444xf32> to vector<1x1444xf32>
    %get3A_690 = arith.constant 1 : index
    %get3A_691 = arith.constant 0 : index
    %get3A_692 = arith.constant 2688 : index
    %get3A_693 = vector.load %arg1[%get3A_690, %get3A_691, %get3A_692] : memref<2x1x23424xf32, #tpu.memory_space<vmem>>, vector<1x1x1444xf32>
    %get3A_694 = vector.shape_cast %get3A_693 : vector<1x1x1444xf32> to vector<1x1444xf32>
    %add3A_695 = arith.addf %logistic3A_649, %get3A_689 : vector<1x1444xf32>
    %div3A_696 = arith.constant 3.800000e+01 : f32
    %div3A_697 = vector.broadcast %div3A_696 : f32 to vector<1x1444xf32>
    %div3A_698 = arith.divf %add3A_695, %div3A_697 : vector<1x1444xf32>
    %add3A_699 = arith.addf %logistic3A_656, %get3A_694 : vector<1x1444xf32>
    %div3A_700 = arith.constant 3.800000e+01 : f32
    %div3A_701 = vector.broadcast %div3A_700 : f32 to vector<1x1444xf32>
    %div3A_702 = arith.divf %add3A_699, %div3A_701 : vector<1x1444xf32>
    %iota3A_703 = tpu.iota {dimensions = array<i32: 1>} : vector<1x1444xi32>
    %mul3A_704 = arith.constant 3 : i32
    %mul3A_705 = vector.broadcast %mul3A_704 : i32 to vector<1x1444xi32>
    %mul3A_706 = arith.muli %mul3A_705, %iota3A_703 : vector<1x1444xi32>
    %add3A_707 = arith.constant 1084 : i32
    %add3A_708 = vector.broadcast %add3A_707 : i32 to vector<1x1444xi32>
    %add3A_709 = arith.addi %add3A_708, %mul3A_706 : vector<1x1444xi32>
    %mul3A_710 = arith.constant 5.000000e-01 : f32
    %mul3A_711 = vector.broadcast %mul3A_710 : f32 to vector<1x1444xf32>
    %mul3A_712 = arith.mulf %div3A_670, %mul3A_711 : vector<1x1444xf32>
    %sub3A_713 = arith.subf %div3A_698, %mul3A_712 : vector<1x1444xf32>
    %swap3A_714 = arith.constant 0 : index
    %swap3A_715 = arith.constant 0 : index
    %swap3A_716 = arith.constant 0 : index
    %swap3A_717 = arith.constant 2688 : index
    %swap3A_718 = vector.load %arg5[%swap3A_714, %swap3A_715, %swap3A_716, %swap3A_717] : memref<1x6x1x23424xf32, #tpu.memory_space<vmem>>, vector<1x1x1x1444xf32>
    %swap3A_719 = vector.shape_cast %swap3A_718 : vector<1x1x1x1444xf32> to vector<1x1444xf32>
    %swap3A_720 = vector.shape_cast %sub3A_713 : vector<1x1444xf32> to vector<1x1x1x1444xf32>
    tpu.vector_store %arg5[%swap3A_714, %swap3A_715, %swap3A_716, %swap3A_717], %swap3A_720 {strides = array<i32>} : memref<1x6x1x23424xf32, #tpu.memory_space<vmem>>, vector<1x1x1x1444xf32>,
    %mul3A_721 = arith.constant 5.000000e-01 : f32
    %mul3A_722 = vector.broadcast %mul3A_721 : f32 to vector<1x1444xf32>
    %mul3A_723 = arith.mulf %div3A_684, %mul3A_722 : vector<1x1444xf32>
    %sub3A_724 = arith.subf %div3A_702, %mul3A_723 : vector<1x1444xf32>
    %swap3A_725 = arith.constant 0 : index
    %swap3A_726 = arith.constant 1 : index
    %swap3A_727 = arith.constant 0 : index
    %swap3A_728 = arith.constant 2688 : index
    %swap3A_729 = vector.load %arg5[%swap3A_725, %swap3A_726, %swap3A_727, %swap3A_728] : memref<1x6x1x23424xf32, #tpu.memory_space<vmem>>, vector<1x1x1x1444xf32>
    %swap3A_730 = vector.shape_cast %swap3A_729 : vector<1x1x1x1444xf32> to vector<1x1444xf32>
    %swap3A_731 = vector.shape_cast %sub3A_724 : vector<1x1444xf32> to vector<1x1x1x1444xf32>
    tpu.vector_store %arg5[%swap3A_725, %swap3A_726, %swap3A_727, %swap3A_728], %swap3A_731 {strides = array<i32>} : memref<1x6x1x23424xf32, #tpu.memory_space<vmem>>, vector<1x1x1x1444xf32>,
    %mul3A_732 = arith.constant 5.000000e-01 : f32
    %mul3A_733 = vector.broadcast %mul3A_732 : f32 to vector<1x1444xf32>
    %mul3A_734 = arith.mulf %div3A_670, %mul3A_733 : vector<1x1444xf32>
    %add3A_735 = arith.addf %div3A_698, %mul3A_734 : vector<1x1444xf32>
    %swap3A_736 = arith.constant 0 : index
    %swap3A_737 = arith.constant 2 : index
    %swap3A_738 = arith.constant 0 : index
    %swap3A_739 = arith.constant 2688 : index
    %swap3A_740 = vector.load %arg5[%swap3A_736, %swap3A_737, %swap3A_738, %swap3A_739] : memref<1x6x1x23424xf32, #tpu.memory_space<vmem>>, vector<1x1x1x1444xf32>
    %swap3A_741 = vector.shape_cast %swap3A_740 : vector<1x1x1x1444xf32> to vector<1x1444xf32>
    %swap3A_742 = vector.shape_cast %add3A_735 : vector<1x1444xf32> to vector<1x1x1x1444xf32>
    tpu.vector_store %arg5[%swap3A_736, %swap3A_737, %swap3A_738, %swap3A_739], %swap3A_742 {strides = array<i32>} : memref<1x6x1x23424xf32, #tpu.memory_space<vmem>>, vector<1x1x1x1444xf32>,
    %mul3A_743 = arith.constant 5.000000e-01 : f32
    %mul3A_744 = vector.broadcast %mul3A_743 : f32 to vector<1x1444xf32>
    %mul3A_745 = arith.mulf %div3A_684, %mul3A_744 : vector<1x1444xf32>
    %add3A_746 = arith.addf %div3A_702, %mul3A_745 : vector<1x1444xf32>
    %swap3A_747 = arith.constant 0 : index
    %swap3A_748 = arith.constant 3 : index
    %swap3A_749 = arith.constant 0 : index
    %swap3A_750 = arith.constant 2688 : index
    %swap3A_751 = vector.load %arg5[%swap3A_747, %swap3A_748, %swap3A_749, %swap3A_750] : memref<1x6x1x23424xf32, #tpu.memory_space<vmem>>, vector<1x1x1x1444xf32>
    %swap3A_752 = vector.shape_cast %swap3A_751 : vector<1x1x1x1444xf32> to vector<1x1444xf32>
    %swap3A_753 = vector.shape_cast %add3A_746 : vector<1x1444xf32> to vector<1x1x1x1444xf32>
    tpu.vector_store %arg5[%swap3A_747, %swap3A_748, %swap3A_749, %swap3A_750], %swap3A_753 {strides = array<i32>} : memref<1x6x1x23424xf32, #tpu.memory_space<vmem>>, vector<1x1x1x1444xf32>,
    %swap3A_754 = arith.constant 0 : index
    %swap3A_755 = arith.constant 4 : index
    %swap3A_756 = arith.constant 0 : index
    %swap3A_757 = arith.constant 2688 : index
    %swap3A_758 = vector.load %arg5[%swap3A_754, %swap3A_755, %swap3A_756, %swap3A_757] : memref<1x6x1x23424xf32, #tpu.memory_space<vmem>>, vector<1x1x1x1444xf32>
    %swap3A_759 = vector.shape_cast %swap3A_758 : vector<1x1x1x1444xf32> to vector<1x1444xf32>
    %swap3A_760 = vector.shape_cast %convert_element_type3A_642 : vector<1x1444xf32> to vector<1x1x1x1444xf32>
    tpu.vector_store %arg5[%swap3A_754, %swap3A_755, %swap3A_756, %swap3A_757], %swap3A_760 {strides = array<i32>} : memref<1x6x1x23424xf32, #tpu.memory_space<vmem>>, vector<1x1x1x1444xf32>,
    %swap3A_761 = arith.constant 0 : index
    %swap3A_762 = arith.constant 2688 : index
    %swap3A_763 = vector.load %arg7[%swap3A_761, %swap3A_762] : memref<1x23424xf32, #tpu.memory_space<vmem>>, vector<1x1444xf32>
    tpu.vector_store %arg7[%swap3A_761, %swap3A_762], %broadcast_in_dim3A_632 {strides = array<i32>} : memref<1x23424xf32, #tpu.memory_space<vmem>>, vector<1x1444xf32>,
    %swap3A_764 = arith.constant 0 : index
    %swap3A_765 = arith.constant 2688 : index
    %swap3A_766 = vector.load %arg8[%swap3A_764, %swap3A_765] : memref<1x23424xi32, #tpu.memory_space<vmem>>, vector<1x1444xi32>
    tpu.vector_store %arg8[%swap3A_764, %swap3A_765], %add3A_709 {strides = array<i32>} : memref<1x23424xi32, #tpu.memory_space<vmem>>, vector<1x1444xi32>,
    %slice3A_767 = vector.extract_strided_slice %transpose3A_460 {offsets = [174, 0], sizes = [1, 1444], strides = [1, 1]} : vector<255x1444xf32> to vector<1x1444xf32>
    %logistic3A_768 = arith.negf %slice3A_767 : vector<1x1444xf32>
    %logistic3A_769 = math.exp %logistic3A_768 : vector<1x1444xf32>
    %logistic3A_770 = arith.constant 1.000000e+00 : f32
    %logistic3A_771 = vector.broadcast %logistic3A_770 : f32 to vector<1x1444xf32>
    %logistic3A_772 = arith.addf %logistic3A_771, %logistic3A_769 : vector<1x1444xf32>
    %logistic3A_773 = arith.divf %logistic3A_771, %logistic3A_772 : vector<1x1444xf32>
    %slice3A_774 = vector.extract_strided_slice %transpose3A_460 {offsets = [175, 0], sizes = [80, 1444], strides = [1, 1]} : vector<255x1444xf32> to vector<80x1444xf32>
    %logistic3A_775 = arith.negf %slice3A_774 : vector<80x1444xf32>
    %logistic3A_776 = math.exp %logistic3A_775 : vector<80x1444xf32>
    %logistic3A_777 = arith.constant 1.000000e+00 : f32
    %logistic3A_778 = vector.broadcast %logistic3A_777 : f32 to vector<80x1444xf32>
    %logistic3A_779 = arith.addf %logistic3A_778, %logistic3A_776 : vector<80x1444xf32>
    %logistic3A_780 = arith.divf %logistic3A_778, %logistic3A_779 : vector<80x1444xf32>
    %mul3A_781 = vector.broadcast %logistic3A_773 : vector<1x1444xf32> to vector<80x1444xf32>
    %mul3A_782 = arith.mulf %logistic3A_780, %mul3A_781 : vector<80x1444xf32>
    %reduce_max3A_783 = arith.constant dense<0xFF800000> : vector<1444xf32>
    %reduce_max3A_784 = vector.multi_reduction <maximumf>, %mul3A_782, %reduce_max3A_783 [0] : vector<80x1444xf32> to vector<1444xf32>
    %broadcast_in_dim3A_785 = vector.shape_cast %reduce_max3A_784 : vector<1444xf32> to vector<1x1444xf32>
    %iota3A_786 = tpu.iota {dimensions = array<i32: 0>} : vector<80x1444xi32>
    %eq3A_787 = vector.broadcast %broadcast_in_dim3A_785 : vector<1x1444xf32> to vector<80x1444xf32>
    %eq3A_788 = arith.cmpf oeq, %mul3A_782, %eq3A_787 : vector<80x1444xf32>
    %jit3A_789 = arith.constant 1000 : i32
    %broadcast_in_dim3A_790 = vector.broadcast %jit3A_789 : i32 to vector<80x1444xi32>
    %select_n3A_791 = arith.select %eq3A_788, %iota3A_786, %broadcast_in_dim3A_790 : vector<80x1444xi1>, vector<80x1444xi32>
    %reduce_min3A_792 = arith.constant dense<2147483647> : vector<1444xi32>
    %reduce_min3A_793 = vector.multi_reduction <minsi>, %select_n3A_791, %reduce_min3A_792 [0] : vector<80x1444xi32> to vector<1444xi32>
    %broadcast_in_dim3A_794 = vector.shape_cast %reduce_min3A_793 : vector<1444xi32> to vector<1x1444xi32>
    %convert_element_type3A_795 = arith.sitofp %broadcast_in_dim3A_794 : vector<1x1444xi32> to vector<1x1444xf32>
    %slice3A_796 = vector.extract_strided_slice %transpose3A_460 {offsets = [170, 0], sizes = [1, 1444], strides = [1, 1]} : vector<255x1444xf32> to vector<1x1444xf32>
    %logistic3A_797 = arith.negf %slice3A_796 : vector<1x1444xf32>
    %logistic3A_798 = math.exp %logistic3A_797 : vector<1x1444xf32>
    %logistic3A_799 = arith.constant 1.000000e+00 : f32
    %logistic3A_800 = vector.broadcast %logistic3A_799 : f32 to vector<1x1444xf32>
    %logistic3A_801 = arith.addf %logistic3A_800, %logistic3A_798 : vector<1x1444xf32>
    %logistic3A_802 = arith.divf %logistic3A_800, %logistic3A_801 : vector<1x1444xf32>
    %slice3A_803 = vector.extract_strided_slice %transpose3A_460 {offsets = [171, 0], sizes = [1, 1444], strides = [1, 1]} : vector<255x1444xf32> to vector<1x1444xf32>
    %logistic3A_804 = arith.negf %slice3A_803 : vector<1x1444xf32>
    %logistic3A_805 = math.exp %logistic3A_804 : vector<1x1444xf32>
    %logistic3A_806 = arith.constant 1.000000e+00 : f32
    %logistic3A_807 = vector.broadcast %logistic3A_806 : f32 to vector<1x1444xf32>
    %logistic3A_808 = arith.addf %logistic3A_807, %logistic3A_805 : vector<1x1444xf32>
    %logistic3A_809 = arith.divf %logistic3A_807, %logistic3A_808 : vector<1x1444xf32>
    %slice3A_810 = vector.extract_strided_slice %transpose3A_460 {offsets = [172, 0], sizes = [1, 1444], strides = [1, 1]} : vector<255x1444xf32> to vector<1x1444xf32>
    %jit3A_811 = arith.constant -1.000000e+01 : f32
    %jit3A_812 = arith.constant 1.000000e+01 : f32
    %max3A_813 = vector.broadcast %jit3A_811 : f32 to vector<1x1444xf32>
    %max3A_814 = arith.maximumf %max3A_813, %slice3A_810 : vector<1x1444xf32>
    %min3A_815 = vector.broadcast %jit3A_812 : f32 to vector<1x1444xf32>
    %min3A_816 = arith.minimumf %min3A_815, %max3A_814 : vector<1x1444xf32>
    %exp3A_817 = math.exp %min3A_816 : vector<1x1444xf32>
    %mul3A_818 = arith.constant 5.900000e+01 : f32
    %mul3A_819 = vector.broadcast %mul3A_818 : f32 to vector<1x1444xf32>
    %mul3A_820 = arith.mulf %exp3A_817, %mul3A_819 : vector<1x1444xf32>
    %div3A_821 = arith.constant 6.080000e+02 : f32
    %div3A_822 = vector.broadcast %div3A_821 : f32 to vector<1x1444xf32>
    %div3A_823 = arith.divf %mul3A_820, %div3A_822 : vector<1x1444xf32>
    %slice3A_824 = vector.extract_strided_slice %transpose3A_460 {offsets = [173, 0], sizes = [1, 1444], strides = [1, 1]} : vector<255x1444xf32> to vector<1x1444xf32>
    %jit3A_825 = arith.constant -1.000000e+01 : f32
    %jit3A_826 = arith.constant 1.000000e+01 : f32
    %max3A_827 = vector.broadcast %jit3A_825 : f32 to vector<1x1444xf32>
    %max3A_828 = arith.maximumf %max3A_827, %slice3A_824 : vector<1x1444xf32>
    %min3A_829 = vector.broadcast %jit3A_826 : f32 to vector<1x1444xf32>
    %min3A_830 = arith.minimumf %min3A_829, %max3A_828 : vector<1x1444xf32>
    %exp3A_831 = math.exp %min3A_830 : vector<1x1444xf32>
    %mul3A_832 = arith.constant 1.190000e+02 : f32
    %mul3A_833 = vector.broadcast %mul3A_832 : f32 to vector<1x1444xf32>
    %mul3A_834 = arith.mulf %exp3A_831, %mul3A_833 : vector<1x1444xf32>
    %div3A_835 = arith.constant 6.080000e+02 : f32
    %div3A_836 = vector.broadcast %div3A_835 : f32 to vector<1x1444xf32>
    %div3A_837 = arith.divf %mul3A_834, %div3A_836 : vector<1x1444xf32>
    %get3A_838 = arith.constant 0 : index
    %get3A_839 = arith.constant 0 : index
    %get3A_840 = arith.constant 4224 : index
    %get3A_841 = vector.load %arg1[%get3A_838, %get3A_839, %get3A_840] : memref<2x1x23424xf32, #tpu.memory_space<vmem>>, vector<1x1x1444xf32>
    %get3A_842 = vector.shape_cast %get3A_841 : vector<1x1x1444xf32> to vector<1x1444xf32>
    %get3A_843 = arith.constant 1 : index
    %get3A_844 = arith.constant 0 : index
    %get3A_845 = arith.constant 4224 : index
    %get3A_846 = vector.load %arg1[%get3A_843, %get3A_844, %get3A_845] : memref<2x1x23424xf32, #tpu.memory_space<vmem>>, vector<1x1x1444xf32>
    %get3A_847 = vector.shape_cast %get3A_846 : vector<1x1x1444xf32> to vector<1x1444xf32>
    %add3A_848 = arith.addf %logistic3A_802, %get3A_842 : vector<1x1444xf32>
    %div3A_849 = arith.constant 3.800000e+01 : f32
    %div3A_850 = vector.broadcast %div3A_849 : f32 to vector<1x1444xf32>
    %div3A_851 = arith.divf %add3A_848, %div3A_850 : vector<1x1444xf32>
    %add3A_852 = arith.addf %logistic3A_809, %get3A_847 : vector<1x1444xf32>
    %div3A_853 = arith.constant 3.800000e+01 : f32
    %div3A_854 = vector.broadcast %div3A_853 : f32 to vector<1x1444xf32>
    %div3A_855 = arith.divf %add3A_852, %div3A_854 : vector<1x1444xf32>
    %iota3A_856 = tpu.iota {dimensions = array<i32: 1>} : vector<1x1444xi32>
    %mul3A_857 = arith.constant 3 : i32
    %mul3A_858 = vector.broadcast %mul3A_857 : i32 to vector<1x1444xi32>
    %mul3A_859 = arith.muli %mul3A_858, %iota3A_856 : vector<1x1444xi32>
    %add3A_860 = arith.constant 1085 : i32
    %add3A_861 = vector.broadcast %add3A_860 : i32 to vector<1x1444xi32>
    %add3A_862 = arith.addi %add3A_861, %mul3A_859 : vector<1x1444xi32>
    %mul3A_863 = arith.constant 5.000000e-01 : f32
    %mul3A_864 = vector.broadcast %mul3A_863 : f32 to vector<1x1444xf32>
    %mul3A_865 = arith.mulf %div3A_823, %mul3A_864 : vector<1x1444xf32>
    %sub3A_866 = arith.subf %div3A_851, %mul3A_865 : vector<1x1444xf32>
    %swap3A_867 = arith.constant 0 : index
    %swap3A_868 = arith.constant 0 : index
    %swap3A_869 = arith.constant 0 : index
    %swap3A_870 = arith.constant 4224 : index
    %swap3A_871 = vector.load %arg5[%swap3A_867, %swap3A_868, %swap3A_869, %swap3A_870] : memref<1x6x1x23424xf32, #tpu.memory_space<vmem>>, vector<1x1x1x1444xf32>
    %swap3A_872 = vector.shape_cast %swap3A_871 : vector<1x1x1x1444xf32> to vector<1x1444xf32>
    %swap3A_873 = vector.shape_cast %sub3A_866 : vector<1x1444xf32> to vector<1x1x1x1444xf32>
    tpu.vector_store %arg5[%swap3A_867, %swap3A_868, %swap3A_869, %swap3A_870], %swap3A_873 {strides = array<i32>} : memref<1x6x1x23424xf32, #tpu.memory_space<vmem>>, vector<1x1x1x1444xf32>,
    %mul3A_874 = arith.constant 5.000000e-01 : f32
    %mul3A_875 = vector.broadcast %mul3A_874 : f32 to vector<1x1444xf32>
    %mul3A_876 = arith.mulf %div3A_837, %mul3A_875 : vector<1x1444xf32>
    %sub3A_877 = arith.subf %div3A_855, %mul3A_876 : vector<1x1444xf32>
    %swap3A_878 = arith.constant 0 : index
    %swap3A_879 = arith.constant 1 : index
    %swap3A_880 = arith.constant 0 : index
    %swap3A_881 = arith.constant 4224 : index
    %swap3A_882 = vector.load %arg5[%swap3A_878, %swap3A_879, %swap3A_880, %swap3A_881] : memref<1x6x1x23424xf32, #tpu.memory_space<vmem>>, vector<1x1x1x1444xf32>
    %swap3A_883 = vector.shape_cast %swap3A_882 : vector<1x1x1x1444xf32> to vector<1x1444xf32>
    %swap3A_884 = vector.shape_cast %sub3A_877 : vector<1x1444xf32> to vector<1x1x1x1444xf32>
    tpu.vector_store %arg5[%swap3A_878, %swap3A_879, %swap3A_880, %swap3A_881], %swap3A_884 {strides = array<i32>} : memref<1x6x1x23424xf32, #tpu.memory_space<vmem>>, vector<1x1x1x1444xf32>,
    %mul3A_885 = arith.constant 5.000000e-01 : f32
    %mul3A_886 = vector.broadcast %mul3A_885 : f32 to vector<1x1444xf32>
    %mul3A_887 = arith.mulf %div3A_823, %mul3A_886 : vector<1x1444xf32>
    %add3A_888 = arith.addf %div3A_851, %mul3A_887 : vector<1x1444xf32>
    %swap3A_889 = arith.constant 0 : index
    %swap3A_890 = arith.constant 2 : index
    %swap3A_891 = arith.constant 0 : index
    %swap3A_892 = arith.constant 4224 : index
    %swap3A_893 = vector.load %arg5[%swap3A_889, %swap3A_890, %swap3A_891, %swap3A_892] : memref<1x6x1x23424xf32, #tpu.memory_space<vmem>>, vector<1x1x1x1444xf32>
    %swap3A_894 = vector.shape_cast %swap3A_893 : vector<1x1x1x1444xf32> to vector<1x1444xf32>
    %swap3A_895 = vector.shape_cast %add3A_888 : vector<1x1444xf32> to vector<1x1x1x1444xf32>
    tpu.vector_store %arg5[%swap3A_889, %swap3A_890, %swap3A_891, %swap3A_892], %swap3A_895 {strides = array<i32>} : memref<1x6x1x23424xf32, #tpu.memory_space<vmem>>, vector<1x1x1x1444xf32>,
    %mul3A_896 = arith.constant 5.000000e-01 : f32
    %mul3A_897 = vector.broadcast %mul3A_896 : f32 to vector<1x1444xf32>
    %mul3A_898 = arith.mulf %div3A_837, %mul3A_897 : vector<1x1444xf32>
    %add3A_899 = arith.addf %div3A_855, %mul3A_898 : vector<1x1444xf32>
    %swap3A_900 = arith.constant 0 : index
    %swap3A_901 = arith.constant 3 : index
    %swap3A_902 = arith.constant 0 : index
    %swap3A_903 = arith.constant 4224 : index
    %swap3A_904 = vector.load %arg5[%swap3A_900, %swap3A_901, %swap3A_902, %swap3A_903] : memref<1x6x1x23424xf32, #tpu.memory_space<vmem>>, vector<1x1x1x1444xf32>
    %swap3A_905 = vector.shape_cast %swap3A_904 : vector<1x1x1x1444xf32> to vector<1x1444xf32>
    %swap3A_906 = vector.shape_cast %add3A_899 : vector<1x1444xf32> to vector<1x1x1x1444xf32>
    tpu.vector_store %arg5[%swap3A_900, %swap3A_901, %swap3A_902, %swap3A_903], %swap3A_906 {strides = array<i32>} : memref<1x6x1x23424xf32, #tpu.memory_space<vmem>>, vector<1x1x1x1444xf32>,
    %swap3A_907 = arith.constant 0 : index
    %swap3A_908 = arith.constant 4 : index
    %swap3A_909 = arith.constant 0 : index
    %swap3A_910 = arith.constant 4224 : index
    %swap3A_911 = vector.load %arg5[%swap3A_907, %swap3A_908, %swap3A_909, %swap3A_910] : memref<1x6x1x23424xf32, #tpu.memory_space<vmem>>, vector<1x1x1x1444xf32>
    %swap3A_912 = vector.shape_cast %swap3A_911 : vector<1x1x1x1444xf32> to vector<1x1444xf32>
    %swap3A_913 = vector.shape_cast %convert_element_type3A_795 : vector<1x1444xf32> to vector<1x1x1x1444xf32>
    tpu.vector_store %arg5[%swap3A_907, %swap3A_908, %swap3A_909, %swap3A_910], %swap3A_913 {strides = array<i32>} : memref<1x6x1x23424xf32, #tpu.memory_space<vmem>>, vector<1x1x1x1444xf32>,
    %swap3A_914 = arith.constant 0 : index
    %swap3A_915 = arith.constant 4224 : index
    %swap3A_916 = vector.load %arg7[%swap3A_914, %swap3A_915] : memref<1x23424xf32, #tpu.memory_space<vmem>>, vector<1x1444xf32>
    tpu.vector_store %arg7[%swap3A_914, %swap3A_915], %broadcast_in_dim3A_785 {strides = array<i32>} : memref<1x23424xf32, #tpu.memory_space<vmem>>, vector<1x1444xf32>,
    %swap3A_917 = arith.constant 0 : index
    %swap3A_918 = arith.constant 4224 : index
    %swap3A_919 = vector.load %arg8[%swap3A_917, %swap3A_918] : memref<1x23424xi32, #tpu.memory_space<vmem>>, vector<1x1444xi32>
    tpu.vector_store %arg8[%swap3A_917, %swap3A_918], %add3A_862 {strides = array<i32>} : memref<1x23424xi32, #tpu.memory_space<vmem>>, vector<1x1444xi32>,
    %get3A_920 = arith.constant 0 : index
    %get3A_921 = arith.constant 0 : index
    %get3A_922 = arith.constant 0 : index
    %get3A_923 = vector.load %arg4[%get3A_920, %get3A_921, %get3A_922] : memref<1x5776x255xf32, #tpu.memory_space<vmem>>, vector<1x5776x255xf32>
    %get3A_924 = vector.shape_cast %get3A_923 : vector<1x5776x255xf32> to vector<5776x255xf32>
    %transpose3A_925 = tpu.transpose %get3A_924, [1, 0] : vector<5776x255xf32> -> vector<255x5776xf32>
    %slice3A_926 = vector.extract_strided_slice %transpose3A_925 {offsets = [4, 0], sizes = [1, 5776], strides = [1, 1]} : vector<255x5776xf32> to vector<1x5776xf32>
    %logistic3A_927 = arith.negf %slice3A_926 : vector<1x5776xf32>
    %logistic3A_928 = math.exp %logistic3A_927 : vector<1x5776xf32>
    %logistic3A_929 = arith.constant 1.000000e+00 : f32
    %logistic3A_930 = vector.broadcast %logistic3A_929 : f32 to vector<1x5776xf32>
    %logistic3A_931 = arith.addf %logistic3A_930, %logistic3A_928 : vector<1x5776xf32>
    %logistic3A_932 = arith.divf %logistic3A_930, %logistic3A_931 : vector<1x5776xf32>
    %slice3A_933 = vector.extract_strided_slice %transpose3A_925 {offsets = [5, 0], sizes = [80, 5776], strides = [1, 1]} : vector<255x5776xf32> to vector<80x5776xf32>
    %logistic3A_934 = arith.negf %slice3A_933 : vector<80x5776xf32>
    %logistic3A_935 = math.exp %logistic3A_934 : vector<80x5776xf32>
    %logistic3A_936 = arith.constant 1.000000e+00 : f32
    %logistic3A_937 = vector.broadcast %logistic3A_936 : f32 to vector<80x5776xf32>
    %logistic3A_938 = arith.addf %logistic3A_937, %logistic3A_935 : vector<80x5776xf32>
    %logistic3A_939 = arith.divf %logistic3A_937, %logistic3A_938 : vector<80x5776xf32>
    %mul3A_940 = vector.broadcast %logistic3A_932 : vector<1x5776xf32> to vector<80x5776xf32>
    %mul3A_941 = arith.mulf %logistic3A_939, %mul3A_940 : vector<80x5776xf32>
    %reduce_max3A_942 = arith.constant dense<0xFF800000> : vector<5776xf32>
    %reduce_max3A_943 = vector.multi_reduction <maximumf>, %mul3A_941, %reduce_max3A_942 [0] : vector<80x5776xf32> to vector<5776xf32>
    %broadcast_in_dim3A_944 = vector.shape_cast %reduce_max3A_943 : vector<5776xf32> to vector<1x5776xf32>
    %iota3A_945 = tpu.iota {dimensions = array<i32: 0>} : vector<80x5776xi32>
    %eq3A_946 = vector.broadcast %broadcast_in_dim3A_944 : vector<1x5776xf32> to vector<80x5776xf32>
    %eq3A_947 = arith.cmpf oeq, %mul3A_941, %eq3A_946 : vector<80x5776xf32>
    %jit3A_948 = arith.constant 1000 : i32
    %broadcast_in_dim3A_949 = vector.broadcast %jit3A_948 : i32 to vector<80x5776xi32>
    %select_n3A_950 = arith.select %eq3A_947, %iota3A_945, %broadcast_in_dim3A_949 : vector<80x5776xi1>, vector<80x5776xi32>
    %reduce_min3A_951 = arith.constant dense<2147483647> : vector<5776xi32>
    %reduce_min3A_952 = vector.multi_reduction <minsi>, %select_n3A_950, %reduce_min3A_951 [0] : vector<80x5776xi32> to vector<5776xi32>
    %broadcast_in_dim3A_953 = vector.shape_cast %reduce_min3A_952 : vector<5776xi32> to vector<1x5776xi32>
    %convert_element_type3A_954 = arith.sitofp %broadcast_in_dim3A_953 : vector<1x5776xi32> to vector<1x5776xf32>
    %slice3A_955 = vector.extract_strided_slice %transpose3A_925 {offsets = [0, 0], sizes = [1, 5776], strides = [1, 1]} : vector<255x5776xf32> to vector<1x5776xf32>
    %logistic3A_956 = arith.negf %slice3A_955 : vector<1x5776xf32>
    %logistic3A_957 = math.exp %logistic3A_956 : vector<1x5776xf32>
    %logistic3A_958 = arith.constant 1.000000e+00 : f32
    %logistic3A_959 = vector.broadcast %logistic3A_958 : f32 to vector<1x5776xf32>
    %logistic3A_960 = arith.addf %logistic3A_959, %logistic3A_957 : vector<1x5776xf32>
    %logistic3A_961 = arith.divf %logistic3A_959, %logistic3A_960 : vector<1x5776xf32>
    %slice3A_962 = vector.extract_strided_slice %transpose3A_925 {offsets = [1, 0], sizes = [1, 5776], strides = [1, 1]} : vector<255x5776xf32> to vector<1x5776xf32>
    %logistic3A_963 = arith.negf %slice3A_962 : vector<1x5776xf32>
    %logistic3A_964 = math.exp %logistic3A_963 : vector<1x5776xf32>
    %logistic3A_965 = arith.constant 1.000000e+00 : f32
    %logistic3A_966 = vector.broadcast %logistic3A_965 : f32 to vector<1x5776xf32>
    %logistic3A_967 = arith.addf %logistic3A_966, %logistic3A_964 : vector<1x5776xf32>
    %logistic3A_968 = arith.divf %logistic3A_966, %logistic3A_967 : vector<1x5776xf32>
    %slice3A_969 = vector.extract_strided_slice %transpose3A_925 {offsets = [2, 0], sizes = [1, 5776], strides = [1, 1]} : vector<255x5776xf32> to vector<1x5776xf32>
    %jit3A_970 = arith.constant -1.000000e+01 : f32
    %jit3A_971 = arith.constant 1.000000e+01 : f32
    %max3A_972 = vector.broadcast %jit3A_970 : f32 to vector<1x5776xf32>
    %max3A_973 = arith.maximumf %max3A_972, %slice3A_969 : vector<1x5776xf32>
    %min3A_974 = vector.broadcast %jit3A_971 : f32 to vector<1x5776xf32>
    %min3A_975 = arith.minimumf %min3A_974, %max3A_973 : vector<1x5776xf32>
    %exp3A_976 = math.exp %min3A_975 : vector<1x5776xf32>
    %mul3A_977 = arith.constant 1.000000e+01 : f32
    %mul3A_978 = vector.broadcast %mul3A_977 : f32 to vector<1x5776xf32>
    %mul3A_979 = arith.mulf %exp3A_976, %mul3A_978 : vector<1x5776xf32>
    %div3A_980 = arith.constant 6.080000e+02 : f32
    %div3A_981 = vector.broadcast %div3A_980 : f32 to vector<1x5776xf32>
    %div3A_982 = arith.divf %mul3A_979, %div3A_981 : vector<1x5776xf32>
    %slice3A_983 = vector.extract_strided_slice %transpose3A_925 {offsets = [3, 0], sizes = [1, 5776], strides = [1, 1]} : vector<255x5776xf32> to vector<1x5776xf32>
    %jit3A_984 = arith.constant -1.000000e+01 : f32
    %jit3A_985 = arith.constant 1.000000e+01 : f32
    %max3A_986 = vector.broadcast %jit3A_984 : f32 to vector<1x5776xf32>
    %max3A_987 = arith.maximumf %max3A_986, %slice3A_983 : vector<1x5776xf32>
    %min3A_988 = vector.broadcast %jit3A_985 : f32 to vector<1x5776xf32>
    %min3A_989 = arith.minimumf %min3A_988, %max3A_987 : vector<1x5776xf32>
    %exp3A_990 = math.exp %min3A_989 : vector<1x5776xf32>
    %mul3A_991 = arith.constant 1.300000e+01 : f32
    %mul3A_992 = vector.broadcast %mul3A_991 : f32 to vector<1x5776xf32>
    %mul3A_993 = arith.mulf %exp3A_990, %mul3A_992 : vector<1x5776xf32>
    %div3A_994 = arith.constant 6.080000e+02 : f32
    %div3A_995 = vector.broadcast %div3A_994 : f32 to vector<1x5776xf32>
    %div3A_996 = arith.divf %mul3A_993, %div3A_995 : vector<1x5776xf32>
    %get3A_997 = arith.constant 0 : index
    %get3A_998 = arith.constant 0 : index
    %get3A_999 = arith.constant 5760 : index
    %get3A_1000 = vector.load %arg1[%get3A_997, %get3A_998, %get3A_999] : memref<2x1x23424xf32, #tpu.memory_space<vmem>>, vector<1x1x5776xf32>
    %get3A_1001 = vector.shape_cast %get3A_1000 : vector<1x1x5776xf32> to vector<1x5776xf32>
    %get3A_1002 = arith.constant 1 : index
    %get3A_1003 = arith.constant 0 : index
    %get3A_1004 = arith.constant 5760 : index
    %get3A_1005 = vector.load %arg1[%get3A_1002, %get3A_1003, %get3A_1004] : memref<2x1x23424xf32, #tpu.memory_space<vmem>>, vector<1x1x5776xf32>
    %get3A_1006 = vector.shape_cast %get3A_1005 : vector<1x1x5776xf32> to vector<1x5776xf32>
    %add3A_1007 = arith.addf %logistic3A_961, %get3A_1001 : vector<1x5776xf32>
    %div3A_1008 = arith.constant 7.600000e+01 : f32
    %div3A_1009 = vector.broadcast %div3A_1008 : f32 to vector<1x5776xf32>
    %div3A_1010 = arith.divf %add3A_1007, %div3A_1009 : vector<1x5776xf32>
    %add3A_1011 = arith.addf %logistic3A_968, %get3A_1006 : vector<1x5776xf32>
    %div3A_1012 = arith.constant 7.600000e+01 : f32
    %div3A_1013 = vector.broadcast %div3A_1012 : f32 to vector<1x5776xf32>
    %div3A_1014 = arith.divf %add3A_1011, %div3A_1013 : vector<1x5776xf32>
    %iota3A_1015 = tpu.iota {dimensions = array<i32: 1>} : vector<1x5776xi32>
    %mul3A_1016 = arith.constant 3 : i32
    %mul3A_1017 = vector.broadcast %mul3A_1016 : i32 to vector<1x5776xi32>
    %mul3A_1018 = arith.muli %mul3A_1017, %iota3A_1015 : vector<1x5776xi32>
    %add3A_1019 = arith.constant 5415 : i32
    %add3A_1020 = vector.broadcast %add3A_1019 : i32 to vector<1x5776xi32>
    %add3A_1021 = arith.addi %add3A_1020, %mul3A_1018 : vector<1x5776xi32>
    %mul3A_1022 = arith.constant 5.000000e-01 : f32
    %mul3A_1023 = vector.broadcast %mul3A_1022 : f32 to vector<1x5776xf32>
    %mul3A_1024 = arith.mulf %div3A_982, %mul3A_1023 : vector<1x5776xf32>
    %sub3A_1025 = arith.subf %div3A_1010, %mul3A_1024 : vector<1x5776xf32>
    %swap3A_1026 = arith.constant 0 : index
    %swap3A_1027 = arith.constant 0 : index
    %swap3A_1028 = arith.constant 0 : index
    %swap3A_1029 = arith.constant 5760 : index
    %swap3A_1030 = vector.load %arg5[%swap3A_1026, %swap3A_1027, %swap3A_1028, %swap3A_1029] : memref<1x6x1x23424xf32, #tpu.memory_space<vmem>>, vector<1x1x1x5776xf32>
    %swap3A_1031 = vector.shape_cast %swap3A_1030 : vector<1x1x1x5776xf32> to vector<1x5776xf32>
    %swap3A_1032 = vector.shape_cast %sub3A_1025 : vector<1x5776xf32> to vector<1x1x1x5776xf32>
    tpu.vector_store %arg5[%swap3A_1026, %swap3A_1027, %swap3A_1028, %swap3A_1029], %swap3A_1032 {strides = array<i32>} : memref<1x6x1x23424xf32, #tpu.memory_space<vmem>>, vector<1x1x1x5776xf32>,
    %mul3A_1033 = arith.constant 5.000000e-01 : f32
    %mul3A_1034 = vector.broadcast %mul3A_1033 : f32 to vector<1x5776xf32>
    %mul3A_1035 = arith.mulf %div3A_996, %mul3A_1034 : vector<1x5776xf32>
    %sub3A_1036 = arith.subf %div3A_1014, %mul3A_1035 : vector<1x5776xf32>
    %swap3A_1037 = arith.constant 0 : index
    %swap3A_1038 = arith.constant 1 : index
    %swap3A_1039 = arith.constant 0 : index
    %swap3A_1040 = arith.constant 5760 : index
    %swap3A_1041 = vector.load %arg5[%swap3A_1037, %swap3A_1038, %swap3A_1039, %swap3A_1040] : memref<1x6x1x23424xf32, #tpu.memory_space<vmem>>, vector<1x1x1x5776xf32>
    %swap3A_1042 = vector.shape_cast %swap3A_1041 : vector<1x1x1x5776xf32> to vector<1x5776xf32>
    %swap3A_1043 = vector.shape_cast %sub3A_1036 : vector<1x5776xf32> to vector<1x1x1x5776xf32>
    tpu.vector_store %arg5[%swap3A_1037, %swap3A_1038, %swap3A_1039, %swap3A_1040], %swap3A_1043 {strides = array<i32>} : memref<1x6x1x23424xf32, #tpu.memory_space<vmem>>, vector<1x1x1x5776xf32>,
    %mul3A_1044 = arith.constant 5.000000e-01 : f32
    %mul3A_1045 = vector.broadcast %mul3A_1044 : f32 to vector<1x5776xf32>
    %mul3A_1046 = arith.mulf %div3A_982, %mul3A_1045 : vector<1x5776xf32>
    %add3A_1047 = arith.addf %div3A_1010, %mul3A_1046 : vector<1x5776xf32>
    %swap3A_1048 = arith.constant 0 : index
    %swap3A_1049 = arith.constant 2 : index
    %swap3A_1050 = arith.constant 0 : index
    %swap3A_1051 = arith.constant 5760 : index
    %swap3A_1052 = vector.load %arg5[%swap3A_1048, %swap3A_1049, %swap3A_1050, %swap3A_1051] : memref<1x6x1x23424xf32, #tpu.memory_space<vmem>>, vector<1x1x1x5776xf32>
    %swap3A_1053 = vector.shape_cast %swap3A_1052 : vector<1x1x1x5776xf32> to vector<1x5776xf32>
    %swap3A_1054 = vector.shape_cast %add3A_1047 : vector<1x5776xf32> to vector<1x1x1x5776xf32>
    tpu.vector_store %arg5[%swap3A_1048, %swap3A_1049, %swap3A_1050, %swap3A_1051], %swap3A_1054 {strides = array<i32>} : memref<1x6x1x23424xf32, #tpu.memory_space<vmem>>, vector<1x1x1x5776xf32>,
    %mul3A_1055 = arith.constant 5.000000e-01 : f32
    %mul3A_1056 = vector.broadcast %mul3A_1055 : f32 to vector<1x5776xf32>
    %mul3A_1057 = arith.mulf %div3A_996, %mul3A_1056 : vector<1x5776xf32>
    %add3A_1058 = arith.addf %div3A_1014, %mul3A_1057 : vector<1x5776xf32>
    %swap3A_1059 = arith.constant 0 : index
    %swap3A_1060 = arith.constant 3 : index
    %swap3A_1061 = arith.constant 0 : index
    %swap3A_1062 = arith.constant 5760 : index
    %swap3A_1063 = vector.load %arg5[%swap3A_1059, %swap3A_1060, %swap3A_1061, %swap3A_1062] : memref<1x6x1x23424xf32, #tpu.memory_space<vmem>>, vector<1x1x1x5776xf32>
    %swap3A_1064 = vector.shape_cast %swap3A_1063 : vector<1x1x1x5776xf32> to vector<1x5776xf32>
    %swap3A_1065 = vector.shape_cast %add3A_1058 : vector<1x5776xf32> to vector<1x1x1x5776xf32>
    tpu.vector_store %arg5[%swap3A_1059, %swap3A_1060, %swap3A_1061, %swap3A_1062], %swap3A_1065 {strides = array<i32>} : memref<1x6x1x23424xf32, #tpu.memory_space<vmem>>, vector<1x1x1x5776xf32>,
    %swap3A_1066 = arith.constant 0 : index
    %swap3A_1067 = arith.constant 4 : index
    %swap3A_1068 = arith.constant 0 : index
    %swap3A_1069 = arith.constant 5760 : index
    %swap3A_1070 = vector.load %arg5[%swap3A_1066, %swap3A_1067, %swap3A_1068, %swap3A_1069] : memref<1x6x1x23424xf32, #tpu.memory_space<vmem>>, vector<1x1x1x5776xf32>
    %swap3A_1071 = vector.shape_cast %swap3A_1070 : vector<1x1x1x5776xf32> to vector<1x5776xf32>
    %swap3A_1072 = vector.shape_cast %convert_element_type3A_954 : vector<1x5776xf32> to vector<1x1x1x5776xf32>
    tpu.vector_store %arg5[%swap3A_1066, %swap3A_1067, %swap3A_1068, %swap3A_1069], %swap3A_1072 {strides = array<i32>} : memref<1x6x1x23424xf32, #tpu.memory_space<vmem>>, vector<1x1x1x5776xf32>,
    %swap3A_1073 = arith.constant 0 : index
    %swap3A_1074 = arith.constant 5760 : index
    %swap3A_1075 = vector.load %arg7[%swap3A_1073, %swap3A_1074] : memref<1x23424xf32, #tpu.memory_space<vmem>>, vector<1x5776xf32>
    tpu.vector_store %arg7[%swap3A_1073, %swap3A_1074], %broadcast_in_dim3A_944 {strides = array<i32>} : memref<1x23424xf32, #tpu.memory_space<vmem>>, vector<1x5776xf32>,
    %swap3A_1076 = arith.constant 0 : index
    %swap3A_1077 = arith.constant 5760 : index
    %swap3A_1078 = vector.load %arg8[%swap3A_1076, %swap3A_1077] : memref<1x23424xi32, #tpu.memory_space<vmem>>, vector<1x5776xi32>
    tpu.vector_store %arg8[%swap3A_1076, %swap3A_1077], %add3A_1021 {strides = array<i32>} : memref<1x23424xi32, #tpu.memory_space<vmem>>, vector<1x5776xi32>,
    %slice3A_1079 = vector.extract_strided_slice %transpose3A_925 {offsets = [89, 0], sizes = [1, 5776], strides = [1, 1]} : vector<255x5776xf32> to vector<1x5776xf32>
    %logistic3A_1080 = arith.negf %slice3A_1079 : vector<1x5776xf32>
    %logistic3A_1081 = math.exp %logistic3A_1080 : vector<1x5776xf32>
    %logistic3A_1082 = arith.constant 1.000000e+00 : f32
    %logistic3A_1083 = vector.broadcast %logistic3A_1082 : f32 to vector<1x5776xf32>
    %logistic3A_1084 = arith.addf %logistic3A_1083, %logistic3A_1081 : vector<1x5776xf32>
    %logistic3A_1085 = arith.divf %logistic3A_1083, %logistic3A_1084 : vector<1x5776xf32>
    %slice3A_1086 = vector.extract_strided_slice %transpose3A_925 {offsets = [90, 0], sizes = [80, 5776], strides = [1, 1]} : vector<255x5776xf32> to vector<80x5776xf32>
    %logistic3A_1087 = arith.negf %slice3A_1086 : vector<80x5776xf32>
    %logistic3A_1088 = math.exp %logistic3A_1087 : vector<80x5776xf32>
    %logistic3A_1089 = arith.constant 1.000000e+00 : f32
    %logistic3A_1090 = vector.broadcast %logistic3A_1089 : f32 to vector<80x5776xf32>
    %logistic3A_1091 = arith.addf %logistic3A_1090, %logistic3A_1088 : vector<80x5776xf32>
    %logistic3A_1092 = arith.divf %logistic3A_1090, %logistic3A_1091 : vector<80x5776xf32>
    %mul3A_1093 = vector.broadcast %logistic3A_1085 : vector<1x5776xf32> to vector<80x5776xf32>
    %mul3A_1094 = arith.mulf %logistic3A_1092, %mul3A_1093 : vector<80x5776xf32>
    %reduce_max3A_1095 = arith.constant dense<0xFF800000> : vector<5776xf32>
    %reduce_max3A_1096 = vector.multi_reduction <maximumf>, %mul3A_1094, %reduce_max3A_1095 [0] : vector<80x5776xf32> to vector<5776xf32>
    %broadcast_in_dim3A_1097 = vector.shape_cast %reduce_max3A_1096 : vector<5776xf32> to vector<1x5776xf32>
    %iota3A_1098 = tpu.iota {dimensions = array<i32: 0>} : vector<80x5776xi32>
    %eq3A_1099 = vector.broadcast %broadcast_in_dim3A_1097 : vector<1x5776xf32> to vector<80x5776xf32>
    %eq3A_1100 = arith.cmpf oeq, %mul3A_1094, %eq3A_1099 : vector<80x5776xf32>
    %jit3A_1101 = arith.constant 1000 : i32
    %broadcast_in_dim3A_1102 = vector.broadcast %jit3A_1101 : i32 to vector<80x5776xi32>
    %select_n3A_1103 = arith.select %eq3A_1100, %iota3A_1098, %broadcast_in_dim3A_1102 : vector<80x5776xi1>, vector<80x5776xi32>
    %reduce_min3A_1104 = arith.constant dense<2147483647> : vector<5776xi32>
    %reduce_min3A_1105 = vector.multi_reduction <minsi>, %select_n3A_1103, %reduce_min3A_1104 [0] : vector<80x5776xi32> to vector<5776xi32>
    %broadcast_in_dim3A_1106 = vector.shape_cast %reduce_min3A_1105 : vector<5776xi32> to vector<1x5776xi32>
    %convert_element_type3A_1107 = arith.sitofp %broadcast_in_dim3A_1106 : vector<1x5776xi32> to vector<1x5776xf32>
    %slice3A_1108 = vector.extract_strided_slice %transpose3A_925 {offsets = [85, 0], sizes = [1, 5776], strides = [1, 1]} : vector<255x5776xf32> to vector<1x5776xf32>
    %logistic3A_1109 = arith.negf %slice3A_1108 : vector<1x5776xf32>
    %logistic3A_1110 = math.exp %logistic3A_1109 : vector<1x5776xf32>
    %logistic3A_1111 = arith.constant 1.000000e+00 : f32
    %logistic3A_1112 = vector.broadcast %logistic3A_1111 : f32 to vector<1x5776xf32>
    %logistic3A_1113 = arith.addf %logistic3A_1112, %logistic3A_1110 : vector<1x5776xf32>
    %logistic3A_1114 = arith.divf %logistic3A_1112, %logistic3A_1113 : vector<1x5776xf32>
    %slice3A_1115 = vector.extract_strided_slice %transpose3A_925 {offsets = [86, 0], sizes = [1, 5776], strides = [1, 1]} : vector<255x5776xf32> to vector<1x5776xf32>
    %logistic3A_1116 = arith.negf %slice3A_1115 : vector<1x5776xf32>
    %logistic3A_1117 = math.exp %logistic3A_1116 : vector<1x5776xf32>
    %logistic3A_1118 = arith.constant 1.000000e+00 : f32
    %logistic3A_1119 = vector.broadcast %logistic3A_1118 : f32 to vector<1x5776xf32>
    %logistic3A_1120 = arith.addf %logistic3A_1119, %logistic3A_1117 : vector<1x5776xf32>
    %logistic3A_1121 = arith.divf %logistic3A_1119, %logistic3A_1120 : vector<1x5776xf32>
    %slice3A_1122 = vector.extract_strided_slice %transpose3A_925 {offsets = [87, 0], sizes = [1, 5776], strides = [1, 1]} : vector<255x5776xf32> to vector<1x5776xf32>
    %jit3A_1123 = arith.constant -1.000000e+01 : f32
    %jit3A_1124 = arith.constant 1.000000e+01 : f32
    %max3A_1125 = vector.broadcast %jit3A_1123 : f32 to vector<1x5776xf32>
    %max3A_1126 = arith.maximumf %max3A_1125, %slice3A_1122 : vector<1x5776xf32>
    %min3A_1127 = vector.broadcast %jit3A_1124 : f32 to vector<1x5776xf32>
    %min3A_1128 = arith.minimumf %min3A_1127, %max3A_1126 : vector<1x5776xf32>
    %exp3A_1129 = math.exp %min3A_1128 : vector<1x5776xf32>
    %mul3A_1130 = arith.constant 1.600000e+01 : f32
    %mul3A_1131 = vector.broadcast %mul3A_1130 : f32 to vector<1x5776xf32>
    %mul3A_1132 = arith.mulf %exp3A_1129, %mul3A_1131 : vector<1x5776xf32>
    %div3A_1133 = arith.constant 6.080000e+02 : f32
    %div3A_1134 = vector.broadcast %div3A_1133 : f32 to vector<1x5776xf32>
    %div3A_1135 = arith.divf %mul3A_1132, %div3A_1134 : vector<1x5776xf32>
    %slice3A_1136 = vector.extract_strided_slice %transpose3A_925 {offsets = [88, 0], sizes = [1, 5776], strides = [1, 1]} : vector<255x5776xf32> to vector<1x5776xf32>
    %jit3A_1137 = arith.constant -1.000000e+01 : f32
    %jit3A_1138 = arith.constant 1.000000e+01 : f32
    %max3A_1139 = vector.broadcast %jit3A_1137 : f32 to vector<1x5776xf32>
    %max3A_1140 = arith.maximumf %max3A_1139, %slice3A_1136 : vector<1x5776xf32>
    %min3A_1141 = vector.broadcast %jit3A_1138 : f32 to vector<1x5776xf32>
    %min3A_1142 = arith.minimumf %min3A_1141, %max3A_1140 : vector<1x5776xf32>
    %exp3A_1143 = math.exp %min3A_1142 : vector<1x5776xf32>
    %mul3A_1144 = arith.constant 3.000000e+01 : f32
    %mul3A_1145 = vector.broadcast %mul3A_1144 : f32 to vector<1x5776xf32>
    %mul3A_1146 = arith.mulf %exp3A_1143, %mul3A_1145 : vector<1x5776xf32>
    %div3A_1147 = arith.constant 6.080000e+02 : f32
    %div3A_1148 = vector.broadcast %div3A_1147 : f32 to vector<1x5776xf32>
    %div3A_1149 = arith.divf %mul3A_1146, %div3A_1148 : vector<1x5776xf32>
    %get3A_1150 = arith.constant 0 : index
    %get3A_1151 = arith.constant 0 : index
    %get3A_1152 = arith.constant 11648 : index
    %get3A_1153 = vector.load %arg1[%get3A_1150, %get3A_1151, %get3A_1152] : memref<2x1x23424xf32, #tpu.memory_space<vmem>>, vector<1x1x5776xf32>
    %get3A_1154 = vector.shape_cast %get3A_1153 : vector<1x1x5776xf32> to vector<1x5776xf32>
    %get3A_1155 = arith.constant 1 : index
    %get3A_1156 = arith.constant 0 : index
    %get3A_1157 = arith.constant 11648 : index
    %get3A_1158 = vector.load %arg1[%get3A_1155, %get3A_1156, %get3A_1157] : memref<2x1x23424xf32, #tpu.memory_space<vmem>>, vector<1x1x5776xf32>
    %get3A_1159 = vector.shape_cast %get3A_1158 : vector<1x1x5776xf32> to vector<1x5776xf32>
    %add3A_1160 = arith.addf %logistic3A_1114, %get3A_1154 : vector<1x5776xf32>
    %div3A_1161 = arith.constant 7.600000e+01 : f32
    %div3A_1162 = vector.broadcast %div3A_1161 : f32 to vector<1x5776xf32>
    %div3A_1163 = arith.divf %add3A_1160, %div3A_1162 : vector<1x5776xf32>
    %add3A_1164 = arith.addf %logistic3A_1121, %get3A_1159 : vector<1x5776xf32>
    %div3A_1165 = arith.constant 7.600000e+01 : f32
    %div3A_1166 = vector.broadcast %div3A_1165 : f32 to vector<1x5776xf32>
    %div3A_1167 = arith.divf %add3A_1164, %div3A_1166 : vector<1x5776xf32>
    %iota3A_1168 = tpu.iota {dimensions = array<i32: 1>} : vector<1x5776xi32>
    %mul3A_1169 = arith.constant 3 : i32
    %mul3A_1170 = vector.broadcast %mul3A_1169 : i32 to vector<1x5776xi32>
    %mul3A_1171 = arith.muli %mul3A_1170, %iota3A_1168 : vector<1x5776xi32>
    %add3A_1172 = arith.constant 5416 : i32
    %add3A_1173 = vector.broadcast %add3A_1172 : i32 to vector<1x5776xi32>
    %add3A_1174 = arith.addi %add3A_1173, %mul3A_1171 : vector<1x5776xi32>
    %mul3A_1175 = arith.constant 5.000000e-01 : f32
    %mul3A_1176 = vector.broadcast %mul3A_1175 : f32 to vector<1x5776xf32>
    %mul3A_1177 = arith.mulf %div3A_1135, %mul3A_1176 : vector<1x5776xf32>
    %sub3A_1178 = arith.subf %div3A_1163, %mul3A_1177 : vector<1x5776xf32>
    %swap3A_1179 = arith.constant 0 : index
    %swap3A_1180 = arith.constant 0 : index
    %swap3A_1181 = arith.constant 0 : index
    %swap3A_1182 = arith.constant 11648 : index
    %swap3A_1183 = vector.load %arg5[%swap3A_1179, %swap3A_1180, %swap3A_1181, %swap3A_1182] : memref<1x6x1x23424xf32, #tpu.memory_space<vmem>>, vector<1x1x1x5776xf32>
    %swap3A_1184 = vector.shape_cast %swap3A_1183 : vector<1x1x1x5776xf32> to vector<1x5776xf32>
    %swap3A_1185 = vector.shape_cast %sub3A_1178 : vector<1x5776xf32> to vector<1x1x1x5776xf32>
    tpu.vector_store %arg5[%swap3A_1179, %swap3A_1180, %swap3A_1181, %swap3A_1182], %swap3A_1185 {strides = array<i32>} : memref<1x6x1x23424xf32, #tpu.memory_space<vmem>>, vector<1x1x1x5776xf32>,
    %mul3A_1186 = arith.constant 5.000000e-01 : f32
    %mul3A_1187 = vector.broadcast %mul3A_1186 : f32 to vector<1x5776xf32>
    %mul3A_1188 = arith.mulf %div3A_1149, %mul3A_1187 : vector<1x5776xf32>
    %sub3A_1189 = arith.subf %div3A_1167, %mul3A_1188 : vector<1x5776xf32>
    %swap3A_1190 = arith.constant 0 : index
    %swap3A_1191 = arith.constant 1 : index
    %swap3A_1192 = arith.constant 0 : index
    %swap3A_1193 = arith.constant 11648 : index
    %swap3A_1194 = vector.load %arg5[%swap3A_1190, %swap3A_1191, %swap3A_1192, %swap3A_1193] : memref<1x6x1x23424xf32, #tpu.memory_space<vmem>>, vector<1x1x1x5776xf32>
    %swap3A_1195 = vector.shape_cast %swap3A_1194 : vector<1x1x1x5776xf32> to vector<1x5776xf32>
    %swap3A_1196 = vector.shape_cast %sub3A_1189 : vector<1x5776xf32> to vector<1x1x1x5776xf32>
    tpu.vector_store %arg5[%swap3A_1190, %swap3A_1191, %swap3A_1192, %swap3A_1193], %swap3A_1196 {strides = array<i32>} : memref<1x6x1x23424xf32, #tpu.memory_space<vmem>>, vector<1x1x1x5776xf32>,
    %mul3A_1197 = arith.constant 5.000000e-01 : f32
    %mul3A_1198 = vector.broadcast %mul3A_1197 : f32 to vector<1x5776xf32>
    %mul3A_1199 = arith.mulf %div3A_1135, %mul3A_1198 : vector<1x5776xf32>
    %add3A_1200 = arith.addf %div3A_1163, %mul3A_1199 : vector<1x5776xf32>
    %swap3A_1201 = arith.constant 0 : index
    %swap3A_1202 = arith.constant 2 : index
    %swap3A_1203 = arith.constant 0 : index
    %swap3A_1204 = arith.constant 11648 : index
    %swap3A_1205 = vector.load %arg5[%swap3A_1201, %swap3A_1202, %swap3A_1203, %swap3A_1204] : memref<1x6x1x23424xf32, #tpu.memory_space<vmem>>, vector<1x1x1x5776xf32>
    %swap3A_1206 = vector.shape_cast %swap3A_1205 : vector<1x1x1x5776xf32> to vector<1x5776xf32>
    %swap3A_1207 = vector.shape_cast %add3A_1200 : vector<1x5776xf32> to vector<1x1x1x5776xf32>
    tpu.vector_store %arg5[%swap3A_1201, %swap3A_1202, %swap3A_1203, %swap3A_1204], %swap3A_1207 {strides = array<i32>} : memref<1x6x1x23424xf32, #tpu.memory_space<vmem>>, vector<1x1x1x5776xf32>,
    %mul3A_1208 = arith.constant 5.000000e-01 : f32
    %mul3A_1209 = vector.broadcast %mul3A_1208 : f32 to vector<1x5776xf32>
    %mul3A_1210 = arith.mulf %div3A_1149, %mul3A_1209 : vector<1x5776xf32>
    %add3A_1211 = arith.addf %div3A_1167, %mul3A_1210 : vector<1x5776xf32>
    %swap3A_1212 = arith.constant 0 : index
    %swap3A_1213 = arith.constant 3 : index
    %swap3A_1214 = arith.constant 0 : index
    %swap3A_1215 = arith.constant 11648 : index
    %swap3A_1216 = vector.load %arg5[%swap3A_1212, %swap3A_1213, %swap3A_1214, %swap3A_1215] : memref<1x6x1x23424xf32, #tpu.memory_space<vmem>>, vector<1x1x1x5776xf32>
    %swap3A_1217 = vector.shape_cast %swap3A_1216 : vector<1x1x1x5776xf32> to vector<1x5776xf32>
    %swap3A_1218 = vector.shape_cast %add3A_1211 : vector<1x5776xf32> to vector<1x1x1x5776xf32>
    tpu.vector_store %arg5[%swap3A_1212, %swap3A_1213, %swap3A_1214, %swap3A_1215], %swap3A_1218 {strides = array<i32>} : memref<1x6x1x23424xf32, #tpu.memory_space<vmem>>, vector<1x1x1x5776xf32>,
    %swap3A_1219 = arith.constant 0 : index
    %swap3A_1220 = arith.constant 4 : index
    %swap3A_1221 = arith.constant 0 : index
    %swap3A_1222 = arith.constant 11648 : index
    %swap3A_1223 = vector.load %arg5[%swap3A_1219, %swap3A_1220, %swap3A_1221, %swap3A_1222] : memref<1x6x1x23424xf32, #tpu.memory_space<vmem>>, vector<1x1x1x5776xf32>
    %swap3A_1224 = vector.shape_cast %swap3A_1223 : vector<1x1x1x5776xf32> to vector<1x5776xf32>
    %swap3A_1225 = vector.shape_cast %convert_element_type3A_1107 : vector<1x5776xf32> to vector<1x1x1x5776xf32>
    tpu.vector_store %arg5[%swap3A_1219, %swap3A_1220, %swap3A_1221, %swap3A_1222], %swap3A_1225 {strides = array<i32>} : memref<1x6x1x23424xf32, #tpu.memory_space<vmem>>, vector<1x1x1x5776xf32>,
    %swap3A_1226 = arith.constant 0 : index
    %swap3A_1227 = arith.constant 11648 : index
    %swap3A_1228 = vector.load %arg7[%swap3A_1226, %swap3A_1227] : memref<1x23424xf32, #tpu.memory_space<vmem>>, vector<1x5776xf32>
    tpu.vector_store %arg7[%swap3A_1226, %swap3A_1227], %broadcast_in_dim3A_1097 {strides = array<i32>} : memref<1x23424xf32, #tpu.memory_space<vmem>>, vector<1x5776xf32>,
    %swap3A_1229 = arith.constant 0 : index
    %swap3A_1230 = arith.constant 11648 : index
    %swap3A_1231 = vector.load %arg8[%swap3A_1229, %swap3A_1230] : memref<1x23424xi32, #tpu.memory_space<vmem>>, vector<1x5776xi32>
    tpu.vector_store %arg8[%swap3A_1229, %swap3A_1230], %add3A_1174 {strides = array<i32>} : memref<1x23424xi32, #tpu.memory_space<vmem>>, vector<1x5776xi32>,
    %slice3A_1232 = vector.extract_strided_slice %transpose3A_925 {offsets = [174, 0], sizes = [1, 5776], strides = [1, 1]} : vector<255x5776xf32> to vector<1x5776xf32>
    %logistic3A_1233 = arith.negf %slice3A_1232 : vector<1x5776xf32>
    %logistic3A_1234 = math.exp %logistic3A_1233 : vector<1x5776xf32>
    %logistic3A_1235 = arith.constant 1.000000e+00 : f32
    %logistic3A_1236 = vector.broadcast %logistic3A_1235 : f32 to vector<1x5776xf32>
    %logistic3A_1237 = arith.addf %logistic3A_1236, %logistic3A_1234 : vector<1x5776xf32>
    %logistic3A_1238 = arith.divf %logistic3A_1236, %logistic3A_1237 : vector<1x5776xf32>
    %slice3A_1239 = vector.extract_strided_slice %transpose3A_925 {offsets = [175, 0], sizes = [80, 5776], strides = [1, 1]} : vector<255x5776xf32> to vector<80x5776xf32>
    %logistic3A_1240 = arith.negf %slice3A_1239 : vector<80x5776xf32>
    %logistic3A_1241 = math.exp %logistic3A_1240 : vector<80x5776xf32>
    %logistic3A_1242 = arith.constant 1.000000e+00 : f32
    %logistic3A_1243 = vector.broadcast %logistic3A_1242 : f32 to vector<80x5776xf32>
    %logistic3A_1244 = arith.addf %logistic3A_1243, %logistic3A_1241 : vector<80x5776xf32>
    %logistic3A_1245 = arith.divf %logistic3A_1243, %logistic3A_1244 : vector<80x5776xf32>
    %mul3A_1246 = vector.broadcast %logistic3A_1238 : vector<1x5776xf32> to vector<80x5776xf32>
    %mul3A_1247 = arith.mulf %logistic3A_1245, %mul3A_1246 : vector<80x5776xf32>
    %reduce_max3A_1248 = arith.constant dense<0xFF800000> : vector<5776xf32>
    %reduce_max3A_1249 = vector.multi_reduction <maximumf>, %mul3A_1247, %reduce_max3A_1248 [0] : vector<80x5776xf32> to vector<5776xf32>
    %broadcast_in_dim3A_1250 = vector.shape_cast %reduce_max3A_1249 : vector<5776xf32> to vector<1x5776xf32>
    %iota3A_1251 = tpu.iota {dimensions = array<i32: 0>} : vector<80x5776xi32>
    %eq3A_1252 = vector.broadcast %broadcast_in_dim3A_1250 : vector<1x5776xf32> to vector<80x5776xf32>
    %eq3A_1253 = arith.cmpf oeq, %mul3A_1247, %eq3A_1252 : vector<80x5776xf32>
    %jit3A_1254 = arith.constant 1000 : i32
    %broadcast_in_dim3A_1255 = vector.broadcast %jit3A_1254 : i32 to vector<80x5776xi32>
    %select_n3A_1256 = arith.select %eq3A_1253, %iota3A_1251, %broadcast_in_dim3A_1255 : vector<80x5776xi1>, vector<80x5776xi32>
    %reduce_min3A_1257 = arith.constant dense<2147483647> : vector<5776xi32>
    %reduce_min3A_1258 = vector.multi_reduction <minsi>, %select_n3A_1256, %reduce_min3A_1257 [0] : vector<80x5776xi32> to vector<5776xi32>
    %broadcast_in_dim3A_1259 = vector.shape_cast %reduce_min3A_1258 : vector<5776xi32> to vector<1x5776xi32>
    %convert_element_type3A_1260 = arith.sitofp %broadcast_in_dim3A_1259 : vector<1x5776xi32> to vector<1x5776xf32>
    %slice3A_1261 = vector.extract_strided_slice %transpose3A_925 {offsets = [170, 0], sizes = [1, 5776], strides = [1, 1]} : vector<255x5776xf32> to vector<1x5776xf32>
    %logistic3A_1262 = arith.negf %slice3A_1261 : vector<1x5776xf32>
    %logistic3A_1263 = math.exp %logistic3A_1262 : vector<1x5776xf32>
    %logistic3A_1264 = arith.constant 1.000000e+00 : f32
    %logistic3A_1265 = vector.broadcast %logistic3A_1264 : f32 to vector<1x5776xf32>
    %logistic3A_1266 = arith.addf %logistic3A_1265, %logistic3A_1263 : vector<1x5776xf32>
    %logistic3A_1267 = arith.divf %logistic3A_1265, %logistic3A_1266 : vector<1x5776xf32>
    %slice3A_1268 = vector.extract_strided_slice %transpose3A_925 {offsets = [171, 0], sizes = [1, 5776], strides = [1, 1]} : vector<255x5776xf32> to vector<1x5776xf32>
    %logistic3A_1269 = arith.negf %slice3A_1268 : vector<1x5776xf32>
    %logistic3A_1270 = math.exp %logistic3A_1269 : vector<1x5776xf32>
    %logistic3A_1271 = arith.constant 1.000000e+00 : f32
    %logistic3A_1272 = vector.broadcast %logistic3A_1271 : f32 to vector<1x5776xf32>
    %logistic3A_1273 = arith.addf %logistic3A_1272, %logistic3A_1270 : vector<1x5776xf32>
    %logistic3A_1274 = arith.divf %logistic3A_1272, %logistic3A_1273 : vector<1x5776xf32>
    %slice3A_1275 = vector.extract_strided_slice %transpose3A_925 {offsets = [172, 0], sizes = [1, 5776], strides = [1, 1]} : vector<255x5776xf32> to vector<1x5776xf32>
    %jit3A_1276 = arith.constant -1.000000e+01 : f32
    %jit3A_1277 = arith.constant 1.000000e+01 : f32
    %max3A_1278 = vector.broadcast %jit3A_1276 : f32 to vector<1x5776xf32>
    %max3A_1279 = arith.maximumf %max3A_1278, %slice3A_1275 : vector<1x5776xf32>
    %min3A_1280 = vector.broadcast %jit3A_1277 : f32 to vector<1x5776xf32>
    %min3A_1281 = arith.minimumf %min3A_1280, %max3A_1279 : vector<1x5776xf32>
    %exp3A_1282 = math.exp %min3A_1281 : vector<1x5776xf32>
    %mul3A_1283 = arith.constant 3.300000e+01 : f32
    %mul3A_1284 = vector.broadcast %mul3A_1283 : f32 to vector<1x5776xf32>
    %mul3A_1285 = arith.mulf %exp3A_1282, %mul3A_1284 : vector<1x5776xf32>
    %div3A_1286 = arith.constant 6.080000e+02 : f32
    %div3A_1287 = vector.broadcast %div3A_1286 : f32 to vector<1x5776xf32>
    %div3A_1288 = arith.divf %mul3A_1285, %div3A_1287 : vector<1x5776xf32>
    %slice3A_1289 = vector.extract_strided_slice %transpose3A_925 {offsets = [173, 0], sizes = [1, 5776], strides = [1, 1]} : vector<255x5776xf32> to vector<1x5776xf32>
    %jit3A_1290 = arith.constant -1.000000e+01 : f32
    %jit3A_1291 = arith.constant 1.000000e+01 : f32
    %max3A_1292 = vector.broadcast %jit3A_1290 : f32 to vector<1x5776xf32>
    %max3A_1293 = arith.maximumf %max3A_1292, %slice3A_1289 : vector<1x5776xf32>
    %min3A_1294 = vector.broadcast %jit3A_1291 : f32 to vector<1x5776xf32>
    %min3A_1295 = arith.minimumf %min3A_1294, %max3A_1293 : vector<1x5776xf32>
    %exp3A_1296 = math.exp %min3A_1295 : vector<1x5776xf32>
    %mul3A_1297 = arith.constant 2.300000e+01 : f32
    %mul3A_1298 = vector.broadcast %mul3A_1297 : f32 to vector<1x5776xf32>
    %mul3A_1299 = arith.mulf %exp3A_1296, %mul3A_1298 : vector<1x5776xf32>
    %div3A_1300 = arith.constant 6.080000e+02 : f32
    %div3A_1301 = vector.broadcast %div3A_1300 : f32 to vector<1x5776xf32>
    %div3A_1302 = arith.divf %mul3A_1299, %div3A_1301 : vector<1x5776xf32>
    %get3A_1303 = arith.constant 0 : index
    %get3A_1304 = arith.constant 0 : index
    %get3A_1305 = arith.constant 17536 : index
    %get3A_1306 = vector.load %arg1[%get3A_1303, %get3A_1304, %get3A_1305] : memref<2x1x23424xf32, #tpu.memory_space<vmem>>, vector<1x1x5776xf32>
    %get3A_1307 = vector.shape_cast %get3A_1306 : vector<1x1x5776xf32> to vector<1x5776xf32>
    %get3A_1308 = arith.constant 1 : index
    %get3A_1309 = arith.constant 0 : index
    %get3A_1310 = arith.constant 17536 : index
    %get3A_1311 = vector.load %arg1[%get3A_1308, %get3A_1309, %get3A_1310] : memref<2x1x23424xf32, #tpu.memory_space<vmem>>, vector<1x1x5776xf32>
    %get3A_1312 = vector.shape_cast %get3A_1311 : vector<1x1x5776xf32> to vector<1x5776xf32>
    %add3A_1313 = arith.addf %logistic3A_1267, %get3A_1307 : vector<1x5776xf32>
    %div3A_1314 = arith.constant 7.600000e+01 : f32
    %div3A_1315 = vector.broadcast %div3A_1314 : f32 to vector<1x5776xf32>
    %div3A_1316 = arith.divf %add3A_1313, %div3A_1315 : vector<1x5776xf32>
    %add3A_1317 = arith.addf %logistic3A_1274, %get3A_1312 : vector<1x5776xf32>
    %div3A_1318 = arith.constant 7.600000e+01 : f32
    %div3A_1319 = vector.broadcast %div3A_1318 : f32 to vector<1x5776xf32>
    %div3A_1320 = arith.divf %add3A_1317, %div3A_1319 : vector<1x5776xf32>
    %iota3A_1321 = tpu.iota {dimensions = array<i32: 1>} : vector<1x5776xi32>
    %mul3A_1322 = arith.constant 3 : i32
    %mul3A_1323 = vector.broadcast %mul3A_1322 : i32 to vector<1x5776xi32>
    %mul3A_1324 = arith.muli %mul3A_1323, %iota3A_1321 : vector<1x5776xi32>
    %add3A_1325 = arith.constant 5417 : i32
    %add3A_1326 = vector.broadcast %add3A_1325 : i32 to vector<1x5776xi32>
    %add3A_1327 = arith.addi %add3A_1326, %mul3A_1324 : vector<1x5776xi32>
    %mul3A_1328 = arith.constant 5.000000e-01 : f32
    %mul3A_1329 = vector.broadcast %mul3A_1328 : f32 to vector<1x5776xf32>
    %mul3A_1330 = arith.mulf %div3A_1288, %mul3A_1329 : vector<1x5776xf32>
    %sub3A_1331 = arith.subf %div3A_1316, %mul3A_1330 : vector<1x5776xf32>
    %swap3A_1332 = arith.constant 0 : index
    %swap3A_1333 = arith.constant 0 : index
    %swap3A_1334 = arith.constant 0 : index
    %swap3A_1335 = arith.constant 17536 : index
    %swap3A_1336 = vector.load %arg5[%swap3A_1332, %swap3A_1333, %swap3A_1334, %swap3A_1335] : memref<1x6x1x23424xf32, #tpu.memory_space<vmem>>, vector<1x1x1x5776xf32>
    %swap3A_1337 = vector.shape_cast %swap3A_1336 : vector<1x1x1x5776xf32> to vector<1x5776xf32>
    %swap3A_1338 = vector.shape_cast %sub3A_1331 : vector<1x5776xf32> to vector<1x1x1x5776xf32>
    tpu.vector_store %arg5[%swap3A_1332, %swap3A_1333, %swap3A_1334, %swap3A_1335], %swap3A_1338 {strides = array<i32>} : memref<1x6x1x23424xf32, #tpu.memory_space<vmem>>, vector<1x1x1x5776xf32>,
    %mul3A_1339 = arith.constant 5.000000e-01 : f32
    %mul3A_1340 = vector.broadcast %mul3A_1339 : f32 to vector<1x5776xf32>
    %mul3A_1341 = arith.mulf %div3A_1302, %mul3A_1340 : vector<1x5776xf32>
    %sub3A_1342 = arith.subf %div3A_1320, %mul3A_1341 : vector<1x5776xf32>
    %swap3A_1343 = arith.constant 0 : index
    %swap3A_1344 = arith.constant 1 : index
    %swap3A_1345 = arith.constant 0 : index
    %swap3A_1346 = arith.constant 17536 : index
    %swap3A_1347 = vector.load %arg5[%swap3A_1343, %swap3A_1344, %swap3A_1345, %swap3A_1346] : memref<1x6x1x23424xf32, #tpu.memory_space<vmem>>, vector<1x1x1x5776xf32>
    %swap3A_1348 = vector.shape_cast %swap3A_1347 : vector<1x1x1x5776xf32> to vector<1x5776xf32>
    %swap3A_1349 = vector.shape_cast %sub3A_1342 : vector<1x5776xf32> to vector<1x1x1x5776xf32>
    tpu.vector_store %arg5[%swap3A_1343, %swap3A_1344, %swap3A_1345, %swap3A_1346], %swap3A_1349 {strides = array<i32>} : memref<1x6x1x23424xf32, #tpu.memory_space<vmem>>, vector<1x1x1x5776xf32>,
    %mul3A_1350 = arith.constant 5.000000e-01 : f32
    %mul3A_1351 = vector.broadcast %mul3A_1350 : f32 to vector<1x5776xf32>
    %mul3A_1352 = arith.mulf %div3A_1288, %mul3A_1351 : vector<1x5776xf32>
    %add3A_1353 = arith.addf %div3A_1316, %mul3A_1352 : vector<1x5776xf32>
    %swap3A_1354 = arith.constant 0 : index
    %swap3A_1355 = arith.constant 2 : index
    %swap3A_1356 = arith.constant 0 : index
    %swap3A_1357 = arith.constant 17536 : index
    %swap3A_1358 = vector.load %arg5[%swap3A_1354, %swap3A_1355, %swap3A_1356, %swap3A_1357] : memref<1x6x1x23424xf32, #tpu.memory_space<vmem>>, vector<1x1x1x5776xf32>
    %swap3A_1359 = vector.shape_cast %swap3A_1358 : vector<1x1x1x5776xf32> to vector<1x5776xf32>
    %swap3A_1360 = vector.shape_cast %add3A_1353 : vector<1x5776xf32> to vector<1x1x1x5776xf32>
    tpu.vector_store %arg5[%swap3A_1354, %swap3A_1355, %swap3A_1356, %swap3A_1357], %swap3A_1360 {strides = array<i32>} : memref<1x6x1x23424xf32, #tpu.memory_space<vmem>>, vector<1x1x1x5776xf32>,
    %mul3A_1361 = arith.constant 5.000000e-01 : f32
    %mul3A_1362 = vector.broadcast %mul3A_1361 : f32 to vector<1x5776xf32>
    %mul3A_1363 = arith.mulf %div3A_1302, %mul3A_1362 : vector<1x5776xf32>
    %add3A_1364 = arith.addf %div3A_1320, %mul3A_1363 : vector<1x5776xf32>
    %swap3A_1365 = arith.constant 0 : index
    %swap3A_1366 = arith.constant 3 : index
    %swap3A_1367 = arith.constant 0 : index
    %swap3A_1368 = arith.constant 17536 : index
    %swap3A_1369 = vector.load %arg5[%swap3A_1365, %swap3A_1366, %swap3A_1367, %swap3A_1368] : memref<1x6x1x23424xf32, #tpu.memory_space<vmem>>, vector<1x1x1x5776xf32>
    %swap3A_1370 = vector.shape_cast %swap3A_1369 : vector<1x1x1x5776xf32> to vector<1x5776xf32>
    %swap3A_1371 = vector.shape_cast %add3A_1364 : vector<1x5776xf32> to vector<1x1x1x5776xf32>
    tpu.vector_store %arg5[%swap3A_1365, %swap3A_1366, %swap3A_1367, %swap3A_1368], %swap3A_1371 {strides = array<i32>} : memref<1x6x1x23424xf32, #tpu.memory_space<vmem>>, vector<1x1x1x5776xf32>,
    %swap3A_1372 = arith.constant 0 : index
    %swap3A_1373 = arith.constant 4 : index
    %swap3A_1374 = arith.constant 0 : index
    %swap3A_1375 = arith.constant 17536 : index
    %swap3A_1376 = vector.load %arg5[%swap3A_1372, %swap3A_1373, %swap3A_1374, %swap3A_1375] : memref<1x6x1x23424xf32, #tpu.memory_space<vmem>>, vector<1x1x1x5776xf32>
    %swap3A_1377 = vector.shape_cast %swap3A_1376 : vector<1x1x1x5776xf32> to vector<1x5776xf32>
    %swap3A_1378 = vector.shape_cast %convert_element_type3A_1260 : vector<1x5776xf32> to vector<1x1x1x5776xf32>
    tpu.vector_store %arg5[%swap3A_1372, %swap3A_1373, %swap3A_1374, %swap3A_1375], %swap3A_1378 {strides = array<i32>} : memref<1x6x1x23424xf32, #tpu.memory_space<vmem>>, vector<1x1x1x5776xf32>,
    %swap3A_1379 = arith.constant 0 : index
    %swap3A_1380 = arith.constant 17536 : index
    %swap3A_1381 = vector.load %arg7[%swap3A_1379, %swap3A_1380] : memref<1x23424xf32, #tpu.memory_space<vmem>>, vector<1x5776xf32>
    tpu.vector_store %arg7[%swap3A_1379, %swap3A_1380], %broadcast_in_dim3A_1250 {strides = array<i32>} : memref<1x23424xf32, #tpu.memory_space<vmem>>, vector<1x5776xf32>,
    %swap3A_1382 = arith.constant 0 : index
    %swap3A_1383 = arith.constant 17536 : index
    %swap3A_1384 = vector.load %arg8[%swap3A_1382, %swap3A_1383] : memref<1x23424xi32, #tpu.memory_space<vmem>>, vector<1x5776xi32>
    tpu.vector_store %arg8[%swap3A_1382, %swap3A_1383], %add3A_1327 {strides = array<i32>} : memref<1x23424xi32, #tpu.memory_space<vmem>>, vector<1x5776xi32>,
    %get3A_1385 = arith.constant 0 : index
    %get3A_1386 = arith.constant 0 : index
    %get3A_1387 = vector.load %arg7[%get3A_1385, %get3A_1386] : memref<1x23424xf32, #tpu.memory_space<vmem>>, vector<1x23424xf32>
    %get3A_1388 = arith.constant 0 : index
    %get3A_1389 = arith.constant 0 : index
    %get3A_1390 = vector.load %arg8[%get3A_1388, %get3A_1389] : memref<1x23424xi32, #tpu.memory_space<vmem>>, vector<1x23424xi32>
    %bitcast_convert_type3A = tpu.bitcast %get3A_1387 : vector<1x23424xf32> -> vector<1x23424xi32>
    %scan3A = arith.constant 0 : i32
    %scan3A_1391 = arith.constant 1073741824 : i32
    %scan3A_1392 = arith.constant 0 : i32
    %scan3A_1393 = arith.constant 31 : i32
    %scan3A_1394 = arith.addi %scan3A_1392, %scan3A_1393 : i32
    %scan3A_1395 = arith.constant 1 : i32
    %scan3A_1396:2 = scf.for %scan3A_1551 = %scan3A_1392 to %scan3A_1394 step %scan3A_1395 iter_args(%scan3A_1552 = %scan3A, %scan3A_1553 = %scan3A_1391) -> (i32, i32)  : i32 {
      %add3A_1554 = arith.addi %scan3A_1552, %scan3A_1553 : i32
      %jit3A_1555 = arith.constant 2 : i32
      %div3A_1556 = arith.divsi %add3A_1554, %jit3A_1555 : i32
      %sign3A = arith.constant 0 : i32
      %sign3A_1557 = arith.cmpi sgt, %add3A_1554, %sign3A : i32
      %sign3A_1558 = arith.extui %sign3A_1557 : i1 to i32
      %sign3A_1559 = arith.constant 0 : i32
      %sign3A_1560 = arith.cmpi slt, %add3A_1554, %sign3A_1559 : i32
      %sign3A_1561 = arith.extui %sign3A_1560 : i1 to i32
      %sign3A_1562 = arith.subi %sign3A_1558, %sign3A_1561 : i32
      %sign3A_1563 = arith.constant 0 : i32
      %sign3A_1564 = arith.cmpi sgt, %jit3A_1555, %sign3A_1563 : i32
      %sign3A_1565 = arith.extui %sign3A_1564 : i1 to i32
      %sign3A_1566 = arith.constant 0 : i32
      %sign3A_1567 = arith.cmpi slt, %jit3A_1555, %sign3A_1566 : i32
      %sign3A_1568 = arith.extui %sign3A_1567 : i1 to i32
      %sign3A_1569 = arith.subi %sign3A_1565, %sign3A_1568 : i32
      %ne3A = arith.cmpi ne, %sign3A_1562, %sign3A_1569 : i32
      %rem3A = arith.remsi %add3A_1554, %jit3A_1555 : i32
      %ne3A_1570 = arith.constant 0 : i32
      %ne3A_1571 = arith.cmpi ne, %rem3A, %ne3A_1570 : i32
      %and3A_1572 = arith.andi %ne3A, %ne3A_1571 : i1
      %sub3A_1573 = arith.constant 1 : i32
      %sub3A_1574 = arith.subi %div3A_1556, %sub3A_1573 : i32
      %select_n3A_1575 = arith.select %and3A_1572, %sub3A_1574, %div3A_1556 : i32
      %ge3A = vector.broadcast %select_n3A_1575 : i32 to vector<1x23424xi32>
      %ge3A_1576 = arith.cmpi sge, %bitcast_convert_type3A, %ge3A : vector<1x23424xi32>
      %convert_element_type3A_1577 = arith.extui %ge3A_1576 : vector<1x23424xi1> to vector<1x23424xi32>
      %reduce_sum3A_1578 = vector.shape_cast %convert_element_type3A_1577 : vector<1x23424xi32> to vector<1x1x23424xi32>
      %reduce_sum3A_1579 = arith.constant dense<0> : vector<1xi32>
      %reduce_sum3A_1580 = vector.multi_reduction <add>, %reduce_sum3A_1578, %reduce_sum3A_1579 [1, 2] : vector<1x1x23424xi32> to vector<1xi32>
      %reduce_sum3A_1581 = vector.shape_cast %reduce_sum3A_1580 : vector<1xi32> to vector<1x1x1xi32>
      %reduce_sum3A_1582 = vector.extract %reduce_sum3A_1581[0, 0, 0] : i32 from vector<1x1x1xi32>
      %ge3A_1583 = arith.constant 1000 : i32
      %ge3A_1584 = arith.cmpi sge, %reduce_sum3A_1582, %ge3A_1583 : i32
      %select_n3A_1585 = arith.select %ge3A_1584, %select_n3A_1575, %scan3A_1552 : i32
      %ge3A_1586 = arith.constant 1000 : i32
      %ge3A_1587 = arith.cmpi sge, %reduce_sum3A_1582, %ge3A_1586 : i32
      %select_n3A_1588 = arith.select %ge3A_1587, %scan3A_1553, %select_n3A_1575 : i32
      scf.yield %select_n3A_1585, %select_n3A_1588 : i32, i32
    }
    %gt3A = vector.broadcast %scan3A_1396#0 : i32 to vector<1x23424xi32>
    %gt3A_1397 = arith.cmpi sgt, %bitcast_convert_type3A, %gt3A : vector<1x23424xi32>
    %convert_element_type3A_1398 = arith.extui %gt3A_1397 : vector<1x23424xi1> to vector<1x23424xi32>
    %reduce_sum3A = vector.shape_cast %convert_element_type3A_1398 : vector<1x23424xi32> to vector<1x1x23424xi32>
    %reduce_sum3A_1399 = arith.constant dense<0> : vector<1xi32>
    %reduce_sum3A_1400 = vector.multi_reduction <add>, %reduce_sum3A, %reduce_sum3A_1399 [1, 2] : vector<1x1x23424xi32> to vector<1xi32>
    %reduce_sum3A_1401 = vector.shape_cast %reduce_sum3A_1400 : vector<1xi32> to vector<1x1x1xi32>
    %reduce_sum3A_1402 = vector.extract %reduce_sum3A_1401[0, 0, 0] : i32 from vector<1x1x1xi32>
    %sub3A_1403 = arith.constant 1000 : i32
    %sub3A_1404 = arith.subi %sub3A_1403, %reduce_sum3A_1402 : i32
    %eq3A_1405 = vector.broadcast %scan3A_1396#0 : i32 to vector<1x23424xi32>
    %eq3A_1406 = arith.cmpi eq, %bitcast_convert_type3A, %eq3A_1405 : vector<1x23424xi32>
    %scan3A_1407 = arith.constant -1 : i32
    %scan3A_1408 = arith.constant 536870912 : i32
    %scan3A_1409 = arith.constant 0 : i32
    %scan3A_1410 = arith.constant 16 : i32
    %scan3A_1411 = arith.addi %scan3A_1409, %scan3A_1410 : i32
    %scan3A_1412 = arith.constant 1 : i32
    %scan3A_1413:2 = scf.for %scan3A_1551 = %scan3A_1409 to %scan3A_1411 step %scan3A_1412 iter_args(%scan3A_1552 = %scan3A_1407, %scan3A_1553 = %scan3A_1408) -> (i32, i32)  : i32 {
      %add3A_1554 = arith.addi %scan3A_1552, %scan3A_1553 : i32
      %jit3A_1555 = arith.constant 2 : i32
      %div3A_1556 = arith.divsi %add3A_1554, %jit3A_1555 : i32
      %sign3A = arith.constant 0 : i32
      %sign3A_1557 = arith.cmpi sgt, %add3A_1554, %sign3A : i32
      %sign3A_1558 = arith.extui %sign3A_1557 : i1 to i32
      %sign3A_1559 = arith.constant 0 : i32
      %sign3A_1560 = arith.cmpi slt, %add3A_1554, %sign3A_1559 : i32
      %sign3A_1561 = arith.extui %sign3A_1560 : i1 to i32
      %sign3A_1562 = arith.subi %sign3A_1558, %sign3A_1561 : i32
      %sign3A_1563 = arith.constant 0 : i32
      %sign3A_1564 = arith.cmpi sgt, %jit3A_1555, %sign3A_1563 : i32
      %sign3A_1565 = arith.extui %sign3A_1564 : i1 to i32
      %sign3A_1566 = arith.constant 0 : i32
      %sign3A_1567 = arith.cmpi slt, %jit3A_1555, %sign3A_1566 : i32
      %sign3A_1568 = arith.extui %sign3A_1567 : i1 to i32
      %sign3A_1569 = arith.subi %sign3A_1565, %sign3A_1568 : i32
      %ne3A = arith.cmpi ne, %sign3A_1562, %sign3A_1569 : i32
      %rem3A = arith.remsi %add3A_1554, %jit3A_1555 : i32
      %ne3A_1570 = arith.constant 0 : i32
      %ne3A_1571 = arith.cmpi ne, %rem3A, %ne3A_1570 : i32
      %and3A_1572 = arith.andi %ne3A, %ne3A_1571 : i1
      %sub3A_1573 = arith.constant 1 : i32
      %sub3A_1574 = arith.subi %div3A_1556, %sub3A_1573 : i32
      %select_n3A_1575 = arith.select %and3A_1572, %sub3A_1574, %div3A_1556 : i32
      %le3A_1576 = vector.broadcast %select_n3A_1575 : i32 to vector<1x23424xi32>
      %le3A_1577 = arith.cmpi sle, %get3A_1390, %le3A_1576 : vector<1x23424xi32>
      %and3A_1578 = arith.andi %eq3A_1406, %le3A_1577 : vector<1x23424xi1>
      %convert_element_type3A_1579 = arith.extui %and3A_1578 : vector<1x23424xi1> to vector<1x23424xi32>
      %reduce_sum3A_1580 = vector.shape_cast %convert_element_type3A_1579 : vector<1x23424xi32> to vector<1x1x23424xi32>
      %reduce_sum3A_1581 = arith.constant dense<0> : vector<1xi32>
      %reduce_sum3A_1582 = vector.multi_reduction <add>, %reduce_sum3A_1580, %reduce_sum3A_1581 [1, 2] : vector<1x1x23424xi32> to vector<1xi32>
      %reduce_sum3A_1583 = vector.shape_cast %reduce_sum3A_1582 : vector<1xi32> to vector<1x1x1xi32>
      %reduce_sum3A_1584 = vector.extract %reduce_sum3A_1583[0, 0, 0] : i32 from vector<1x1x1xi32>
      %ge3A = arith.cmpi sge, %reduce_sum3A_1584, %sub3A_1404 : i32
      %select_n3A_1585 = arith.select %ge3A, %scan3A_1552, %select_n3A_1575 : i32
      %ge3A_1586 = arith.cmpi sge, %reduce_sum3A_1584, %sub3A_1404 : i32
      %select_n3A_1587 = arith.select %ge3A_1586, %select_n3A_1575, %scan3A_1553 : i32
      scf.yield %select_n3A_1585, %select_n3A_1587 : i32, i32
    }
    %gt3A_1414 = vector.broadcast %scan3A_1396#0 : i32 to vector<1x23424xi32>
    %gt3A_1415 = arith.cmpi sgt, %bitcast_convert_type3A, %gt3A_1414 : vector<1x23424xi32>
    %le3A = vector.broadcast %scan3A_1413#1 : i32 to vector<1x23424xi32>
    %le3A_1416 = arith.cmpi sle, %get3A_1390, %le3A : vector<1x23424xi32>
    %and3A = arith.andi %eq3A_1406, %le3A_1416 : vector<1x23424xi1>
    %or3A = arith.ori %gt3A_1415, %and3A : vector<1x23424xi1>
    %jit3A_1417 = arith.constant -1.000000e+09 : f32
    %broadcast_in_dim3A_1418 = vector.broadcast %jit3A_1417 : f32 to vector<1x23424xf32>
    %select_n3A_1419 = arith.select %or3A, %get3A_1387, %broadcast_in_dim3A_1418 : vector<1x23424xi1>, vector<1x23424xf32>
    %swap3A_1420 = arith.constant 0 : index
    %swap3A_1421 = arith.constant 5 : index
    %swap3A_1422 = arith.constant 0 : index
    %swap3A_1423 = arith.constant 0 : index
    %swap3A_1424 = vector.load %arg5[%swap3A_1420, %swap3A_1421, %swap3A_1422, %swap3A_1423] : memref<1x6x1x23424xf32, #tpu.memory_space<vmem>>, vector<1x1x1x23424xf32>
    %swap3A_1425 = vector.shape_cast %swap3A_1424 : vector<1x1x1x23424xf32> to vector<1x23424xf32>
    %swap3A_1426 = vector.shape_cast %select_n3A_1419 : vector<1x23424xf32> to vector<1x1x1x23424xf32>
    tpu.vector_store %arg5[%swap3A_1420, %swap3A_1421, %swap3A_1422, %swap3A_1423], %swap3A_1426 {strides = array<i32>} : memref<1x6x1x23424xf32, #tpu.memory_space<vmem>>, vector<1x1x1x23424xf32>,
    %reduce_max3A_1427 = vector.shape_cast %get3A_1387 : vector<1x23424xf32> to vector<1x1x23424xf32>
    %reduce_max3A_1428 = arith.constant dense<0xFF800000> : vector<1xf32>
    %reduce_max3A_1429 = vector.multi_reduction <maximumf>, %reduce_max3A_1427, %reduce_max3A_1428 [1, 2] : vector<1x1x23424xf32> to vector<1xf32>
    %reduce_max3A_1430 = vector.shape_cast %reduce_max3A_1429 : vector<1xf32> to vector<1x1x1xf32>
    %reduce_max3A_1431 = vector.extract %reduce_max3A_1430[0, 0, 0] : f32 from vector<1x1x1xf32>
    %eq3A_1432 = vector.broadcast %reduce_max3A_1431 : f32 to vector<1x23424xf32>
    %eq3A_1433 = arith.cmpf oeq, %get3A_1387, %eq3A_1432 : vector<1x23424xf32>
    %eq3A_1434 = vector.broadcast %reduce_max3A_1431 : f32 to vector<1x23424xf32>
    %eq3A_1435 = arith.cmpf oeq, %get3A_1387, %eq3A_1434 : vector<1x23424xf32>
    %jit3A_1436 = arith.constant 536870912 : i32
    %broadcast_in_dim3A_1437 = vector.broadcast %jit3A_1436 : i32 to vector<1x23424xi32>
    %select_n3A_1438 = arith.select %eq3A_1435, %get3A_1390, %broadcast_in_dim3A_1437 : vector<1x23424xi1>, vector<1x23424xi32>
    %reduce_min3A_1439 = vector.shape_cast %select_n3A_1438 : vector<1x23424xi32> to vector<1x1x23424xi32>
    %reduce_min3A_1440 = arith.constant dense<2147483647> : vector<1xi32>
    %reduce_min3A_1441 = vector.multi_reduction <minsi>, %reduce_min3A_1439, %reduce_min3A_1440 [1, 2] : vector<1x1x23424xi32> to vector<1xi32>
    %reduce_min3A_1442 = vector.shape_cast %reduce_min3A_1441 : vector<1xi32> to vector<1x1x1xi32>
    %reduce_min3A_1443 = vector.extract %reduce_min3A_1442[0, 0, 0] : i32 from vector<1x1x1xi32>
    %eq3A_1444 = vector.broadcast %reduce_min3A_1443 : i32 to vector<1x23424xi32>
    %eq3A_1445 = arith.cmpi eq, %get3A_1390, %eq3A_1444 : vector<1x23424xi32>
    %and3A_1446 = arith.andi %eq3A_1433, %eq3A_1445 : vector<1x23424xi1>
    %get3A_1447 = arith.constant 0 : index
    %get3A_1448 = arith.constant 0 : index
    %get3A_1449 = arith.constant 0 : index
    %get3A_1450 = arith.constant 0 : index
    %get3A_1451 = vector.load %arg5[%get3A_1447, %get3A_1448, %get3A_1449, %get3A_1450] : memref<1x6x1x23424xf32, #tpu.memory_space<vmem>>, vector<1x1x1x23424xf32>
    %get3A_1452 = vector.shape_cast %get3A_1451 : vector<1x1x1x23424xf32> to vector<1x23424xf32>
    %jit3A_1453 = arith.constant 0.000000e+00 : f32
    %broadcast_in_dim3A_1454 = vector.broadcast %jit3A_1453 : f32 to vector<1x23424xf32>
    %select_n3A_1455 = arith.select %and3A_1446, %get3A_1452, %broadcast_in_dim3A_1454 : vector<1x23424xi1>, vector<1x23424xf32>
    %reduce_sum3A_1456 = vector.shape_cast %select_n3A_1455 : vector<1x23424xf32> to vector<1x1x23424xf32>
    %reduce_sum3A_1457 = arith.constant dense<0.000000e+00> : vector<1xf32>
    %reduce_sum3A_1458 = vector.multi_reduction <add>, %reduce_sum3A_1456, %reduce_sum3A_1457 [1, 2] : vector<1x1x23424xf32> to vector<1xf32>
    %reduce_sum3A_1459 = vector.shape_cast %reduce_sum3A_1458 : vector<1xf32> to vector<1x1x1xf32>
    %reduce_sum3A_1460 = vector.extract %reduce_sum3A_1459[0, 0, 0] : f32 from vector<1x1x1xf32>
    %get3A_1461 = arith.constant 0 : index
    %get3A_1462 = arith.constant 1 : index
    %get3A_1463 = arith.constant 0 : index
    %get3A_1464 = arith.constant 0 : index
    %get3A_1465 = vector.load %arg5[%get3A_1461, %get3A_1462, %get3A_1463, %get3A_1464] : memref<1x6x1x23424xf32, #tpu.memory_space<vmem>>, vector<1x1x1x23424xf32>
    %get3A_1466 = vector.shape_cast %get3A_1465 : vector<1x1x1x23424xf32> to vector<1x23424xf32>
    %jit3A_1467 = arith.constant 0.000000e+00 : f32
    %broadcast_in_dim3A_1468 = vector.broadcast %jit3A_1467 : f32 to vector<1x23424xf32>
    %select_n3A_1469 = arith.select %and3A_1446, %get3A_1466, %broadcast_in_dim3A_1468 : vector<1x23424xi1>, vector<1x23424xf32>
    %reduce_sum3A_1470 = vector.shape_cast %select_n3A_1469 : vector<1x23424xf32> to vector<1x1x23424xf32>
    %reduce_sum3A_1471 = arith.constant dense<0.000000e+00> : vector<1xf32>
    %reduce_sum3A_1472 = vector.multi_reduction <add>, %reduce_sum3A_1470, %reduce_sum3A_1471 [1, 2] : vector<1x1x23424xf32> to vector<1xf32>
    %reduce_sum3A_1473 = vector.shape_cast %reduce_sum3A_1472 : vector<1xf32> to vector<1x1x1xf32>
    %reduce_sum3A_1474 = vector.extract %reduce_sum3A_1473[0, 0, 0] : f32 from vector<1x1x1xf32>
    %get3A_1475 = arith.constant 0 : index
    %get3A_1476 = arith.constant 2 : index
    %get3A_1477 = arith.constant 0 : index
    %get3A_1478 = arith.constant 0 : index
    %get3A_1479 = vector.load %arg5[%get3A_1475, %get3A_1476, %get3A_1477, %get3A_1478] : memref<1x6x1x23424xf32, #tpu.memory_space<vmem>>, vector<1x1x1x23424xf32>
    %get3A_1480 = vector.shape_cast %get3A_1479 : vector<1x1x1x23424xf32> to vector<1x23424xf32>
    %jit3A_1481 = arith.constant 0.000000e+00 : f32
    %broadcast_in_dim3A_1482 = vector.broadcast %jit3A_1481 : f32 to vector<1x23424xf32>
    %select_n3A_1483 = arith.select %and3A_1446, %get3A_1480, %broadcast_in_dim3A_1482 : vector<1x23424xi1>, vector<1x23424xf32>
    %reduce_sum3A_1484 = vector.shape_cast %select_n3A_1483 : vector<1x23424xf32> to vector<1x1x23424xf32>
    %reduce_sum3A_1485 = arith.constant dense<0.000000e+00> : vector<1xf32>
    %reduce_sum3A_1486 = vector.multi_reduction <add>, %reduce_sum3A_1484, %reduce_sum3A_1485 [1, 2] : vector<1x1x23424xf32> to vector<1xf32>
    %reduce_sum3A_1487 = vector.shape_cast %reduce_sum3A_1486 : vector<1xf32> to vector<1x1x1xf32>
    %reduce_sum3A_1488 = vector.extract %reduce_sum3A_1487[0, 0, 0] : f32 from vector<1x1x1xf32>
    %get3A_1489 = arith.constant 0 : index
    %get3A_1490 = arith.constant 3 : index
    %get3A_1491 = arith.constant 0 : index
    %get3A_1492 = arith.constant 0 : index
    %get3A_1493 = vector.load %arg5[%get3A_1489, %get3A_1490, %get3A_1491, %get3A_1492] : memref<1x6x1x23424xf32, #tpu.memory_space<vmem>>, vector<1x1x1x23424xf32>
    %get3A_1494 = vector.shape_cast %get3A_1493 : vector<1x1x1x23424xf32> to vector<1x23424xf32>
    %jit3A_1495 = arith.constant 0.000000e+00 : f32
    %broadcast_in_dim3A_1496 = vector.broadcast %jit3A_1495 : f32 to vector<1x23424xf32>
    %select_n3A_1497 = arith.select %and3A_1446, %get3A_1494, %broadcast_in_dim3A_1496 : vector<1x23424xi1>, vector<1x23424xf32>
    %reduce_sum3A_1498 = vector.shape_cast %select_n3A_1497 : vector<1x23424xf32> to vector<1x1x23424xf32>
    %reduce_sum3A_1499 = arith.constant dense<0.000000e+00> : vector<1xf32>
    %reduce_sum3A_1500 = vector.multi_reduction <add>, %reduce_sum3A_1498, %reduce_sum3A_1499 [1, 2] : vector<1x1x23424xf32> to vector<1xf32>
    %reduce_sum3A_1501 = vector.shape_cast %reduce_sum3A_1500 : vector<1xf32> to vector<1x1x1xf32>
    %reduce_sum3A_1502 = vector.extract %reduce_sum3A_1501[0, 0, 0] : f32 from vector<1x1x1xf32>
    %get3A_1503 = arith.constant 0 : index
    %get3A_1504 = arith.constant 4 : index
    %get3A_1505 = arith.constant 0 : index
    %get3A_1506 = arith.constant 0 : index
    %get3A_1507 = vector.load %arg5[%get3A_1503, %get3A_1504, %get3A_1505, %get3A_1506] : memref<1x6x1x23424xf32, #tpu.memory_space<vmem>>, vector<1x1x1x23424xf32>
    %get3A_1508 = vector.shape_cast %get3A_1507 : vector<1x1x1x23424xf32> to vector<1x23424xf32>
    %jit3A_1509 = arith.constant 0.000000e+00 : f32
    %broadcast_in_dim3A_1510 = vector.broadcast %jit3A_1509 : f32 to vector<1x23424xf32>
    %select_n3A_1511 = arith.select %and3A_1446, %get3A_1508, %broadcast_in_dim3A_1510 : vector<1x23424xi1>, vector<1x23424xf32>
    %reduce_sum3A_1512 = vector.shape_cast %select_n3A_1511 : vector<1x23424xf32> to vector<1x1x23424xf32>
    %reduce_sum3A_1513 = arith.constant dense<0.000000e+00> : vector<1xf32>
    %reduce_sum3A_1514 = vector.multi_reduction <add>, %reduce_sum3A_1512, %reduce_sum3A_1513 [1, 2] : vector<1x1x23424xf32> to vector<1xf32>
    %reduce_sum3A_1515 = vector.shape_cast %reduce_sum3A_1514 : vector<1xf32> to vector<1x1x1xf32>
    %reduce_sum3A_1516 = vector.extract %reduce_sum3A_1515[0, 0, 0] : f32 from vector<1x1x1xf32>
    %iota3A_1517 = tpu.iota {dimensions = array<i32: 1>} : vector<1x128xi32>
    %eq3A_1518 = arith.constant 0 : i32
    %eq3A_1519 = vector.broadcast %eq3A_1518 : i32 to vector<1x128xi32>
    %eq3A_1520 = arith.cmpi eq, %iota3A_1517, %eq3A_1519 : vector<1x128xi32>
    %eq3A_1521 = arith.constant 1 : i32
    %eq3A_1522 = vector.broadcast %eq3A_1521 : i32 to vector<1x128xi32>
    %eq3A_1523 = arith.cmpi eq, %iota3A_1517, %eq3A_1522 : vector<1x128xi32>
    %eq3A_1524 = arith.constant 2 : i32
    %eq3A_1525 = vector.broadcast %eq3A_1524 : i32 to vector<1x128xi32>
    %eq3A_1526 = arith.cmpi eq, %iota3A_1517, %eq3A_1525 : vector<1x128xi32>
    %eq3A_1527 = arith.constant 3 : i32
    %eq3A_1528 = vector.broadcast %eq3A_1527 : i32 to vector<1x128xi32>
    %eq3A_1529 = arith.cmpi eq, %iota3A_1517, %eq3A_1528 : vector<1x128xi32>
    %eq3A_1530 = arith.constant 4 : i32
    %eq3A_1531 = vector.broadcast %eq3A_1530 : i32 to vector<1x128xi32>
    %eq3A_1532 = arith.cmpi eq, %iota3A_1517, %eq3A_1531 : vector<1x128xi32>
    %jit3A_1533 = arith.constant 0.000000e+00 : f32
    %broadcast_in_dim3A_1534 = vector.broadcast %reduce_sum3A_1516 : f32 to vector<1x128xf32>
    %broadcast_in_dim3A_1535 = vector.broadcast %jit3A_1533 : f32 to vector<1x128xf32>
    %select_n3A_1536 = arith.select %eq3A_1532, %broadcast_in_dim3A_1534, %broadcast_in_dim3A_1535 : vector<1x128xi1>, vector<1x128xf32>
    %broadcast_in_dim3A_1537 = vector.broadcast %reduce_sum3A_1502 : f32 to vector<1x128xf32>
    %select_n3A_1538 = arith.select %eq3A_1529, %broadcast_in_dim3A_1537, %select_n3A_1536 : vector<1x128xi1>, vector<1x128xf32>
    %broadcast_in_dim3A_1539 = vector.broadcast %reduce_sum3A_1488 : f32 to vector<1x128xf32>
    %select_n3A_1540 = arith.select %eq3A_1526, %broadcast_in_dim3A_1539, %select_n3A_1538 : vector<1x128xi1>, vector<1x128xf32>
    %broadcast_in_dim3A_1541 = vector.broadcast %reduce_sum3A_1474 : f32 to vector<1x128xf32>
    %select_n3A_1542 = arith.select %eq3A_1523, %broadcast_in_dim3A_1541, %select_n3A_1540 : vector<1x128xi1>, vector<1x128xf32>
    %broadcast_in_dim3A_1543 = vector.broadcast %reduce_sum3A_1460 : f32 to vector<1x128xf32>
    %select_n3A_1544 = arith.select %eq3A_1520, %broadcast_in_dim3A_1543, %select_n3A_1542 : vector<1x128xi1>, vector<1x128xf32>
    %swap3A_1545 = arith.constant 0 : index
    %swap3A_1546 = arith.constant 0 : index
    %swap3A_1547 = arith.constant 0 : index
    %swap3A_1548 = vector.load %arg6[%swap3A_1545, %swap3A_1546, %swap3A_1547] : memref<1x1x128xf32, #tpu.memory_space<vmem>>, vector<1x1x128xf32>
    %swap3A_1549 = vector.shape_cast %swap3A_1548 : vector<1x1x128xf32> to vector<1x128xf32>
    %swap3A_1550 = vector.shape_cast %select_n3A_1544 : vector<1x128xf32> to vector<1x1x128xf32>
    tpu.vector_store %arg6[%swap3A_1545, %swap3A_1546, %swap3A_1547], %swap3A_1550 {strides = array<i32>} : memref<1x1x128xf32, #tpu.memory_space<vmem>>, vector<1x1x128xf32>,
    return
  }
  func.func @transform_0(%arg0: i32) -> (i32, i32, i32) {
    %c0_i32 = arith.constant 0 : i32
    %c0_i32_0 = arith.constant 0 : i32
    %c0_i32_1 = arith.constant 0 : i32
    %c0_i32_2 = arith.constant 0 : i32
    return %c0_i32, %c0_i32_0, %c0_i32_1 : i32, i32, i32
  }
  func.func @transform_1(%arg0: i32) -> (i32, i32, i32) {
    %c0_i32 = arith.constant 0 : i32
    %c0_i32_0 = arith.constant 0 : i32
    %c0_i32_1 = arith.constant 0 : i32
    return %arg0, %c0_i32, %c0_i32_0 : i32, i32, i32
  }
  func.func @transform_2(%arg0: i32) -> (i32, i32, i32) {
    %c0_i32 = arith.constant 0 : i32
    %c0_i32_0 = arith.constant 0 : i32
    %c0_i32_1 = arith.constant 0 : i32
    return %arg0, %c0_i32, %c0_i32_0 : i32, i32, i32
  }
  func.func @transform_3(%arg0: i32) -> (i32, i32, i32) {
    %c0_i32 = arith.constant 0 : i32
    %c0_i32_0 = arith.constant 0 : i32
    %c0_i32_1 = arith.constant 0 : i32
    return %arg0, %c0_i32, %c0_i32_0 : i32, i32, i32
  }
  func.func @transform_4(%arg0: i32) -> (i32, i32, i32, i32) {
    %c0_i32 = arith.constant 0 : i32
    %c0_i32_0 = arith.constant 0 : i32
    %c0_i32_1 = arith.constant 0 : i32
    %c0_i32_2 = arith.constant 0 : i32
    return %arg0, %c0_i32, %c0_i32_0, %c0_i32_1 : i32, i32, i32, i32
  }
  func.func @transform_5(%arg0: i32) -> (i32, i32, i32) {
    %c0_i32 = arith.constant 0 : i32
    %c0_i32_0 = arith.constant 0 : i32
    %c0_i32_1 = arith.constant 0 : i32
    return %arg0, %c0_i32, %c0_i32_0 : i32, i32, i32
  }
}

</mosaic_0001>

<sc_bundles>
// kernel: kernel.4.cloned.1.call-start
scs
__scs_entry_jumppad:
0x0: {  	(pc) =	sbr.rel $0x88, $3  }
0x1: {  	(tag) =	ssettag $0x0;
	lr =	simm.s32 $0x1  }
0x2: {  	[smem:$0x3F9E] =	sst lr;
	_ =	strace $0xD0000000  }
0x3: {  	_ = 	snop  }
0x4: {  	_ = 	snop  }
0x5: {  	_ = 	snop  }
0x6: {  	_ = 	snop  }
0x7: {  	_ = 	snop  }
__scs_overlays_trampoline_lowered:
0x8: {  	[smem:$0x3FAD] =	sst s0  }
0x9: {  	[smem:$0x3FAE] =	sst s1  }
0xa: {  	[smem:$0x3FAF] =	sst s2  }
0xb: {  	[smem:$0x3FB0] =	sst s3  }
0xc: {  	[smem:$0x3FB1] =	sst s4  }
0xd: {  	[smem:$0x3FB2] =	sst s5  }
0xe: {  	[smem:$0x3FB3] =	sst s6  }
0xf: {  	[smem:$0x3FB4] =	sst s7  }
0x10: {  	[smem:$0x3FB5] =	sst s8  }
0x11: {  	[smem:$0x3FB6] =	sst s9;
	s0 =	simm.s32 @!p0 $0x0  }
0x12: {  	s1 =	sld [smem:$0x3F9C];
	s0 =	simm.s32 @p0 $0x1  }
0x13: {  	[smem:$0x3FB7] =	sst s0;
	s0 =	simm.s32 @!p1 $0x0  }
0x14: {  	s2 =	sld [smem:$0x3F9B];
	s0 =	simm.s32 @p1 $0x1  }
0x15: {  	[smem:$0x3FB8] =	sst s0;
	s0 =	simm.s32 @!p2 $0x0  }
0x16: {  	s3 =	sld [smem:$0x3FDB];
	s0 =	simm.s32 @p2 $0x1  }
0x17: {  	s4 =	simm.s32 $0x1BF5;
	[smem:$0x3FBA] =	sst s0  }
0x18: {  	s0 =	sld [smem:$0x3F9D];
	_ =	swait.ge [sflag:s4], $0x0  }
0x19: {  	s7 =	sld [smem:$0x3F9E]  }
0x1a: {  	s8 =	sadd.s32 $0xFFFFE003, lr  }
0x1b: {  	s9 =	sadd.s32 $0xFFFFFEF7, lr;
	s5 =	simm.s32 $0xFFFFFFFF;
	p2 =	slt.u32 s8, $0xFFFFF086  }
0x1c: {  	p1 =	slt.u32 s9, $0xF7A;
	s5 =	simm.s32 @!p2 $0x0  }
0x1d: {  	s5 =	simm.s32 @p1 $0x1;
	p0 =	seq.s32 s7, s2  }
0x1e: {  	s7 =	smul.u32 @!p0 $0xF7A, s2;
	p2 =	seq.s32 @!p0 s5, $0x0  }
0x1f: {  	s9 =	smul.u32 $0xF7A, s1;
	s8 =	simm.s32 @!p0 $0x1BF5;
	p2 =	por !p2, p0  }
0x20: {  	[sflag:s8] =	ssyncset.s32 @!p0 $0xFFFFF086;
	s6 =	sadd.s32 @!p0 s3, s7;
	s7 =	simm.s32 @!p0 $0x108  }
0x21: {  	s3 =	sadd.s32 s3, s9;
	s6 =	sadd.s32 @!p0 $0x88, s6;
	s7 =	simm.s32 @p2 $0x1082  }
0x22: {  	[simem:s7], [sflag:s8] =	dma.local @!p0 [hbm:s6], $0xF7A  }
0x23: {  	s9 =	sor.u32 $0xD0000000, s2;
	s6 =	simm.s32 $0x108;
	_ =	swait.ge @!p0 [sflag:s8], $0x0  }
0x24: {  	s3 =	sadd.s32 $0x88, s3;
	s6 =	simm.s32 @!p1 $0x1082;
	[sflag:s4] =	ssyncset.s32 $0xFFFFF086  }
0x25: {  	[simem:s6], [sflag:s4] =	dma.local [hbm:s3], $0xF7A  }
0x26: {  	[smem:$0x3F9E] =	sst s1;
	(tag) =	ssettag s2;
	_ =	strace s9  }
0x27: {  	s1 =	sld [smem:$0x3FAE]  }
0x28: {  	s2 =	sld [smem:$0x3FAF]  }
0x29: {  	s4 =	sld [smem:$0x3FB1]  }
0x2a: {  	p0 =	seq.s32 s5, $0x0;
	s5 =	sld [smem:$0x3FB2]  }
0x2b: {  	s6 =	sld [smem:$0x3FB3]  }
0x2c: {  	s7 =	sld [smem:$0x3FB4]  }
0x2d: {  	s3 =	simm.s32 $0x108;
	s8 =	sld [smem:$0x3FB5]  }
0x2e: {  	s3 =	simm.s32 @!p0 $0x1082;
	s9 =	sld [smem:$0x3FB6]  }
0x2f: {  	lr =	sadd.s32 s0, s3;
	s0 =	sld [smem:$0x3FAD]  }
0x30: {  	s3 =	sld [smem:$0x3FB0]  }
0x31: {  	[smem:$0x3FB9] =	sst s10  }
0x32: {  	s10 =	sld [smem:$0x3FB7];
	_ =	sdelay $0x3  }
0x33: {  	p0 =	seq.s32 s10, $0x1;
	s10 =	sld [smem:$0x3FB9];
	_ =	sdelay $0x3  }
0x34: {  	[smem:$0x3FB9] =	sst s10  }
0x35: {  	s10 =	sld [smem:$0x3FB8];
	_ =	sdelay $0x3  }
0x36: {  	p1 =	seq.s32 s10, $0x1;
	s10 =	sld [smem:$0x3FB9];
	_ =	sdelay $0x3  }
0x37: {  	[smem:$0x3FB9] =	sst s10  }
0x38: {  	s10 =	sld [smem:$0x3FBA]  }
0x39: {  	_ = 	snop;
	(pc) =	sbr.ind lr, $3  }
0x3a: {  	_ = 	snop  }
0x3b: {  	_ = 	snop  }
0x3c: {  	p2 =	seq.s32 s10, $0x1;
	s10 =	sld [smem:$0x3FB9]  }
0x3d: {  	_ =	shalt  }
0x3e: {  	_ =	shalt  }
0x3f: {  	_ =	shalt  }
0x40: {  	_ =	shalt  }
0x41: {  	_ =	shalt  }
0x42: {  	_ =	shalt  }
0x43: {  	_ =	shalt  }
0x44: {  	_ =	shalt  }
0x45: {  	_ =	shalt  }
0x46: {  	_ =	shalt  }
0x47: {  	_ =	shalt  }
0x48: {  	_ =	shalt  }
0x49: {  	_ =	shalt  }
0x4a: {  	_ =	shalt  }
0x4b: {  	_ =	shalt  }
0x4c: {  	_ =	shalt  }
0x4d: {  	_ =	shalt  }
0x4e: {  	_ =	shalt  }
0x4f: {  	_ =	shalt  }
0x50: {  	_ =	shalt  }
0x51: {  	_ =	shalt  }
0x52: {  	_ =	shalt  }
0x53: {  	_ =	shalt  }
0x54: {  	_ =	shalt  }
0x55: {  	_ =	shalt  }
0x56: {  	_ =	shalt  }
0x57: {  	_ =	shalt  }
0x58: {  	_ =	shalt  }
0x59: {  	_ =	shalt  }
0x5a: {  	_ =	shalt  }
0x5b: {  	_ =	shalt  }
0x5c: {  	_ =	shalt  }
0x5d: {  	_ =	shalt  }
0x5e: {  	_ =	shalt  }
0x5f: {  	_ =	shalt  }
0x60: {  	_ =	shalt  }
0x61: {  	_ =	shalt  }
0x62: {  	_ =	shalt  }
0x63: {  	_ =	shalt  }
0x64: {  	_ =	shalt  }
0x65: {  	_ =	shalt  }
0x66: {  	_ =	shalt  }
0x67: {  	_ =	shalt  }
0x68: {  	_ =	shalt  }
0x69: {  	_ =	shalt  }
0x6a: {  	_ =	shalt  }
0x6b: {  	_ =	shalt  }
0x6c: {  	_ =	shalt  }
0x6d: {  	_ =	shalt  }
0x6e: {  	_ =	shalt  }
0x6f: {  	_ =	shalt  }
0x70: {  	_ =	shalt  }
0x71: {  	_ =	shalt  }
0x72: {  	_ =	shalt  }
0x73: {  	_ =	shalt  }
0x74: {  	_ =	shalt  }
0x75: {  	_ =	shalt  }
0x76: {  	_ =	shalt  }
0x77: {  	_ =	shalt  }
0x78: {  	_ =	shalt  }
0x79: {  	_ =	shalt  }
0x7a: {  	_ =	shalt  }
0x7b: {  	_ =	shalt  }
0x7c: {  	_ =	shalt  }
0x7d: {  	_ =	shalt  }
0x7e: {  	_ =	shalt  }
0x7f: {  	_ =	shalt  }
0x80: {  	_ =	shalt  }
0x81: {  	_ =	shalt  }
0x82: {  	_ =	shalt  }
0x83: {  	_ =	shalt  }
0x84: {  	_ =	shalt  }
0x85: {  	_ =	shalt  }
0x86: {  	_ =	shalt  }
0x87: {  	_ =	shalt  }
.Lfunc_end0:
.L_simem_size_0:
called_computation_lowered:
.L_overlay_start_0:
0x88: {  	s2 =	sld [smem:$0x3FD9]  }
0x89: {  	s3 =	sld [smem:$0x3FFE];
	_ =	sdelay $0x1  }
0x8a: {  	s1 =	srdreg.scid  }
0x8b: {  	s0 =	sand.u32 $0x1, s1  }
0x8c: {  	s17 =	sshll.u32 s0, $0xA;
	s2 =	sadd.s32 s3, s2  }
0x8d: {  	s2 =	sadd.s32 s2, s17  }
0x8e: {  	[smem:$0x3FC5] =	sst s2  }
0x8f: {  	_ = 	snop  }
0x90: {  	s2 =	sld [smem:$0x3FD0];
	(tm) =	ssettm $0x1  }
0x91: {  	s18 =	sld [smem:$0x3FFB];
	_ =	sdelay $0x3  }
0x92: {  	_ =	strace s18  }
0x93: {  	s3 =	sld [smem:$0x3FFC];
	_ =	sdelay $0x3  }
0x94: {  	_ =	strace s3  }
0x95: {  	s3 =	sld [smem:$0x3FFD];
	_ =	sdelay $0x3  }
0x96: {  	_ =	strace s3  }
0x97: {  	_ =	strace $0x8FFFFFFF  }
0x98: {  	s19 =	sld [smem:$0x3FDB];
	_ =	sdelay $0x1  }
0x99: {  	s4 =	simm.s32 $_scs_section_size  }
0x9a: {  	s5 =	simm.s32 $_size__tile_overlayer_lowered;
	s6 =	simm.s32 $_tile_overlayer_lowered  }
0x9b: {  	s22 =	simm.s32 $0x1BFF;
	s21 =	sshll.u32 s6, $0x1;
	s3 =	sadd.s32 s4, s19  }
0x9c: {  	s7 =	simm.s32 $0x0;
	s20 =	sshll.u32 s5, $0x1;
	s5 =	sadd.s32 s21, s3  }
0x9d: {  	[timem:s7], [sflag:s22] =	dma.local [hbm:s5], s20  }
0x9e: {  	_ =	swait.ge [sflag:s22], s20  }
0x9f: {  	s4 =	ssub.s32 $0x0, s20;
	[sflag:s22] =	ssyncset.done $0x0  }
0xa0: {  	[sflag:s22] =	ssyncadd.s32 s4;
	_ =	sdelay $0x1  }
0xa1: {  	s23 =	simm.s32 $0x1B8B  }
0xa2: {  	_ =	swait.ge [sflag:s23], $0x1  }
0xa3: {  	[sflag:s23] =	ssyncset.done $0x0  }
0xa4: {  	s25 =	simm.s32 $0x1B8E;
	s24 =	sld [smem:$0x3FFE];
	[sflag:s23] =	ssyncadd.s32 $0xFFFFFFFF  }
0xa5: {  	s26 =	simm.s32 $execute0_lowered;
	[smem:$0x3FD2] =	sst s25  }
0xa6: {  	s5 =	sshll.u32 s26, $0x1;
	_ =	strace $0x80000046;
	[dreg:$0x1] =	wrdreg $0xFFFFFFFF  }
0xa7: {  	s28 =	simm.s32 $_size_execute0_lowered;
	s3 =	sadd.s32 s3, s5;
	[dreg:$0x0] =	wrdreg $0x0  }
0xa8: {  	s5 =	sshll.u32 s28, $0x1;
	[dreg:$0x2] =	wrdreg s3  }
0xa9: {  	[dreg:$0x3] =	wrdreg s5  }
0xaa: {  	[dreg:$0x4] =	wrdreg $0xC0  }
0xab: {  	_ =	task [dreg:s7], $0x5FFFF  }
0xac: {  	[dreg:$0x1] =	wrdreg $0xFFFFFFFF  }
0xad: {  	[dreg:$0x0] =	wrdreg $0x60  }
0xae: {  	[dreg:$0x2] =	wrdreg s24  }
0xaf: {  	[dreg:$0x3] =	wrdreg s2  }
0xb0: {  	[dreg:$0x4] =	wrdreg $0x9  }
0xb1: {  	_ =	task.clear_ibuf [dreg:s7], $0x5FFFF;
	_ =	strace $0x90000046  }
0xb2: {  	s29 =	simm.s32 $0x9;
	_ =	strace $0x80000048  }
0xb3: {  	_ =	swait.ge [sflag:s29], $0x1  }
0xb4: {  	[sflag:s29] =	ssyncadd.s32 $0xFFFFFFFF  }
0xb5: {  	_ =	strace $0x90000048  }
0xb6: {  	_ =	sfence  }
0xb7: {  	s30 =	sld [smem:$0x0];
	_ =	sdelay $0x2  }
0xb8: {  	s31 =	sshll.u32 s1, $0xD;
	s1 =	sshrl.u32 s1, $0x2  }
0xb9: {  	s3 =	sand.u32 $0x4000, s31;
	s1 =	sadd.s32 s1, s30  }
0xba: {  	s0 =	sor.u32 s3, s0;
	s1 =	sshll.u32 s1, $0x11  }
0xbb: {  	s0 =	sor.u32 s1, s0  }
0xbc: {  	s0 =	sadd.s32 $0x8F2B, s0  }
0xbd: {  	[sflag:s0] =	ssyncadd.remote.s32 $0x1  }
0xbe: {  	_ =	sfence.sel $0xFFFF  }
0xbf: {  	[dreg:$0x0] =	wrdreg $0xFFFFFFFF;
	(pc) =	sbr.abs _section_cstart, $3  }
0xc0: {  	[dreg:$0x1] =	wrdreg $0xFFFFFFFF  }
0xc1: {  	_ =	task.clear_ibuf [dreg:s7], $0x2FFFF;
	_ =	strace $0x9FFFFFFF  }
0xc2: {  	(tm) =	ssettm $0x7FFFFFFF  }
0xc3: {  	_ =	shalt  }
tec
execute0_lowered:
.L_overlay_start_1:
0x0: {  	(tag) =	ssettag $0x1  }
0x1: {  	s1 =	stileid.u32  }
0x2: {  	p0 =	sgt.u32 s1, $0x3  }
.Ltmp0:
0x3: {  	_ = 	snop;
	(pc) =	sbr.rel @p0 .LBB2_19-.Ltmp0, $4  }
0x4: {  	_ = 	snop  }
0x5: {  	s4 =	rddreg [dreg:$0x0];
	s2 =	simm.s32 $0x0  }
0x6: {  	[smem:$0x7FF] =	sst s2  }
0x7: {  	s0 =	rddreg [dreg:$0x1];
	_ =	strace $0x80000047  }
0x8: {  	v0 =	vimm.s32 $0xEDCBA987;
	v1 =	vimm.f32 $0.0e+00  }
0x9: {  	v3 =	vimm.s32 $0x65432100;
	v5 =	vimm.s32 $0xDCBA9876;
	v6 =	vimm.s32 $0x54321000  }
0xa: {  	v7 =	vimm.s32 $0xBA987654;
	v8 =	vimm.s32 $0xE40000;
	v9 =	vimm.s32 $0x32100000  }
0xb: {  	vm0 =	vmmov $0x3;
	v10 =	vimm.s32 $0x67452301;
	vm2 =	vcmask $0x3F30  }
0xc: {  	vm1 =	vmmov $0xf;
	v14 =	vimm.s32 $0x32107654;
	v15 =	vimm.s32 $0xFEDCBA98  }
0xd: {  	vm3 =	vcmask $0x3F18;
	vm4 =	vcmask $0x3F14;
	vm5 =	vcmask $0x3F10  }
0xe: {  	vm6 =	vcmask $0x3F0C;
	vm7 =	vcmask $0x3F08;
	vm8 =	vmmov $0x1  }
0xf: {  	v2 =	vunpack.c.l.s4.s8 v0;
	v0 =	vimm.f32 $-1.000000000e+09;
	v5 =	vunpack.c.l.s4.s8 v5  }
0x10: {  	v3 =	vunpack.c.l.s4.s8 v3;
	v6 =	vunpack.c.l.s4.s8 v6;
	v7 =	vunpack.c.l.s4.s8 v7  }
0x11: {  	v8 =	vunpack.c.l.s2.s4 v8;
	v9 =	vunpack.c.l.s4.s8 v9;
	v5 =	vunpack.c.0.s8.s32 v5  }
0x12: {  	v10 =	vunpack.c.l.s4.s8 v10;
	v14 =	vunpack.c.l.s4.s8 v14;
	v6 =	vunpack.c.0.s8.s32 v6  }
0x13: {  	v7 =	vunpack.c.0.s8.s32 v7;
	v8 =	vunpack.c.l.s4.s8 v8;
	v5 =	vand.u32 $0xF, v5  }
0x14: {  	v15 =	vunpack.c.l.s4.s8 v15;
	v5 =	vcombine.low v6, v5;
	v6 =	vunpack.c.0.s8.s32 v9  }
0x15: {  	v7 =	vand.u32 $0xF, v7;
	v8 =	vunpack.c.0.s8.s32 v8;
	v9 =	vimm.s32 $0x7060504  }
0x16: {  	v6 =	vcombine.low v6, v7;
	v7 =	vunpack.c.0.s8.s32 v9;
	v9 =	vimm.s32 $0xEFCDAB89  }
0x17: {  	v4 =	vunpack.c.0.s8.s32 v2;
	v2 =	vimm.s32 $0x0;
	v9 =	vunpack.c.l.s4.s8 v9  }
0x18: {  	v3 =	vunpack.c.0.s8.s32 v3;
	v10 =	vunpack.c.0.s8.s32 v10;
	v8 =	vand.u32 $0x3, v8  }
0x19: {  	s1 =	srdreg.scid;
	s2 =	stileid.u32;
	s8 =	simm.s32 $0x1;
	v7 =	vsel vm2, v7, v8;
	v8 =	vimm.s32 $0xDCFE98BA;
	v11 =	vunpack.c.0.s8.s32 v9  }
0x1a: {  	s9 =	simm.s32 $0x1E80;
	s10 =	simm.s32 $0x3D00;
	s11 =	simm.s32 $0x5B80;
	v14 =	vunpack.c.0.s8.s32 v14;
	v15 =	vunpack.c.0.s8.s32 v15;
	v12 =	vunpack.c.l.s4.s8 v8  }
0x1b: {  	s12 =	simm.s32 $0x7A00;
	s13 =	simm.s32 $0x9880;
	s14 =	simm.s32 $0xD9D0;
	v4 =	vand.u32 $0xF, v4;
	v13 =	vcombine.low v10, v11;
	v10 =	vimm.s32 $0x54761032  }
0x1c: {  	s15 =	simm.s32 $0xCB00;
	s16 =	simm.s32 $0xB700;
	s17 =	simm.s32 $0xBB00;
	v11 =	vunpack.c.0.s8.s32 v12;
	v12 =	vimm.s32 $0xBA98FEDC;
	v10 =	vunpack.c.l.s4.s8 v10  }
0x1d: {  	s18 =	simm.s32 $0xBF00;
	s19 =	simm.s32 $0xC300;
	s20 =	simm.s32 $0xC700;
	v19 =	vand.u32 $0xF, v15;
	v3 =	vcombine.low v3, v4;
	v12 =	vunpack.c.l.s4.s8 v12  }
0x1e: {  	s21 =	simm.s32 $0xD300;
	s1 =	sand.u32 $0x1, s1;
	s3 =	sshll.u32 s2, $0x1;
	v4 =	vlaneseq.u32;
	v16 =	vunpack.c.0.s8.s32 v10;
	v10 =	vimm.s32 $0x76543210  }
0x1f: {  	s22 =	simm.s32 $0xD9C0;
	s5 =	sor.u32 s1, s3;
	s1 =	ssub.s32 $0x2, s1;
	vm2 =	vmmov $0xff;
	v12 =	vunpack.c.0.s8.s32 v12;
	v17 =	vunpack.c.l.s4.s8 v10  }
0x20: {  	s23 =	simm.s32 $0xD380;
	s6 =	smul.u32 $0xC8, s5;
	s7 =	sshrl.u32 s1, $0x1;
	v8 =	vimm.s32 $0xF;
	v9 =	vimm.s32 $0x1;
	v13 =	vand.u32 $0xF, v13  }
0x21: {  	s24 =	simm.s32 $0x0;
	s3 =	sadd.s32 $0xA00, s4;
	s31 =	ssub.s32 s1, s7;
	v16 =	vcombine.low v16, v11;
	v18 =	vcombine.low v14, v12;
	v17 =	vunpack.c.0.s8.s32 v17  }
0x22: {  	s6 =	sadd.s32 s6, s4;
	s4 =	smul.u32 $0x22500, s5;
	s5 =	sshll.u32 s5, $0x4;
	v10 =	vimm.s32 $0x2;
	v11 =	vimm.s32 $0x3;
	v12 =	vimm.s32 $0x4  }
0x23: {  	s7 =	smax.u32 s31, $0x1;
	s5 =	sadd.s32 s0, s5;
	s6 =	sadd.s32 $0x23000, s6;
	v14 =	vand.u32 $0xF, v16;
	v15 =	vand.u32 $0xF, v18;
	v16 =	vcombine.low v19, v17  }
.LBB2_2:
0x24: {  	s0 =	simm.s32 $0x0  }
0x25: {  	[tilespmem:s0+$0xC700] =	vst v1  }
0x26: {  	[tilespmem:s0+$0xCB00] =	vst v0  }
0x27: {  	[tilespmem:s0+$0xB700] =	vst v1  }
0x28: {  	[tilespmem:s0+$0xBB00] =	vst v1  }
0x29: {  	s25 =	simm.s32 $0x0;
	s1 =	simm.s32 $0x40;
	[tilespmem:s0+$0xBF00] =	vst v1  }
.LBB2_3:
0x2a: {  	p0 =	sne.s32 s1, $0xFC0;
	[tilespmem:s0+$0xC300] =	vst v1;
	s0 =	sshra.s32 s1, $0x2;
	s1 =	sadd.s32 $0x40, s1  }
.Ltmp1:
0x2b: {  	[tilespmem:s0+$0xC700] =	vst v1;
	(pc) =	sbr.rel @p0 .LBB2_3-.Ltmp1, $4  }
0x2c: {  	[tilespmem:s0+$0xCB00] =	vst v0  }
0x2d: {  	[tilespmem:s0+$0xB700] =	vst v1  }
0x2e: {  	[tilespmem:s0+$0xBB00] =	vst v1  }
0x2f: {  	[tilespmem:s0+$0xBF00] =	vst v1  }
0x30: {  	[tilespmem:s0+$0xC300] =	vst v1;
	v17 =	vimm.s32 $0x0  }
.LBB2_5:
0x31: {  	s0 =	smul.u32 $0x1E80, s25;
	_ =	sdelay $0x1  }
0x32: {  	s0 =	sadd.s32 s4, s0  }
0x33: {  	s0 =	sshrl.u32 s0, $0x3  }
0x34: {  	s26 =	simm.s32 $0x0;
	s0 =	sadd.s32 s3, s0  }
0x35: {  	[tilespmem:s26], [sflag:$0x1] =	stream.linear.gather [hbm4b:s0+s26], $0x1E80, $0x38;
	[tilespmem:$0xD9E0] =	vst v63  }
0x36: {  	_ =	swait.ge [sflag:s8], $0x1E80  }
0x37: {  	[sflag:s8] =	ssyncset.done $0x0  }
0x38: {  	s1 =	sadd.s32 $0xB70, s0;
	[sflag:s8] =	ssyncadd.s32 $0xFFFFE180  }
0x39: {  	[tilespmem:s9], [sflag:$0x1] =	stream.linear.gather [hbm4b:s1+s26], $0x1E80, $0x38;
	[tilespmem:$0xD9E0] =	vst v63  }
0x3a: {  	_ =	swait.ge [sflag:s8], $0x1E80  }
0x3b: {  	[sflag:s8] =	ssyncset.done $0x0  }
0x3c: {  	s29 =	sadd.s32 $0x16E0, s0;
	[sflag:s8] =	ssyncadd.s32 $0xFFFFE180  }
0x3d: {  	[tilespmem:s10], [sflag:$0x1] =	stream.linear.gather [hbm4b:s29+s26], $0x1E80, $0x38;
	[tilespmem:$0xD9E0] =	vst v63  }
0x3e: {  	_ =	swait.ge [sflag:s8], $0x1E80  }
0x3f: {  	[sflag:s8] =	ssyncset.done $0x0  }
0x40: {  	s30 =	sadd.s32 $0x2250, s0;
	[sflag:s8] =	ssyncadd.s32 $0xFFFFE180  }
0x41: {  	[tilespmem:s11], [sflag:$0x1] =	stream.linear.gather [hbm4b:s30+s26], $0x1E80, $0x38;
	[tilespmem:$0xD9E0] =	vst v63  }
0x42: {  	_ =	swait.ge [sflag:s8], $0x1E80  }
0x43: {  	[sflag:s8] =	ssyncset.done $0x0  }
0x44: {  	s31 =	sadd.s32 $0x2DC0, s0;
	[sflag:s8] =	ssyncadd.s32 $0xFFFFE180  }
0x45: {  	[tilespmem:s12], [sflag:$0x1] =	stream.linear.gather [hbm4b:s31+s26], $0x1E80, $0x38;
	[tilespmem:$0xD9E0] =	vst v63  }
0x46: {  	_ =	swait.ge [sflag:s8], $0x1E80  }
0x47: {  	[sflag:s8] =	ssyncset.done $0x0  }
0x48: {  	s0 =	sadd.s32 $0x3930, s0;
	[sflag:s8] =	ssyncadd.s32 $0xFFFFE180  }
0x49: {  	[tilespmem:s13], [sflag:$0x1] =	stream.linear.gather [hbm4b:s0+s26], $0x1E80, $0x38;
	[tilespmem:$0xD9E0] =	vst v63  }
0x4a: {  	_ =	swait.ge [sflag:s8], $0x1E80  }
0x4b: {  	[sflag:s8] =	ssyncset.done $0x0  }
0x4c: {  	[sflag:s8] =	ssyncadd.s32 $0xFFFFE180  }
.LBB2_6:
0x4d: {  	s28 =	sshra.s32 s26, $0x2  }
0x4e: {  	v18 =	vld [tilespmem:s28+$0x9880];
	_ =	sdelay $0x4  }
0x4f: {  	vm10 =	vgt.f32 v18, $-1.000000000e+08  }
0x50: {  	v19 =	vsel vm10, $0x1, v2  }
0x51: {  	[tilespmem:$0xD9D0] =	vst v19  }
0x52: {  	v20 =	vld.idx.msk [tilespmem:v3+s14+$0x0], $0xffff;
	_ =	sdelay $0x3  }
0x53: {  	vm9 =	veq.s32 v4, $0x0  }
0x54: {  	v20 =	vsel vm9, $0x0, v20  }
0x55: {  	v19 =	vadd.s32 v19, v20  }
0x56: {  	[tilespmem:$0xD9D0] =	vst v19  }
0x57: {  	v47 =	vld.idx.msk [tilespmem:v5+s14+$0x0], $0xffff;
	_ =	sdelay $0x4  }
0x58: {  	v20 =	vsel vm0, $0x0, v47  }
0x59: {  	v19 =	vadd.s32 v19, v20  }
0x5a: {  	[tilespmem:$0xD9D0] =	vst v19  }
0x5b: {  	v48 =	vld.idx.msk [tilespmem:v6+s14+$0x0], $0xffff;
	_ =	sdelay $0x4  }
0x5c: {  	v20 =	vsel vm1, $0x0, v48  }
0x5d: {  	v19 =	vadd.s32 v19, v20  }
0x5e: {  	[tilespmem:$0xD9D0] =	vst v19  }
0x5f: {  	v49 =	vld.idx.msk [tilespmem:v7+s14+$0x0], $0xffff;
	_ =	sdelay $0x4  }
0x60: {  	v20 =	vsel vm2, $0x0, v49  }
0x61: {  	v19 =	vadd.s32 v19, v20  }
0x62: {  	v20 =	vadd.s32 v19, v17  }
0x63: {  	v20 =	vadd.s32 $0xFFFFFFFF, v20  }
0x64: {  	vm11 =	vgt.s32 v20, $0x0  }
0x65: {  	v20 =	vnsel vm11, $0x0, v20;
	_ =	sdelay $0x4  }
0x66: {  	[tilespmem:v20+s15+$0x0] =	vst.idx.msk vm10, v18  }
0x67: {  	v18 =	vld [tilespmem:s28+$0x0];
	_ =	sdelay $0x4  }
0x68: {  	[tilespmem:v20+s16+$0x0] =	vst.idx.msk vm10, v18  }
0x69: {  	v18 =	vld [tilespmem:s28+$0x1E80];
	_ =	sdelay $0x4  }
0x6a: {  	[tilespmem:v20+s17+$0x0] =	vst.idx.msk vm10, v18  }
0x6b: {  	v18 =	vld [tilespmem:s28+$0x3D00];
	_ =	sdelay $0x4  }
0x6c: {  	[tilespmem:v20+s18+$0x0] =	vst.idx.msk vm10, v18  }
0x6d: {  	v18 =	vld [tilespmem:s28+$0x5B80];
	_ =	sdelay $0x4  }
0x6e: {  	[tilespmem:v20+s19+$0x0] =	vst.idx.msk vm10, v18  }
0x6f: {  	v18 =	vld [tilespmem:s28+$0x7A00];
	_ =	sdelay $0x4  }
0x70: {  	[tilespmem:v20+s20+$0x0] =	vst.idx.msk vm10, v18  }
0x71: {  	[tilespmem:$0xD9D0] =	vst v19  }
0x72: {  	v18 =	vld [tilespmem:s28+$0x9890];
	_ =	sdelay $0x4  }
0x73: {  	vm10 =	vgt.f32 v18, $-1.000000000e+08  }
0x74: {  	v50 =	vsel vm10, $0x1, v2  }
0x75: {  	v19 =	vld.idx.msk [tilespmem:v8+s14+$0x0], $0xffff;
	[tilespmem:$0xD9D0] =	vst v50  }
0x76: {  	v21 =	vld.idx.msk [tilespmem:v3+s14+$0x0], $0xffff;
	_ =	sdelay $0x4  }
0x77: {  	v21 =	vsel vm9, $0x0, v21  }
0x78: {  	v20 =	vadd.s32 v50, v21  }
0x79: {  	[tilespmem:$0xD9D0] =	vst v20  }
0x7a: {  	v51 =	vld.idx.msk [tilespmem:v5+s14+$0x0], $0xffff;
	_ =	sdelay $0x4  }
0x7b: {  	v21 =	vsel vm0, $0x0, v51  }
0x7c: {  	v20 =	vadd.s32 v20, v21  }
0x7d: {  	[tilespmem:$0xD9D0] =	vst v20  }
0x7e: {  	v52 =	vld.idx.msk [tilespmem:v6+s14+$0x0], $0xffff;
	_ =	sdelay $0x4  }
0x7f: {  	v21 =	vsel vm1, $0x0, v52  }
0x80: {  	v20 =	vadd.s32 v20, v21  }
0x81: {  	[tilespmem:$0xD9D0] =	vst v20  }
0x82: {  	v53 =	vld.idx.msk [tilespmem:v7+s14+$0x0], $0xffff;
	_ =	sdelay $0x4  }
0x83: {  	v21 =	vsel vm2, $0x0, v53  }
0x84: {  	v17 =	vadd.s32 v17, v19;
	v19 =	vadd.s32 v20, v21  }
0x85: {  	v20 =	vadd.s32 v19, v17  }
0x86: {  	v20 =	vadd.s32 $0xFFFFFFFF, v20  }
0x87: {  	vm11 =	vgt.s32 v20, $0x0  }
0x88: {  	v20 =	vnsel vm11, $0x0, v20;
	_ =	sdelay $0x4  }
0x89: {  	[tilespmem:v20+s15+$0x0] =	vst.idx.msk vm10, v18  }
0x8a: {  	v18 =	vld [tilespmem:s28+$0x10];
	_ =	sdelay $0x4  }
0x8b: {  	[tilespmem:v20+s16+$0x0] =	vst.idx.msk vm10, v18  }
0x8c: {  	v18 =	vld [tilespmem:s28+$0x1E90];
	_ =	sdelay $0x4  }
0x8d: {  	[tilespmem:v20+s17+$0x0] =	vst.idx.msk vm10, v18  }
0x8e: {  	v18 =	vld [tilespmem:s28+$0x3D10];
	_ =	sdelay $0x4  }
0x8f: {  	[tilespmem:v20+s18+$0x0] =	vst.idx.msk vm10, v18  }
0x90: {  	v18 =	vld [tilespmem:s28+$0x5B90];
	_ =	sdelay $0x4  }
0x91: {  	[tilespmem:v20+s19+$0x0] =	vst.idx.msk vm10, v18  }
0x92: {  	v18 =	vld [tilespmem:s28+$0x7A10];
	_ =	sdelay $0x4  }
0x93: {  	[tilespmem:v20+s20+$0x0] =	vst.idx.msk vm10, v18  }
0x94: {  	[tilespmem:$0xD9D0] =	vst v19  }
0x95: {  	v18 =	vld [tilespmem:s28+$0x98A0];
	_ =	sdelay $0x4  }
0x96: {  	vm10 =	vgt.f32 v18, $-1.000000000e+08  }
0x97: {  	v54 =	vsel vm10, $0x1, v2  }
0x98: {  	v19 =	vld.idx.msk [tilespmem:v8+s14+$0x0], $0xffff;
	[tilespmem:$0xD9D0] =	vst v54  }
0x99: {  	v55 =	vld.idx.msk [tilespmem:v3+s14+$0x0], $0xffff;
	_ =	sdelay $0x4  }
0x9a: {  	v21 =	vsel vm9, $0x0, v55  }
0x9b: {  	v20 =	vadd.s32 v54, v21  }
0x9c: {  	[tilespmem:$0xD9D0] =	vst v20  }
0x9d: {  	v56 =	vld.idx.msk [tilespmem:v5+s14+$0x0], $0xffff;
	_ =	sdelay $0x4  }
0x9e: {  	v21 =	vsel vm0, $0x0, v56  }
0x9f: {  	v20 =	vadd.s32 v20, v21  }
0xa0: {  	[tilespmem:$0xD9D0] =	vst v20  }
0xa1: {  	v57 =	vld.idx.msk [tilespmem:v6+s14+$0x0], $0xffff;
	_ =	sdelay $0x4  }
0xa2: {  	v21 =	vsel vm1, $0x0, v57  }
0xa3: {  	v20 =	vadd.s32 v20, v21  }
0xa4: {  	[tilespmem:$0xD9D0] =	vst v20  }
0xa5: {  	v58 =	vld.idx.msk [tilespmem:v7+s14+$0x0], $0xffff;
	_ =	sdelay $0x4  }
0xa6: {  	v21 =	vsel vm2, $0x0, v58  }
0xa7: {  	v17 =	vadd.s32 v17, v19;
	v19 =	vadd.s32 v20, v21  }
0xa8: {  	v20 =	vadd.s32 v19, v17  }
0xa9: {  	v20 =	vadd.s32 $0xFFFFFFFF, v20  }
0xaa: {  	vm11 =	vgt.s32 v20, $0x0  }
0xab: {  	v20 =	vnsel vm11, $0x0, v20;
	_ =	sdelay $0x4  }
0xac: {  	[tilespmem:v20+s15+$0x0] =	vst.idx.msk vm10, v18  }
0xad: {  	v18 =	vld [tilespmem:s28+$0x20];
	_ =	sdelay $0x4  }
0xae: {  	[tilespmem:v20+s16+$0x0] =	vst.idx.msk vm10, v18  }
0xaf: {  	v18 =	vld [tilespmem:s28+$0x1EA0];
	_ =	sdelay $0x4  }
0xb0: {  	[tilespmem:v20+s17+$0x0] =	vst.idx.msk vm10, v18  }
0xb1: {  	v18 =	vld [tilespmem:s28+$0x3D20];
	_ =	sdelay $0x4  }
0xb2: {  	[tilespmem:v20+s18+$0x0] =	vst.idx.msk vm10, v18  }
0xb3: {  	v18 =	vld [tilespmem:s28+$0x5BA0];
	_ =	sdelay $0x4  }
0xb4: {  	[tilespmem:v20+s19+$0x0] =	vst.idx.msk vm10, v18  }
0xb5: {  	v18 =	vld [tilespmem:s28+$0x7A20];
	_ =	sdelay $0x4  }
0xb6: {  	[tilespmem:v20+s20+$0x0] =	vst.idx.msk vm10, v18  }
0xb7: {  	[tilespmem:$0xD9D0] =	vst v19  }
0xb8: {  	v18 =	vld [tilespmem:s28+$0x98B0];
	_ =	sdelay $0x4  }
0xb9: {  	vm10 =	vgt.f32 v18, $-1.000000000e+08  }
0xba: {  	v59 =	vsel vm10, $0x1, v2  }
0xbb: {  	v19 =	vld.idx.msk [tilespmem:v8+s14+$0x0], $0xffff;
	[tilespmem:$0xD9D0] =	vst v59  }
0xbc: {  	v60 =	vld.idx.msk [tilespmem:v3+s14+$0x0], $0xffff;
	_ =	sdelay $0x4  }
0xbd: {  	v21 =	vsel vm9, $0x0, v60  }
0xbe: {  	v20 =	vadd.s32 v59, v21  }
0xbf: {  	[tilespmem:$0xD9D0] =	vst v20  }
0xc0: {  	v61 =	vld.idx.msk [tilespmem:v5+s14+$0x0], $0xffff;
	_ =	sdelay $0x4  }
0xc1: {  	v21 =	vsel vm0, $0x0, v61  }
0xc2: {  	v20 =	vadd.s32 v20, v21  }
0xc3: {  	[tilespmem:$0xD9D0] =	vst v20  }
0xc4: {  	v62 =	vld.idx.msk [tilespmem:v6+s14+$0x0], $0xffff;
	_ =	sdelay $0x4  }
0xc5: {  	v21 =	vsel vm1, $0x0, v62  }
0xc6: {  	v20 =	vadd.s32 v20, v21  }
0xc7: {  	[tilespmem:$0xD9D0] =	vst v20  }
0xc8: {  	v63 =	vld.idx.msk [tilespmem:v7+s14+$0x0], $0xffff;
	_ =	sdelay $0x4  }
0xc9: {  	v21 =	vsel vm2, $0x0, v63  }
0xca: {  	v17 =	vadd.s32 v17, v19;
	v19 =	vadd.s32 v20, v21  }
0xcb: {  	v20 =	vadd.s32 v19, v17  }
0xcc: {  	v20 =	vadd.s32 $0xFFFFFFFF, v20  }
0xcd: {  	vm9 =	vgt.s32 v20, $0x0  }
0xce: {  	v20 =	vnsel vm9, $0x0, v20;
	_ =	sdelay $0x4  }
0xcf: {  	[tilespmem:v20+s15+$0x0] =	vst.idx.msk vm10, v18  }
0xd0: {  	v18 =	vld [tilespmem:s28+$0x30];
	_ =	sdelay $0x4  }
0xd1: {  	[tilespmem:v20+s16+$0x0] =	vst.idx.msk vm10, v18  }
0xd2: {  	v18 =	vld [tilespmem:s28+$0x1EB0];
	_ =	sdelay $0x4  }
0xd3: {  	[tilespmem:v20+s17+$0x0] =	vst.idx.msk vm10, v18  }
0xd4: {  	v18 =	vld [tilespmem:s28+$0x3D30];
	_ =	sdelay $0x4  }
0xd5: {  	[tilespmem:v20+s18+$0x0] =	vst.idx.msk vm10, v18  }
0xd6: {  	v18 =	vld [tilespmem:s28+$0x5BB0];
	_ =	sdelay $0x4  }
0xd7: {  	[tilespmem:v20+s19+$0x0] =	vst.idx.msk vm10, v18  }
0xd8: {  	v18 =	vld [tilespmem:s28+$0x7A30];
	_ =	sdelay $0x4  }
0xd9: {  	[tilespmem:v20+s20+$0x0] =	vst.idx.msk vm10, v18  }
0xda: {  	[tilespmem:$0xD9D0] =	vst v19  }
0xdb: {  	p0 =	sne.s32 s26, $0x7900;
	v18 =	vld.idx.msk [tilespmem:v8+s14+$0x0], $0xffff  }
.Ltmp2:
0xdc: {  	_ = 	snop;
	(pc) =	sbr.rel @p0 .LBB2_6-.Ltmp2, $2  }
0xdd: {  	_ =	sdelay $0x2  }
0xde: {  	s26 =	sadd.s32 $0x100, s26;
	v17 =	vadd.s32 v17, v18  }
0xdf: {  	s25 =	sadd.s32 $0x1, s25  }
0xe0: {  	p0 =	sne.s32 s25, $0x3  }
.Ltmp3:
0xe1: {  	_ = 	snop;
	(pc) =	sbr.rel @p0 .LBB2_5-.Ltmp3, $1  }
0xe2: {  	_ =	sdelay $0x3  }
0xe3: {  	s0 =	simm.s32 $0x0  }
0xe4: {  	v19 =	vld [tilespmem:s0+$0xBF00]  }
0xe5: {  	v20 =	vld [tilespmem:s0+$0xB700]  }
0xe6: {  	v21 =	vld [tilespmem:s0+$0xC300]  }
0xe7: {  	v22 =	vld [tilespmem:s0+$0xBB00];
	_ =	sdelay $0x1  }
0xe8: {  	s25 =	simm.s32 $0x10  }
0xe9: {  	v17 =	vld [tilespmem:s25+$0xBF00]  }
0xea: {  	v18 =	vld [tilespmem:s25+$0xB700]  }
0xeb: {  	v23 =	vsub.f32 v19, v20;
	v22 =	vsub.f32 v21, v22;
	v19 =	vld [tilespmem:s25+$0xC300]  }
0xec: {  	v20 =	vld [tilespmem:s25+$0xBB00]  }
0xed: {  	s26 =	simm.s32 $0x80;
	v21 =	vmax.f32 v23, $0.0e+00;
	v22 =	vmax.f32 v22, $0.0e+00  }
.LBB2_9:
0xee: {  	s1 =	sshra.s32 s26, $0x2;
	v21 =	vmul.f32 v22, v21;
	v22 =	vmov v17;
	p0 =	sne.s32 s26, $0xFC0  }
.Ltmp4:
0xef: {  	v17 =	vld [tilespmem:s1+$0xBF00];
	v23 =	vmov v18;
	(pc) =	sbr.rel @p0 .LBB2_9-.Ltmp4, $4  }
0xf0: {  	v18 =	vld [tilespmem:s1+$0xB700];
	[tilespmem:s0+$0xCF00] =	vst v21;
	s0 =	smov.u32 s25;
	s25 =	smov.u32 s1  }
0xf1: {  	s26 =	sadd.s32 $0x40, s26;
	v21 =	vsub.f32 v22, v23;
	v22 =	vsub.f32 v19, v20;
	v19 =	vld [tilespmem:s25+$0xC300]  }
0xf2: {  	v20 =	vld [tilespmem:s25+$0xBB00]  }
0xf3: {  	v21 =	vmax.f32 v21, $0.0e+00;
	v22 =	vmax.f32 v22, $0.0e+00  }
0xf4: {  	_ =	sdelay $0x2  }
0xf5: {  	v17 =	vsub.f32 v17, v18;
	v18 =	vsub.f32 v19, v20;
	_ =	sdelay $0x1  }
0xf6: {  	v19 =	vmul.f32 v22, v21;
	v17 =	vmax.f32 v17, $0.0e+00;
	v18 =	vmax.f32 v18, $0.0e+00  }
0xf7: {  	v17 =	vmul.f32 v18, v17  }
0xf8: {  	[tilespmem:s0+$0xCF00] =	vst v19  }
0xf9: {  	[tilespmem:s25+$0xCF00] =	vst v17;
	s25 =	simm.s32 $0x0  }
0xfa: {  	[tilespmem:s21], [sflag:$0x1] =	stream.linear.gather [hbm4b:s5+s25], $0x80, $0x38;
	[tilespmem:$0xD9E0] =	vst v63  }
0xfb: {  	_ =	swait.ge [sflag:s8], $0x80  }
0xfc: {  	[sflag:s8] =	ssyncset.done $0x0  }
0xfd: {  	[sflag:s8] =	ssyncadd.s32 $0xFFFFFF80  }
0xfe: {  	v17 =	vld.msk [tilespmem:s21+$0x0], $0xffff  }
0xff: {  	v18 =	vld.idx.msk [tilespmem:v9+s21+$0x0], $0xffff  }
0x100: {  	v19 =	vld.idx.msk [tilespmem:v10+s21+$0x0], $0xffff  }
0x101: {  	v20 =	vld.idx.msk [tilespmem:v11+s21+$0x0], $0xffff  }
0x102: {  	s1 =	simm.s32 $0x0;
	v21 =	vld.idx.msk [tilespmem:v12+s21+$0x0], $0xffff  }
0x103: {  	v22 =	vimm.f32 $-1.000000000e+09;
	s0 =	simm.s32 $0x40;
	v23 =	vld [tilespmem:s1+$0xCB00]  }
.LBB2_11:
0x104: {  	p0 =	sne.s32 s0, $0xFC0  }
.Ltmp5:
0x105: {  	_ = 	snop;
	(pc) =	sbr.rel @p0 .LBB2_11-.Ltmp5, $3  }
0x106: {  	_ =	sdelay $0x1  }
0x107: {  	s1 =	sshra.s32 s0, $0x2;
	s0 =	sadd.s32 $0x40, s0;
	v22 =	vmax.f32 v22, v23  }
0x108: {  	v23 =	vld [tilespmem:s1+$0xCB00]  }
0x109: {  	_ =	sdelay $0x3  }
0x10a: {  	v22 =	vmax.f32 v22, v23  }
.LBB2_13:
0x10b: {  	_ =	sdelay $0x2  }
0x10c: {  	[tilespmem:$0xD9C0] =	vst v22  }
0x10d: {  	v23 =	vld.idx.msk [tilespmem:v13+s22+$0x0], $0xffff;
	_ =	sdelay $0x4  }
0x10e: {  	v22 =	vmax.f32 v22, v23  }
0x10f: {  	[tilespmem:$0xD9C0] =	vst v22  }
0x110: {  	v23 =	vld.idx.msk [tilespmem:v14+s22+$0x0], $0xffff;
	_ =	sdelay $0x4  }
0x111: {  	v22 =	vmax.f32 v22, v23  }
0x112: {  	[tilespmem:$0xD9C0] =	vst v22  }
0x113: {  	v23 =	vld.idx.msk [tilespmem:v15+s22+$0x0], $0xffff;
	_ =	sdelay $0x4  }
0x114: {  	v22 =	vmax.f32 v22, v23  }
0x115: {  	[tilespmem:$0xD9C0] =	vst v22  }
0x116: {  	s0 =	simm.s32 $0xCB20;
	v23 =	vld.idx.msk [tilespmem:v16+s22+$0x0], $0xffff  }
0x117: {  	v24 =	vld [tilespmem:s0+$0xFFFFFFE0];
	_ =	sdelay $0x2  }
0x118: {  	v25 =	vld [tilespmem:s0+$0xFFFFFFF0]  }
0x119: {  	v27 =	vmax.f32 v22, v23  }
0x11a: {  	s28 =	simm.s32 $0x0;
	vm9 =	veq.f32 v24, v27;
	v24 =	vld [tilespmem:s0+$0x0]  }
0x11b: {  	v22 =	vor.u32 s28, v4  }
0x11c: {  	v26 =	vimm.s32 $0x400;
	s1 =	simm.s32 $0x10;
	v28 =	vnsel vm9, $0x400, v22;
	v22 =	vld [tilespmem:s0+$0x10]  }
0x11d: {  	s26 =	simm.s32 $0xCB60;
	v29 =	vor.u32 s1, v4;
	vm10 =	veq.f32 v25, v27;
	vm9 =	vlt.s32 v26, v28  }
0x11e: {  	s29 =	simm.s32 $0x80;
	s1 =	simm.s32 $0x20;
	v23 =	vld [tilespmem:s26+$0xFFFFFFE0];
	s0 =	simm.s32 $0x40;
	v25 =	vsel vm9, v26, v28;
	v26 =	vnsel vm10, $0x400, v29  }
.LBB2_14:
0x11f: {  	p0 =	sne.s32 s29, $0x3C0;
	vm9 =	vlt.s32 v25, v26;
	vm10 =	veq.f32 v24, v27;
	v24 =	vor.u32 s1, v4  }
0x120: {  	s1 =	sadd.s32 $0x30, s28;
	s28 =	smov.u32 s0;
	s0 =	smov.u32 s29;
	v28 =	vld [tilespmem:s26+$0xFFFFFFF0];
	v25 =	vsel vm9, v25, v26;
	v26 =	vnsel vm10, $0x400, v24  }
0x121: {  	vm9 =	vlt.s32 v25, v26;
	vm10 =	veq.f32 v22, v27;
	v22 =	vor.u32 s1, v4  }
.Ltmp6:
0x122: {  	v24 =	vld [tilespmem:s26+$0x0];
	v25 =	vsel vm9, v25, v26;
	v26 =	vnsel vm10, $0x400, v22;
	(pc) =	sbr.rel @p0 .LBB2_14-.Ltmp6, $4  }
0x123: {  	v22 =	vor.u32 s28, v4;
	vm9 =	veq.f32 v23, v27;
	vm10 =	vlt.s32 v25, v26  }
0x124: {  	s1 =	sadd.s32 $0x10, s28;
	v29 =	vnsel vm9, $0x400, v22;
	v22 =	vld [tilespmem:s26+$0x10];
	v25 =	vsel vm10, v25, v26  }
0x125: {  	v26 =	vor.u32 s1, v4;
	s26 =	sadd.s32 $0x40, s26;
	vm9 =	vlt.s32 v25, v29;
	vm10 =	veq.f32 v28, v27  }
0x126: {  	s29 =	sadd.s32 $0x40, s29;
	s1 =	sadd.s32 $0x20, s28;
	v23 =	vld [tilespmem:s26+$0xFFFFFFE0];
	v25 =	vsel vm9, v25, v29;
	v26 =	vnsel vm10, $0x400, v26  }
0x127: {  	vm9 =	vlt.s32 v25, v26;
	vm10 =	veq.f32 v24, v27;
	v24 =	vor.u32 s1, v4  }
0x128: {  	v28 =	vld [tilespmem:s26+$0xFFFFFFF0];
	s2 =	sadd.s32 $0x30, s28;
	v25 =	vsel vm9, v25, v26;
	v24 =	vnsel vm10, $0x400, v24  }
0x129: {  	vm9 =	vlt.s32 v25, v24;
	vm10 =	veq.f32 v22, v27;
	v22 =	vor.u32 s2, v4  }
0x12a: {  	v26 =	vld [tilespmem:s26+$0x0];
	v24 =	vsel vm9, v25, v24;
	v22 =	vnsel vm10, $0x400, v22  }
0x12b: {  	vm9 =	veq.f32 v23, v27;
	v23 =	vor.u32 s0, v4;
	vm10 =	vlt.s32 v24, v22  }
0x12c: {  	s2 =	sadd.s32 $0x10, s0;
	v25 =	vld [tilespmem:s26+$0x10];
	v23 =	vnsel vm9, $0x400, v23;
	v22 =	vsel vm10, v24, v22  }
0x12d: {  	vm10 =	veq.f32 v28, v27;
	v24 =	vor.u32 s2, v4;
	vm9 =	vlt.s32 v22, v23  }
0x12e: {  	s26 =	sadd.s32 $0x20, s0;
	v22 =	vsel vm9, v22, v23;
	v23 =	vnsel vm10, $0x400, v24  }
0x12f: {  	vm10 =	veq.f32 v26, v27;
	v24 =	vor.u32 s26, v4;
	vm9 =	vlt.s32 v22, v23  }
0x130: {  	s2 =	sadd.s32 $0x30, s0;
	v22 =	vsel vm9, v22, v23;
	v23 =	vnsel vm10, $0x400, v24  }
0x131: {  	vm10 =	veq.f32 v25, v27;
	v24 =	vor.u32 s2, v4;
	vm9 =	vlt.s32 v22, v23  }
0x132: {  	v22 =	vsel vm9, v22, v23;
	v23 =	vnsel vm10, $0x400, v24  }
0x133: {  	vm9 =	vlt.s32 v22, v23  }
0x134: {  	v22 =	vsel vm9, v22, v23  }
0x135: {  	[tilespmem:$0xD9D0] =	vst v22  }
0x136: {  	v23 =	vld.idx.msk [tilespmem:v13+s14+$0x0], $0xffff;
	_ =	sdelay $0x4  }
0x137: {  	vm9 =	vlt.s32 v22, v23  }
0x138: {  	v22 =	vsel vm9, v22, v23  }
0x139: {  	[tilespmem:$0xD9D0] =	vst v22  }
0x13a: {  	v23 =	vld.idx.msk [tilespmem:v14+s14+$0x0], $0xffff;
	_ =	sdelay $0x4  }
0x13b: {  	vm9 =	vlt.s32 v22, v23  }
0x13c: {  	v22 =	vsel vm9, v22, v23  }
0x13d: {  	[tilespmem:$0xD9D0] =	vst v22  }
0x13e: {  	v23 =	vld.idx.msk [tilespmem:v15+s14+$0x0], $0xffff;
	_ =	sdelay $0x4  }
0x13f: {  	vm9 =	vlt.s32 v22, v23  }
0x140: {  	v22 =	vsel vm9, v22, v23  }
0x141: {  	[tilespmem:$0xD9D0] =	vst v22  }
0x142: {  	v23 =	vld.idx.msk [tilespmem:v16+s14+$0x0], $0xffff;
	_ =	sdelay $0x4  }
0x143: {  	vm9 =	vlt.s32 v22, v23  }
0x144: {  	v22 =	vsel vm9, v22, v23;
	_ =	sdelay $0x4  }
0x145: {  	v28 =	vld.idx.msk [tilespmem:v22+s20+$0x0], $0xffff;
	_ =	sdelay $0x1  }
0x146: {  	v24 =	vld.idx.msk [tilespmem:v22+s19+$0x0], $0xffff  }
0x147: {  	v23 =	vld.idx.msk [tilespmem:v22+s18+$0x0], $0xffff  }
0x148: {  	vm9 =	vle.f32 v27, $-1.000000000e+08;
	v26 =	vld.idx.msk [tilespmem:v22+s17+$0x0], $0xffff  }
0x149: {  	v25 =	vld.idx.msk [tilespmem:v22+s16+$0x0], $0xffff;
	v28 =	vsel vm9, v21, v28  }
0x14a: {  	v27 =	vsel vm9, $0x0, v27;
	v28 =	vsel vm3, $0x0, v28  }
0x14b: {  	v29 =	vsel vm9, v20, v24;
	v27 =	vsel vm4, v28, v27  }
0x14c: {  	v28 =	vsel vm9, v19, v23;
	v27 =	vsel vm5, v27, v29  }
0x14d: {  	v29 =	vsel vm9, v18, v26;
	v27 =	vsel vm6, v27, v28  }
0x14e: {  	s26 =	sshll.u32 s25, $0x4;
	v28 =	vsel vm9, v17, v25;
	v27 =	vsel vm7, v27, v29  }
0x14f: {  	s0 =	sand.u32 $0x3FFFFFF0, s26;
	v27 =	vsel vm8, v28, v27  }
0x150: {  	s26 =	simm.s32 $0x0;
	[tilespmem:s0+$0xD380] =	vst v27  }
0x151: {  	v28 =	vld [tilespmem:s26+$0xCF30]  }
0x152: {  	v29 =	vld [tilespmem:s26+$0xC330]  }
0x153: {  	v30 =	vld [tilespmem:s26+$0xBF30]  }
0x154: {  	v32 =	vld [tilespmem:s26+$0xCF10]  }
0x155: {  	v33 =	vld [tilespmem:s26+$0xB730]  }
0x156: {  	v34 =	vld [tilespmem:s26+$0xCF20]  }
0x157: {  	v35 =	vld [tilespmem:s26+$0xBB30]  }
0x158: {  	v36 =	vld [tilespmem:s26+$0xC320]  }
0x159: {  	v37 =	vld [tilespmem:s26+$0xBF20]  }
0x15a: {  	v38 =	vld [tilespmem:s26+$0xBB20]  }
0x15b: {  	s1 =	simm.s32 $0x20;
	v39 =	vld [tilespmem:s26+$0xB720]  }
0x15c: {  	v42 =	vor.u32 s1, v4;
	s1 =	simm.s32 $0x0;
	s2 =	simm.s32 $0x30;
	v31 =	vsub.f32 v24, v26;
	v27 =	vsub.f32 v23, v25;
	v40 =	vld [tilespmem:s26+$0xCF00]  }
0x15d: {  	v48 =	vor.u32 s1, v4;
	v47 =	vor.u32 s2, v4;
	v41 =	vld [tilespmem:s26+$0xBB10]  }
0x15e: {  	vm10 =	veq.s32 v48, v22;
	v31 =	vmax.f32 v31, $0.0e+00;
	v43 =	vld [tilespmem:s26+$0xB700];
	v27 =	vmax.f32 v27, $0.0e+00  }
0x15f: {  	vm12 =	veq.s32 v47, v22;
	vm13 =	veq.s32 v42, v22;
	v44 =	vld [tilespmem:s26+$0xBF00];
	v27 =	vmul.f32 v31, v27  }
0x160: {  	v45 =	vld [tilespmem:s26+$0xBB00];
	v29 =	vmin.f32 v24, v29;
	v30 =	vmin.f32 v23, v30;
	v33 =	vmax.f32 v25, v33  }
0x161: {  	v46 =	vld [tilespmem:s26+$0xC310];
	v37 =	vmin.f32 v23, v37;
	v36 =	vmin.f32 v24, v36;
	v39 =	vmax.f32 v25, v39  }
0x162: {  	s28 =	simm.s32 $0x40;
	v54 =	vld [tilespmem:s26+$0xC300];
	v38 =	vmax.f32 v26, v38;
	v34 =	vadd.f32 v34, v27;
	v28 =	vadd.f32 v28, v27  }
0x163: {  	v61 =	vld [tilespmem:s28+$0xC330];
	v35 =	vmax.f32 v26, v35;
	v37 =	vsub.f32 v37, v39;
	v36 =	vsub.f32 v36, v38  }
0x164: {  	v63 =	vld [tilespmem:s28+$0xBF30];
	v31 =	vimm.f32 $-1.000000000e+09;
	v30 =	vsub.f32 v30, v33;
	v29 =	vsub.f32 v29, v35  }
0x165: {  	v51 =	vld [tilespmem:s28+$0xB730];
	v49 =	vadd.f32 v32, v27;
	v36 =	vmax.f32 v36, $0.0e+00;
	v37 =	vmax.f32 v37, $0.0e+00  }
0x166: {  	v60 =	vld [tilespmem:s26+$0xB710];
	v30 =	vmax.f32 v30, $0.0e+00;
	v29 =	vmax.f32 v29, $0.0e+00;
	v36 =	vmul.f32 v36, v37  }
0x167: {  	v55 =	vld [tilespmem:s26+$0xBF10];
	v62 =	vmax.f32 v26, v41;
	v56 =	vmax.f32 v26, v45;
	v39 =	vmul.f32 v29, v30  }
0x168: {  	v59 =	vld [tilespmem:s28+$0xBB30];
	v44 =	vmin.f32 v23, v44;
	v46 =	vmin.f32 v24, v46;
	v29 =	vsub.f32 v34, v36  }
0x169: {  	v53 =	vld [tilespmem:s28+$0xC320];
	v52 =	vmin.f32 v24, v61;
	v61 =	vmin.f32 v23, v63;
	v28 =	vsub.f32 v28, v39  }
0x16a: {  	v45 =	vld [tilespmem:s28+$0xCF10];
	v51 =	vmax.f32 v25, v51;
	v33 =	vmin.f32 v24, v54;
	v29 =	vadd.f32 $9.999999710e-10, v29  }
0x16b: {  	v57 =	vsub.f32 v46, v62;
	v46 =	vld [tilespmem:s28+$0xCF20];
	v38 =	vmax.f32 v25, v60;
	v50 =	vadd.f32 $9.999999710e-10, v28  }
0x16c: {  	v35 =	vmin.f32 v23, v55;
	v62 =	vld [tilespmem:s28+$0xBF20];
	v30 =	vmax.f32 v25, v43;
	(erf) = vrcp.f32 v29  }
0x16d: {  	v54 =	vld [tilespmem:s28+$0xBB20];
	v33 =	vsub.f32 v33, v56;
	v58 =	vsub.f32 v44, v30;
	(erf) = vrcp.f32 v50  }
0x16e: {  	v53 =	vmin.f32 v24, v53;
	v55 =	vld [tilespmem:s28+$0xB720];
	v51 =	vsub.f32 v61, v51;
	v60 =	vsub.f32 v35, v38  }
0x16f: {  	v37 =	vadd.f32 v40, v27;
	v40 =	vld [tilespmem:s28+$0xCF30];
	v33 =	vmax.f32 v33, $0.0e+00;
	v34 =	vmax.f32 v58, $0.0e+00  }
0x170: {  	s29 =	simm.s32 $0x40;
	v61 =	vld [tilespmem:s28+$0xBB00];
	v63 =	vmax.f32 v60, $0.0e+00;
	v43 =	vmax.f32 v57, $0.0e+00;
	v34 =	vmul.f32 v33, v34  }
0x171: {  	v30 =	vor.u32 s29, v4;
	v44 =	vmax.f32 v26, v59;
	v35 =	vmul.f32 v43, v63;
	v50 =	vld [tilespmem:s28+$0xCF00]  }
0x172: {  	v57 =	vld [tilespmem:s28+$0xB700];
	v41 =	vmin.f32 v23, v62;
	v44 =	vsub.f32 v52, v44;
	v37 =	vsub.f32 v37, v34  }
0x173: {  	v63 =	vld [tilespmem:s28+$0xC310];
	v55 =	vmax.f32 v25, v55;
	v46 =	vadd.f32 v46, v27;
	v62 =	vsub.f32 v49, v35  }
0x174: {  	s2 =	simm.s32 $0x60;
	v54 =	vmax.f32 v26, v54;
	v38 =	vadd.f32 v40, v27;
	v40 =	vld [tilespmem:s28+$0xBB10];
	v37 =	vadd.f32 $9.999999710e-10, v37  }
0x175: {  	v55 =	vsub.f32 v41, v55;
	v58 =	vld [tilespmem:s28+$0xC300];
	v59 =	vsub.f32 v53, v54;
	v28 =	vor.u32 s2, v4;
	v43 =	vpop (erf)  }
0x176: {  	s2 =	simm.s32 $0x10;
	v48 =	vadd.f32 $9.999999710e-10, v62;
	v32 =	vadd.f32 v50, v27;
	v50 =	vld [tilespmem:s28+$0xBF00];
	v60 =	vpop (erf);
	(erf) = vrcp.f32 v37  }
0x177: {  	v49 =	vmax.f32 v51, $0.0e+00;
	v33 =	vadd.f32 v45, v27;
	v56 =	vor.u32 s2, v4  }
0x178: {  	s1 =	simm.s32 $0x70;
	v45 =	vmax.f32 v25, v57;
	v62 =	vmax.f32 v59, $0.0e+00;
	(erf) = vrcp.f32 v48  }
0x179: {  	v42 =	vld [tilespmem:s28+$0xB710];
	v29 =	vor.u32 s1, v4;
	vm9 =	veq.s32 v56, v22;
	v57 =	vmax.f32 v26, v40  }
0x17a: {  	v47 =	vld [tilespmem:s26+$0xCB30];
	v36 =	vmul.f32 v43, v36;
	v43 =	vmin.f32 v24, v58;
	v39 =	vmul.f32 v60, v39  }
0x17b: {  	v41 =	vld [tilespmem:s26+$0xCB00];
	v60 =	vmax.f32 v26, v61;
	v48 =	vmin.f32 v23, v50;
	v61 =	vmin.f32 v24, v63  }
0x17c: {  	v40 =	vld [tilespmem:s28+$0xBF10];
	v50 =	vmax.f32 v44, $0.0e+00;
	v63 =	vmax.f32 v55, $0.0e+00;
	vm11 =	vgt.f32 v36, $5.000000000e-01  }
0x17d: {  	s31 =	simm.s32 $0x200;
	s30 =	simm.s32 $0x40;
	v37 =	vld [tilespmem:s26+$0xCB20];
	v44 =	vsub.f32 v43, v60;
	v43 =	vsub.f32 v61, v57;
	v36 =	vmul.f32 v62, v63  }
.LBB2_16:
0x17e: {  	s1 =	smov.u32 s31  }
0x17f: {  	s0 =	sshra.s32 s31, $0x2;
	v45 =	vsub.f32 v48, v45;
	v48 =	vmul.f32 v50, v49;
	s29 =	sadd.s32 $0x40, s29;
	v49 =	vld [tilespmem:s26+$0xCB10];
	vm11 =	vmor vm13, vm11;
	v50 =	vpop (erf);
	s1 =	sadd.s32 $0x100, s31  }
0x180: {  	p0 =	sne.s32 s31, $0xF00;
	vm13 =	vgt.f32 v39, $5.000000000e-01;
	s2 =	sadd.s32 $0x20, s29;
	v46 =	vsub.f32 v46, v36;
	v34 =	vmul.f32 v50, v34;
	v51 =	vld [tilespmem:s0+$0xCF30]  }
0x181: {  	vm12 =	vmor vm12, vm13;
	v50 =	vor.u32 s2, v4;
	v38 =	vsub.f32 v38, v48;
	v39 =	vld [tilespmem:s0+$0xC330];
	v52 =	vpop (erf)  }
0x182: {  	v46 =	vadd.f32 $9.999999710e-10, v46;
	vm13 =	vgt.f32 v34, $5.000000000e-01;
	v47 =	vsel vm12, $0xCE6E6B28, v47;
	v53 =	vld [tilespmem:s0+$0xBF30]  }
0x183: {  	s2 =	sadd.s32 $0x30, s29;
	v34 =	vadd.f32 $9.999999710e-10, v38;
	vm10 =	vmor vm10, vm13;
	v35 =	vmul.f32 v52, v35;
	v54 =	vld [tilespmem:s0+$0xCF10];
	[tilespmem:s26+$0xCB30] =	vst v47  }
0x184: {  	v52 =	vor.u32 s2, v4;
	v41 =	vsel vm10, $0xCE6E6B28, v41;
	v38 =	vld [tilespmem:s0+$0xB730];
	(erf) = vrcp.f32 v46  }
0x185: {  	v31 =	vmax.f32 v31, v41;
	vm10 =	vgt.f32 v35, $5.000000000e-01;
	v46 =	vld [tilespmem:s0+$0xCF20];
	(erf) = vrcp.f32 v34;
	[tilespmem:s26+$0xCB00] =	vst v41  }
0x186: {  	v41 =	vor.u32 s29, v4;
	vm9 =	vmor vm9, vm10;
	v35 =	vld [tilespmem:s0+$0xBB30];
	v55 =	vmin.f32 v24, v39  }
0x187: {  	v40 =	vmin.f32 v23, v40;
	v34 =	vmax.f32 v25, v42;
	v42 =	vsel vm9, $0xCE6E6B28, v49;
	v39 =	vld [tilespmem:s0+$0xCF00]  }
0x188: {  	v40 =	vsub.f32 v40, v34;
	v53 =	vmin.f32 v23, v53;
	v31 =	vmax.f32 v31, v42;
	v49 =	vld [tilespmem:s0+$0xC320];
	[tilespmem:s26+$0xCB10] =	vst v42  }
0x189: {  	v34 =	vmax.f32 v45, $0.0e+00;
	v42 =	vld [tilespmem:s0+$0xBF20];
	v56 =	vmax.f32 v25, v38;
	v38 =	vmax.f32 v44, $0.0e+00  }
0x18a: {  	v43 =	vmax.f32 v43, $0.0e+00;
	v40 =	vmax.f32 v40, $0.0e+00;
	v44 =	vld [tilespmem:s0+$0xBB20];
	v34 =	vmul.f32 v38, v34  }
0x18b: {  	s2 =	sadd.s32 $0x10, s30;
	s30 =	smov.u32 s29;
	v38 =	vadd.f32 v51, v27;
	v45 =	vld [tilespmem:s0+$0xB720];
	v57 =	vmax.f32 v26, v35  }
0x18c: {  	v58 =	vor.u32 s2, v4;
	v53 =	vsub.f32 v53, v56;
	v51 =	vld [tilespmem:s0+$0xBB10];
	v56 =	vsub.f32 v32, v34  }
0x18d: {  	vm9 =	veq.s32 v58, v22;
	v35 =	vmul.f32 v43, v40;
	v32 =	vadd.f32 v39, v27;
	v59 =	vld [tilespmem:s0+$0xB700];
	v40 =	vpop (erf)  }
0x18e: {  	vm10 =	veq.s32 v30, v22;
	v43 =	vld [tilespmem:s0+$0xBF00];
	v42 =	vmin.f32 v23, v42;
	v56 =	vadd.f32 $9.999999710e-10, v56;
	v39 =	vpop (erf)  }
0x18f: {  	v30 =	vmovc v41;
	v49 =	vmin.f32 v24, v49;
	v60 =	vsub.f32 v33, v35;
	v33 =	vadd.f32 v54, v27;
	v58 =	vld [tilespmem:s0+$0xBB00]  }
0x190: {  	v44 =	vmax.f32 v26, v44;
	v39 =	vmul.f32 v39, v48;
	v41 =	vld [tilespmem:s0+$0xC310];
	v45 =	vmax.f32 v25, v45  }
0x191: {  	v54 =	vsub.f32 v42, v45;
	v42 =	vadd.f32 $9.999999710e-10, v60;
	(erf) = vrcp.f32 v56  }
0x192: {  	v36 =	vmul.f32 v40, v36;
	v51 =	vmax.f32 v26, v51;
	v45 =	vmax.f32 v25, v59  }
0x193: {  	vm12 =	veq.s32 v29, v22;
	v29 =	vmovc v52;
	v55 =	vsub.f32 v55, v57;
	v56 =	vld [tilespmem:s0+$0xC300];
	(erf) = vrcp.f32 v42  }
0x194: {  	vm13 =	veq.s32 v28, v22;
	v37 =	vsel vm11, $0xCE6E6B28, v37;
	v28 =	vmovc v50;
	v46 =	vadd.f32 v46, v27  }
.Ltmp7:
0x195: {  	v48 =	vmin.f32 v23, v43;
	v43 =	vsub.f32 v49, v44;
	v52 =	vmax.f32 v26, v58;
	v40 =	vld [tilespmem:s0+$0xBF10];
	[tilespmem:s26+$0xCB20] =	vst v37;
	s26 =	smov.u32 s28;
	s28 =	smov.u32 s0;
	(pc) =	sbr.rel @p0 .LBB2_16-.Ltmp7, $4  }
0x196: {  	v31 =	vmax.f32 v31, v37;
	v49 =	vmax.f32 v53, $0.0e+00;
	v57 =	vmin.f32 v24, v41;
	v42 =	vld [tilespmem:s28+$0xB710]  }
0x197: {  	v31 =	vmax.f32 v31, v47;
	v50 =	vmax.f32 v55, $0.0e+00;
	v37 =	vmax.f32 v43, $0.0e+00;
	v41 =	vld [tilespmem:s26+$0xCB00]  }
0x198: {  	vm11 =	vgt.f32 v36, $5.000000000e-01;
	v53 =	vmax.f32 v54, $0.0e+00;
	v43 =	vmin.f32 v24, v56;
	v47 =	vld [tilespmem:s26+$0xCB30]  }
0x199: {  	s31 =	smov.u32 s1;
	v36 =	vmul.f32 v37, v53;
	v44 =	vsub.f32 v43, v52;
	v43 =	vsub.f32 v57, v51;
	v37 =	vld [tilespmem:s26+$0xCB20]  }
0x19a: {  	_ = 	snop  }
0x19b: {  	v24 =	vsub.f32 v48, v45;
	v23 =	vmin.f32 v23, v40;
	v25 =	vmax.f32 v25, v42  }
0x19c: {  	v26 =	vmul.f32 v50, v49;
	v23 =	vsub.f32 v23, v25  }
0x19d: {  	v61 =	vsub.f32 v46, v36;
	v27 =	vmax.f32 v44, $0.0e+00;
	v24 =	vmax.f32 v24, $0.0e+00  }
0x19e: {  	v62 =	vmax.f32 v43, $0.0e+00;
	v24 =	vmul.f32 v27, v24;
	v23 =	vmax.f32 v23, $0.0e+00  }
0x19f: {  	v38 =	vsub.f32 v38, v26;
	v23 =	vmul.f32 v62, v23  }
0x1a0: {  	v25 =	vadd.f32 $9.999999710e-10, v61;
	v63 =	vsub.f32 v32, v24  }
0x1a1: {  	v40 =	vadd.f32 $9.999999710e-10, v38;
	v33 =	vsub.f32 v33, v23  }
0x1a2: {  	(erf) = vrcp.f32 v25;
	v42 =	vadd.f32 $9.999999710e-10, v63  }
0x1a3: {  	v43 =	vpop (erf);
	(erf) = vrcp.f32 v40;
	v44 =	vadd.f32 $9.999999710e-10, v33  }
0x1a4: {  	v45 =	vld [tilespmem:s26+$0xCB10];
	v46 =	vpop (erf);
	v27 =	vmul.f32 v43, v34;
	(erf) = vrcp.f32 v42  }
0x1a5: {  	vm14 =	vgt.f32 v39, $5.000000000e-01;
	v48 =	vmul.f32 v46, v35;
	(erf) = vrcp.f32 v44  }
0x1a6: {  	vm12 =	vmor vm12, vm14;
	vm14 =	vgt.f32 v27, $5.000000000e-01  }
0x1a7: {  	v49 =	vsel vm12, $0xCE6E6B28, v47;
	vm12 =	vgt.f32 v48, $5.000000000e-01;
	vm10 =	vmor vm10, vm14  }
0x1a8: {  	[tilespmem:s26+$0xCB30] =	vst v49;
	vm9 =	vmor vm9, vm12;
	v50 =	vsel vm10, $0xCE6E6B28, v41  }
0x1a9: {  	vm10 =	vmor vm13, vm11;
	v51 =	vsel vm9, $0xCE6E6B28, v45;
	[tilespmem:s26+$0xCB00] =	vst v50  }
0x1aa: {  	s0 =	sadd.s32 $0x10, s30;
	[tilespmem:s26+$0xCB10] =	vst v51;
	v52 =	vsel vm10, $0xCE6E6B28, v37  }
0x1ab: {  	v54 =	vor.u32 s0, v4;
	[tilespmem:s26+$0xCB20] =	vst v52;
	v53 =	vpop (erf)  }
0x1ac: {  	vm12 =	veq.s32 v28, v22;
	vm9 =	veq.s32 v54, v22;
	v25 =	vmax.f32 v31, v50;
	v56 =	vld [tilespmem:s28+$0xCB30];
	v55 =	vpop (erf)  }
0x1ad: {  	vm11 =	veq.s32 v29, v22;
	v25 =	vmax.f32 v25, v51;
	v58 =	vld [tilespmem:s28+$0xCB00];
	v26 =	vmul.f32 v55, v26;
	v59 =	vpop (erf)  }
0x1ae: {  	vm10 =	veq.s32 v30, v22;
	v22 =	vld [tilespmem:s28+$0xCB10];
	v25 =	vmax.f32 v25, v52;
	v24 =	vmul.f32 v59, v24;
	v60 =	vpop (erf)  }
0x1af: {  	v61 =	vld [tilespmem:s28+$0xCB20];
	v25 =	vmax.f32 v25, v49;
	vm13 =	vgt.f32 v26, $5.000000000e-01;
	v23 =	vmul.f32 v60, v23  }
0x1b0: {  	s25 =	sadd.s32 $0x1, s25;
	v57 =	vmul.f32 v53, v36;
	vm11 =	vmor vm11, vm13;
	vm13 =	vgt.f32 v24, $5.000000000e-01  }
0x1b1: {  	p0 =	sne.s32 s25, $0x64;
	v62 =	vsel vm11, $0xCE6E6B28, v56;
	vm10 =	vmor vm10, vm13;
	vm11 =	vgt.f32 v23, $5.000000000e-01  }
.Ltmp8:
0x1b2: {  	vm13 =	vgt.f32 v57, $5.000000000e-01;
	v23 =	vsel vm10, $0xCE6E6B28, v58;
	vm9 =	vmor vm9, vm11;
	(pc) =	sbr.rel @p0 .LBB2_13-.Ltmp8, $4  }
0x1b3: {  	[tilespmem:s28+$0xCB30] =	vst v62;
	vm10 =	vmor vm12, vm13;
	v25 =	vmax.f32 v25, v23;
	v22 =	vsel vm9, $0xCE6E6B28, v22  }
0x1b4: {  	[tilespmem:s28+$0xCB00] =	vst v23;
	v63 =	vsel vm10, $0xCE6E6B28, v61;
	v23 =	vmax.f32 v25, v22  }
0x1b5: {  	[tilespmem:s28+$0xCB10] =	vst v22;
	v22 =	vmax.f32 v23, v63  }
0x1b6: {  	[tilespmem:s28+$0xCB20] =	vst v63;
	v22 =	vmax.f32 v22, v62  }
0x1b7: {  	s24 =	sadd.s32 $0x1, s24  }
0x1b8: {  	p0 =	sne.s32 s24, s7  }
.Ltmp9:
0x1b9: {  	s0 =	simm.s32 $0x0;
	(pc) =	sbr.rel @p0 .LBB2_2-.Ltmp9, $4  }
0x1ba: {  	[hbm4b:s6+s0] =	stream.linear.scatter [tilespmem:s23], [sflag:$0x1], $0x640, $0x38;
	[tilespmem:$0xD9E0] =	vst v63  }
0x1bb: {  	_ =	swait.ge [sflag:s8], $0x640  }
0x1bc: {  	[sflag:s8] =	ssyncset.done $0x0  }
0x1bd: {  	[sflag:s8] =	ssyncadd.s32 $0xFFFFF9C0  }
.LBB2_19:
0x1be: {  	_ =	sfence.sel $0x180000  }
0x1bf: {  	[bflag:$0x0] =	sbarrier.arrive $0xFFFF  }
0x1c0: {  	_ =	strace $0x90000047  }
0x1c1: {  	s0 =	stileid.u32;
	[bflag:$0x2] =	sbarrier.arrive $0xFFFF  }
0x1c2: {  	p0 =	sne.s32 s0, $0x0;
	s0 =	rddreg [dreg:$0x2]  }
0x1c3: {  	s0 =	sadd.s32 @!p0 $0x100000, s0  }
0x1c4: {  	[sflag:s0] =	ssyncadd.tile.s32 @!p0 $0x1;
	_ =	shalt  }
.Lfunc_end2:
_tile_overlayer_lowered:
.L_overlay_start_2:
0x1c5: {  	(tag) =	ssettag $0x2  }
0x1c6: {  	s0 =	rddreg [dreg:$0x0];
	s2 =	stileid.u32  }
0x1c7: {  	s1 =	rddreg [dreg:$0x1];
	p0 =	sne.s32 s2, $0x0  }
0x1c8: {  	s3 =	rddreg [dreg:$0x2];
	[bflag:$0x3] =	sbarrier.arrive $0xFFFF;
	s2 =	simm.s32 @!p0 $0x1C01  }
0x1c9: {  	[timem:s3], [sflag:s2] =	dma.local @!p0 [hbm:s0], s1  }
0x1ca: {  	s0 =	simm.s32 @!p0 $0x1  }
0x1cb: {  	_ =	swait.ge @!p0 [sflag:s0], s1  }
0x1cc: {  	s1 =	ssub.s32 @!p0 $0x0, s1;
	[sflag:s0] =	ssyncset.done @!p0 $0x0  }
0x1cd: {  	[sflag:s0] =	ssyncadd.s32 @!p0 s1  }
0x1ce: {  	[bflag:$0x3] =	sbarrier.arrive $0xFFFF  }
0x1cf: {  	_ =	shalt  }

</sc_bundles>
